<compile_context>
chip_gen: v7x
topology: tpu7x:2x2x1
jax: 0.10.2.dev20260603
libtpu: 0.0.44.dev20260713+nightly
codegen_flags: <defaults>
</compile_context>

<pallas_src>
import functools
import math

import numpy as np
import jax
import jax.numpy as jnp
from jax import lax
from jax.experimental import pallas as pl
from jax.experimental.pallas import tpu as pltpu
from jax.experimental.pallas import tpu_sc as plsc

DIM = 128
BITS = 4
EPS = 1e-08
L = 16
VPR = DIM // L
NC, NS = 2, 16
NW = NC * NS


def _lm_centroids(bits, iters=100):
    n = 2 ** bits
    xs = np.linspace(-8.0, 8.0, 200001)
    pdf = np.exp(-0.5 * xs ** 2)
    cdf = np.cumsum(pdf)
    cdf = cdf / cdf[-1]
    c = np.interp((np.arange(n) + 0.5) / n, cdf, xs)
    for _ in range(iters):
        b = 0.5 * (c[:-1] + c[1:])
        idx = np.searchsorted(b, xs)
        num = np.bincount(idx, weights=pdf * xs, minlength=n)
        den = np.bincount(idx, weights=pdf, minlength=n)
        c = np.where(den > 1e-12, num / np.maximum(den, 1e-12), c)
    return c.astype(np.float32)


_CEN = _lm_centroids(BITS)
_BND = (0.5 * (_CEN[:-1] + _CEN[1:])).astype(np.float32)
_BND16 = np.concatenate([_BND, [np.float32(np.inf)]])
_MAXC = float(_CEN.max())
_SGN = (np.random.RandomState(42).randint(0, 2, (1, DIM)) * 2 - 1).astype(
    np.float32)[0]
_S = 1.0 / math.sqrt(float(DIM))

_CONSTS = np.concatenate(
    [_CEN, _BND16, (_SGN * np.float32(_S)).astype(np.float32)]
).astype(np.float32)

_GDN = lax.GatherDimensionNumbers(
    offset_dims=(), collapsed_slice_dims=(0,), start_index_map=(0,))


def _dg(vec, idx):
    return lax.gather(vec, idx[:, None], _GDN, (1,),
                      mode=lax.GatherScatterMode.PROMISE_IN_BOUNDS)


def _lane_sum(v):
    lane = lax.iota(jnp.int32, L)
    for h in (1, 2, 4, 8):
        v = v + _dg(v, lane ^ h)
    return v


def _lane_max(v):
    lane = lax.iota(jnp.int32, L)
    for h in (1, 2, 4, 8):
        v = jnp.maximum(v, _dg(v, lane ^ h))
    return v


def _fwht_regs(v):
    lane = lax.iota(jnp.int32, L)
    for h in (1, 2, 4, 8):
        perm = lane ^ h
        pm = jnp.where((lane & h) == 0, 1.0, -1.0).astype(jnp.float32)
        v = [_dg(x, perm) + pm * x for x in v]
    for hb in (1, 2, 4):
        nv = list(v)
        for j in range(VPR):
            if j & hb == 0:
                nv[j] = v[j] + v[j ^ hb]
            else:
                nv[j] = v[j ^ hb] - v[j]
        v = nv
    return v


def _quant_pass(u, bs, cvec, keep):
    recon = [] if keep else None
    num_acc = None
    den_acc = None
    for j in range(VPR):
        idx = jnp.zeros((L,), jnp.int32)
        for stp in (8, 4, 2, 1):
            bv = _dg(bs, idx + (stp - 1))
            idx = idx + jnp.where(bv < u[j], stp, 0).astype(jnp.int32)
        r = _dg(cvec, idx)
        if keep:
            recon.append(r)
        nj = u[j] * r
        dj = r * r
        num_acc = nj if num_acc is None else num_acc + nj
        den_acc = dj if den_acc is None else den_acc + dj
    return recon, _lane_sum(num_acc), _lane_sum(den_acc)


_H = np.ones((1, 1), np.float32)
for _ in range(7):
    _H = np.block([[_H, _H], [_H, -_H]])
_M = (np.diag(_SGN) @ _H * np.float32(_S)).astype(np.float32)
_SQD = float(math.sqrt(float(DIM)))


def _tc_recon(un, d):
    r = jnp.full(un.shape, float(_CEN[0]), jnp.float32)
    for k in range(15):
        r = r + jnp.where(un > float(_BND[k]) * d,
                          float(_CEN[k + 1] - _CEN[k]), 0.0)
    return r


def _tc_body(x_ref, m_ref, o_ref):
    xt = x_ref[...]
    m = m_ref[...]
    u = jnp.dot(xt, m, preferred_element_type=jnp.float32,
                precision=lax.Precision.HIGHEST)
    au = jnp.abs(u)
    maxu = jnp.max(au, axis=-1, keepdims=True)
    sumau = jnp.sum(au, axis=-1, keepdims=True)
    t = EPS * (maxu * _SQD + EPS)
    grms = maxu * (1.0 / _MAXC)
    d1 = grms + t
    r1 = _tc_recon(u, d1)
    num1 = jnp.sum(u * r1, axis=-1, keepdims=True)
    den1 = jnp.sum(r1 * r1, axis=-1, keepdims=True)
    d2 = num1 / (den1 + EPS) + t
    spiky = maxu > 5.0 * (sumau * (1.0 / DIM) + t)
    df = jnp.where(spiky, d1, d2)
    rf = _tc_recon(u, df)
    num2 = jnp.sum(u * rf, axis=-1, keepdims=True)
    den2 = jnp.sum(rf * rf, axis=-1, keepdims=True)
    gain = jnp.where(spiky, grms, num2 / (den2 + EPS))
    w = jnp.dot(rf, m.T, preferred_element_type=jnp.float32,
                precision=lax.Precision.HIGHEST)
    o_ref[...] = w * gain


def _make_tc_call(rows, tile):
    grid = rows // tile
    return pl.pallas_call(
        _tc_body,
        grid=(grid,),
        in_specs=[
            pl.BlockSpec((tile, DIM), lambda i: (i, 0)),
            pl.BlockSpec((DIM, DIM), lambda i: (0, 0)),
        ],
        out_specs=pl.BlockSpec((tile, DIM), lambda i: (i, 0)),
        out_shape=jax.ShapeDtypeStruct((rows, DIM), jnp.float32),
    )


def _make_sc_call(rows, ch, interpret=False):
    rpw = rows // NW
    nch = rpw // ch
    mesh = plsc.VectorSubcoreMesh(core_axis_name="c", subcore_axis_name="s",
                                  num_cores=NC, num_subcores=NS)

    @functools.partial(
        pl.kernel,
        out_type=jax.ShapeDtypeStruct((rows * DIM,), jnp.float32),
        mesh=mesh,
        scratch_types=[
            pltpu.VMEM((_CONSTS.size,), jnp.float32),
            pltpu.VMEM((ch * DIM,), jnp.float32),
            pltpu.VMEM((ch * DIM,), jnp.float32),
        ],
        interpret=interpret,
    )
    def sc_fn(x_hbm, c_hbm, o_hbm, cbuf, inb, outb):
        wid = lax.axis_index("s") * NC + lax.axis_index("c")
        base = wid * rpw * DIM

        pltpu.sync_copy(c_hbm, cbuf)
        cvec = cbuf[pl.ds(0, L)]
        bvec = cbuf[pl.ds(L, L)]
        sgn_s = [cbuf[pl.ds(2 * L + L * j, L)] for j in range(VPR)]

        def row_body(i, carry):
            ro = i * DIM
            v = [inb[pl.ds(ro + L * j, L)] for j in range(VPR)]
            u = _fwht_regs([v[j] * sgn_s[j] for j in range(VPR)])
            au = [jnp.abs(t) for t in u]
            mx = au[0]
            sa = au[0]
            for j in range(1, VPR):
                mx = jnp.maximum(mx, au[j])
                sa = sa + au[j]
            maxu = _lane_max(mx)
            sumau = _lane_sum(sa)

            t = EPS * (maxu * math.sqrt(float(DIM)) + EPS)
            grms = maxu * (1.0 / _MAXC)
            d1 = grms + t
            _, num1, den1 = _quant_pass(u, bvec * d1, cvec, keep=False)
            g1p = num1 / (den1 + EPS)
            d2 = g1p + t
            spiky = maxu > 5.0 * (sumau * (1.0 / DIM) + t)
            df = jnp.where(spiky, d1, d2)
            rec, num2, den2 = _quant_pass(u, bvec * df, cvec, keep=True)
            gain = jnp.where(spiky, grms, num2 / (den2 + EPS))

            w = _fwht_regs(rec)
            for j in range(VPR):
                outb[pl.ds(ro + L * j, L)] = w[j] * sgn_s[j] * gain
            return carry

        def chunk_body(ci, carry):
            off = base + ci * (ch * DIM)
            pltpu.sync_copy(x_hbm.at[pl.ds(off, ch * DIM)], inb)
            lax.fori_loop(0, ch, row_body, 0)
            pltpu.sync_copy(outb, o_hbm.at[pl.ds(off, ch * DIM)])
            return carry

        lax.fori_loop(0, nch, chunk_body, 0)

    return sc_fn


def kernel(x):
    shape = x.shape
    rows = x.size // DIM
    xf = x.astype(jnp.float32).reshape(rows, DIM)
    rows_sc = (rows * 15 // 32) // (NW * 64) * (NW * 64)
    if rows_sc == 0:
        rows_sc = rows
    rpw = rows_sc // NW
    ch = 64 if rpw % 64 == 0 else rpw
    rows_tc = rows - rows_sc
    out_tc = None
    if rows_tc:
        tile = 1024 if rows_tc % 1024 == 0 else rows_tc
        out_tc = _make_tc_call(rows_tc, tile)(xf[rows_sc:], jnp.asarray(_M))
    out_sc = _make_sc_call(rows_sc, ch)(
        xf[:rows_sc].reshape(-1), jnp.asarray(_CONSTS))
    parts = [out_sc.reshape(rows_sc, DIM)]
    if out_tc is not None:
        parts.append(out_tc)
    out = jnp.concatenate(parts, axis=0) if len(parts) > 1 else parts[0]
    return out.reshape(shape)

# --- scband reference (transcript-rebuilt; emitter-appended) ---
"""Pipeline reference for scband-turbo-quant-mse-63797444215185 (READ-ONLY COPY).

The authoritative reference and input builder live on the scoring server;
editing this copy changes nothing except your own understanding.
"""

import jax, jax.numpy as jnp
import numpy as np

DIM = 128
BITS = 4
BLOCK = 128
NPASS = 1
EPS = 1e-08

def _lloyd_max_centroids(bits, iters=100):
    n = 2 ** bits
    xs = np.linspace(-8.0, 8.0, 200001)
    pdf = np.exp(-0.5 * xs ** 2)
    cdf = np.cumsum(pdf)
    cdf = cdf / cdf[-1]
    c = np.interp((np.arange(n) + 0.5) / n, cdf, xs)
    for _ in range(iters):
        b = 0.5 * (c[:-1] + c[1:])
        idx = np.searchsorted(b, xs)
        num = np.bincount(idx, weights=pdf * xs, minlength=n)
        den = np.bincount(idx, weights=pdf, minlength=n)
        c = np.where(den > 1e-12, num / np.maximum(den, 1e-12), c)
    return c.astype(np.float32)

_CENTROIDS = _lloyd_max_centroids(BITS)
_BOUNDARIES = (0.5 * (_CENTROIDS[:-1] + _CENTROIDS[1:])).astype(np.float32)
_MAX_C = float(_CENTROIDS.max())
_SIGNS = (np.random.RandomState(42).randint(0, 2, (NPASS, BLOCK)) * 2 - 1).astype(np.float32)

def _fwht(x):
    n = x.shape[-1]
    rows = x.reshape(-1, n)
    h = 1
    while h < n:
        xr = rows.reshape(-1, n // (2 * h), 2, h)
        a = xr[:, :, 0, :]
        b = xr[:, :, 1, :]
        rows = jnp.stack([a + b, a - b], axis=2).reshape(-1, n)
        h *= 2
    return rows.reshape(x.shape)

def _rotate(x, signs):
    s = 1.0 / jnp.sqrt(jnp.float32(BLOCK))
    for p in range(NPASS):
        x = _fwht(x * signs[p]) * s
    return x

def _rotate_inv(x, signs):
    s = 1.0 / jnp.sqrt(jnp.float32(BLOCK))
    for p in reversed(range(NPASS)):
        x = _fwht(x) * s * signs[p]
    return x

def setup_inputs(seed: int = 0):
    key = jax.random.key(seed)
    x = jax.random.normal(key, (16, 4096, 128), dtype=jnp.float32)
    return {"x": x}

def reference(x):
    signs = jnp.asarray(_SIGNS)
    centroids = jnp.asarray(_CENTROIDS)
    boundaries = jnp.asarray(_BOUNDARIES)
    shape = x.shape[:-1]
    xf = x.astype(jnp.float32)
    xr = xf.reshape(-1, BLOCK)
    vec_norms = jnp.sqrt(jnp.sum(xr * xr, axis=-1, keepdims=True)) + EPS
    x_unit = xr / vec_norms
    x_rot = _rotate(x_unit, signs)
    x_rot_max = jnp.max(jnp.abs(x_rot), axis=-1, keepdims=True)
    rms_scales = x_rot_max / _MAX_C
    x_norm1 = x_rot / (rms_scales + EPS)
    idx1 = jnp.searchsorted(boundaries, x_norm1).astype(jnp.int32)
    recon_u = centroids[idx1]
    num = jnp.sum(x_rot * recon_u, axis=-1, keepdims=True)
    den = jnp.sum(recon_u * recon_u, axis=-1, keepdims=True) + EPS
    gamma1 = num / den
    x_norm2 = x_rot / (gamma1 + EPS)
    idx2 = jnp.searchsorted(boundaries, x_norm2).astype(jnp.int32)
    recon_f = centroids[idx2]
    num_f = jnp.sum(x_rot * recon_f, axis=-1, keepdims=True)
    den_f = jnp.sum(recon_f * recon_f, axis=-1, keepdims=True) + EPS
    gamma2 = num_f / den_f
    x_rot_mean = jnp.mean(jnp.abs(x_rot), axis=-1, keepdims=True) + EPS
    is_spiky = (x_rot_max / x_rot_mean) > 5.0
    refined_gamma = jnp.where(is_spiky, rms_scales, gamma2)
    indices = jnp.where(is_spiky, idx1, idx2)
    recon = centroids[indices]
    x_rot_scaled = recon * refined_gamma
    x_unit_b = _rotate_inv(x_rot_scaled, signs)
    x_hat = x_unit_b * vec_norms
    return x_hat.reshape(shape + (DIM,))

if __name__ == "__main__":
    import jax
    _d = setup_inputs()
    print(jax.jit(kernel)(*tuple(_d.values())))

</pallas_src>

<mosaic_0001>
#map = affine_map<(d0, d1) -> (0)>
module attributes {stable_mosaic.version = 14 : i64} {
  func.func @sc_fn(%arg0: i32, %arg1: i32, %arg2: memref<3932160xf32, #tpu.memory_space<hbm>>, %arg3: memref<160xf32, #tpu.memory_space<hbm>>, %arg4: memref<3932160xf32, #tpu.memory_space<hbm>>, %arg5: memref<160xf32, #tpu.memory_space<vmem>>, %arg6: memref<8192xf32, #tpu.memory_space<vmem>>, %arg7: memref<8192xf32, #tpu.memory_space<vmem>>) attributes {dimension_semantics = [#tpu.dimension_semantics<core_parallel>, #tpu.dimension_semantics<subcore_parallel>], iteration_bounds = array<i64: 2, 16>, scalar_prefetch = 0 : i64, scratch_operands = 3 : i64, tpu.core_type = #tpu.core_type<sc_vector_subcore>, window_params = [{transform_indices = #map}, {transform_indices = #map}, {transform_indices = #map}]} {
    %mul3A = arith.constant 2 : i32
    %mul3A_0 = arith.muli %arg1, %mul3A : i32
    %add3A = arith.addi %mul3A_0, %arg0 : i32
    %mul3A_1 = arith.constant 960 : i32
    %mul3A_2 = arith.muli %add3A, %mul3A_1 : i32
    %mul3A_3 = arith.constant 128 : i32
    %mul3A_4 = arith.muli %mul3A_2, %mul3A_3 : i32
    "tpu.region"() ({
      %run_scoped3A = tpu.sem_alloc : memref<!tpu.dma_semaphore, #tpu.memory_space<semaphore_mem>>
      tpu.enqueue_dma source(%arg3 : memref<160xf32, #tpu.memory_space<hbm>>) target(%arg5 : memref<160xf32, #tpu.memory_space<vmem>>) target_semaphore(%run_scoped3A : memref<!tpu.dma_semaphore, #tpu.memory_space<semaphore_mem>>)
      tpu.wait_dma2 semaphore(%run_scoped3A : memref<!tpu.dma_semaphore, #tpu.memory_space<semaphore_mem>>) src(%arg3 : memref<160xf32, #tpu.memory_space<hbm>>) dst(%arg5 : memref<160xf32, #tpu.memory_space<vmem>>)
      tpu.yield
    }) : () -> ()
    %get3A = arith.constant 0 : index
    %get3A_5 = tpu.vector_load %arg5[%get3A] {strides = array<i32>} : memref<160xf32, #tpu.memory_space<vmem>>, vector<16xf32>,
    %get3A_6 = vector.shape_cast %get3A_5 : vector<16xf32> to vector<16xf32>
    %get3A_7 = arith.constant 16 : index
    %get3A_8 = tpu.vector_load %arg5[%get3A_7] {strides = array<i32>} : memref<160xf32, #tpu.memory_space<vmem>>, vector<16xf32>,
    %get3A_9 = vector.shape_cast %get3A_8 : vector<16xf32> to vector<16xf32>
    %get3A_10 = arith.constant 32 : index
    %get3A_11 = tpu.vector_load %arg5[%get3A_10] {strides = array<i32>} : memref<160xf32, #tpu.memory_space<vmem>>, vector<16xf32>,
    %get3A_12 = vector.shape_cast %get3A_11 : vector<16xf32> to vector<16xf32>
    %get3A_13 = arith.constant 48 : index
    %get3A_14 = tpu.vector_load %arg5[%get3A_13] {strides = array<i32>} : memref<160xf32, #tpu.memory_space<vmem>>, vector<16xf32>,
    %get3A_15 = vector.shape_cast %get3A_14 : vector<16xf32> to vector<16xf32>
    %get3A_16 = arith.constant 64 : index
    %get3A_17 = tpu.vector_load %arg5[%get3A_16] {strides = array<i32>} : memref<160xf32, #tpu.memory_space<vmem>>, vector<16xf32>,
    %get3A_18 = vector.shape_cast %get3A_17 : vector<16xf32> to vector<16xf32>
    %get3A_19 = arith.constant 80 : index
    %get3A_20 = tpu.vector_load %arg5[%get3A_19] {strides = array<i32>} : memref<160xf32, #tpu.memory_space<vmem>>, vector<16xf32>,
    %get3A_21 = vector.shape_cast %get3A_20 : vector<16xf32> to vector<16xf32>
    %get3A_22 = arith.constant 96 : index
    %get3A_23 = tpu.vector_load %arg5[%get3A_22] {strides = array<i32>} : memref<160xf32, #tpu.memory_space<vmem>>, vector<16xf32>,
    %get3A_24 = vector.shape_cast %get3A_23 : vector<16xf32> to vector<16xf32>
    %get3A_25 = arith.constant 112 : index
    %get3A_26 = tpu.vector_load %arg5[%get3A_25] {strides = array<i32>} : memref<160xf32, #tpu.memory_space<vmem>>, vector<16xf32>,
    %get3A_27 = vector.shape_cast %get3A_26 : vector<16xf32> to vector<16xf32>
    %get3A_28 = arith.constant 128 : index
    %get3A_29 = tpu.vector_load %arg5[%get3A_28] {strides = array<i32>} : memref<160xf32, #tpu.memory_space<vmem>>, vector<16xf32>,
    %get3A_30 = vector.shape_cast %get3A_29 : vector<16xf32> to vector<16xf32>
    %get3A_31 = arith.constant 144 : index
    %get3A_32 = tpu.vector_load %arg5[%get3A_31] {strides = array<i32>} : memref<160xf32, #tpu.memory_space<vmem>>, vector<16xf32>,
    %get3A_33 = vector.shape_cast %get3A_32 : vector<16xf32> to vector<16xf32>
    %scan3A = arith.constant 0 : i32
    %scan3A_34 = arith.constant 0 : i32
    %scan3A_35 = arith.constant 15 : i32
    %scan3A_36 = arith.addi %scan3A_34, %scan3A_35 : i32
    %scan3A_37 = arith.constant 1 : i32
    scf.for %scan3A_39 = %scan3A_34 to %scan3A_36 step %scan3A_37  : i32 {
      %mul3A_40 = arith.constant 8192 : i32
      %mul3A_41 = arith.muli %scan3A_39, %mul3A_40 : i32
      %add3A_42 = arith.addi %mul3A_4, %mul3A_41 : i32
      "tpu.region"() ({
        %run_scoped3A = tpu.sem_alloc : memref<!tpu.dma_semaphore, #tpu.memory_space<semaphore_mem>>
        %dma_start3A = tpu.memref_slice %arg2[%add3A_42] : memref<3932160xf32, #tpu.memory_space<hbm>> -> memref<8192xf32, #tpu.memory_space<hbm>>
        %dma_start3A_49 = tpu.memref_slice %arg2[%add3A_42] : memref<3932160xf32, #tpu.memory_space<hbm>> -> memref<8192xf32, #tpu.memory_space<hbm>>
        tpu.enqueue_dma source(%dma_start3A_49 : memref<8192xf32, #tpu.memory_space<hbm>>) target(%arg6 : memref<8192xf32, #tpu.memory_space<vmem>>) target_semaphore(%run_scoped3A : memref<!tpu.dma_semaphore, #tpu.memory_space<semaphore_mem>>)
        %dma_wait3A = tpu.memref_slice %arg2[%add3A_42] : memref<3932160xf32, #tpu.memory_space<hbm>> -> memref<8192xf32, #tpu.memory_space<hbm>>
        %dma_wait3A_50 = tpu.memref_slice %arg2[%add3A_42] : memref<3932160xf32, #tpu.memory_space<hbm>> -> memref<8192xf32, #tpu.memory_space<hbm>>
        tpu.wait_dma2 semaphore(%run_scoped3A : memref<!tpu.dma_semaphore, #tpu.memory_space<semaphore_mem>>) src(%dma_wait3A_50 : memref<8192xf32, #tpu.memory_space<hbm>>) dst(%arg6 : memref<8192xf32, #tpu.memory_space<vmem>>)
        tpu.yield
      }) : () -> ()
      %scan3A_43 = arith.constant 0 : i32
      %scan3A_44 = arith.constant 0 : i32
      %scan3A_45 = arith.constant 64 : i32
      %scan3A_46 = arith.addi %scan3A_44, %scan3A_45 : i32
      %scan3A_47 = arith.constant 1 : i32
      scf.for %scan3A_49 = %scan3A_44 to %scan3A_46 step %scan3A_47  : i32 {
        %mul3A_50 = arith.constant 128 : i32
        %mul3A_51 = arith.muli %scan3A_49, %mul3A_50 : i32
        %add3A_52 = arith.constant 0 : i32
        %add3A_53 = arith.addi %mul3A_51, %add3A_52 : i32
        %get3A_54 = arith.index_cast %add3A_53 : i32 to index
        %get3A_55 = tpu.vector_load %arg6[%get3A_54] {strides = array<i32>} : memref<8192xf32, #tpu.memory_space<vmem>>, vector<16xf32>,
        %get3A_56 = vector.shape_cast %get3A_55 : vector<16xf32> to vector<16xf32>
        %add3A_57 = arith.constant 16 : i32
        %add3A_58 = arith.addi %mul3A_51, %add3A_57 : i32
        %get3A_59 = arith.index_cast %add3A_58 : i32 to index
        %get3A_60 = tpu.vector_load %arg6[%get3A_59] {strides = array<i32>} : memref<8192xf32, #tpu.memory_space<vmem>>, vector<16xf32>,
        %get3A_61 = vector.shape_cast %get3A_60 : vector<16xf32> to vector<16xf32>
        %add3A_62 = arith.constant 32 : i32
        %add3A_63 = arith.addi %mul3A_51, %add3A_62 : i32
        %get3A_64 = arith.index_cast %add3A_63 : i32 to index
        %get3A_65 = tpu.vector_load %arg6[%get3A_64] {strides = array<i32>} : memref<8192xf32, #tpu.memory_space<vmem>>, vector<16xf32>,
        %get3A_66 = vector.shape_cast %get3A_65 : vector<16xf32> to vector<16xf32>
        %add3A_67 = arith.constant 48 : i32
        %add3A_68 = arith.addi %mul3A_51, %add3A_67 : i32
        %get3A_69 = arith.index_cast %add3A_68 : i32 to index
        %get3A_70 = tpu.vector_load %arg6[%get3A_69] {strides = array<i32>} : memref<8192xf32, #tpu.memory_space<vmem>>, vector<16xf32>,
        %get3A_71 = vector.shape_cast %get3A_70 : vector<16xf32> to vector<16xf32>
        %add3A_72 = arith.constant 64 : i32
        %add3A_73 = arith.addi %mul3A_51, %add3A_72 : i32
        %get3A_74 = arith.index_cast %add3A_73 : i32 to index
        %get3A_75 = tpu.vector_load %arg6[%get3A_74] {strides = array<i32>} : memref<8192xf32, #tpu.memory_space<vmem>>, vector<16xf32>,
        %get3A_76 = vector.shape_cast %get3A_75 : vector<16xf32> to vector<16xf32>
        %add3A_77 = arith.constant 80 : i32
        %add3A_78 = arith.addi %mul3A_51, %add3A_77 : i32
        %get3A_79 = arith.index_cast %add3A_78 : i32 to index
        %get3A_80 = tpu.vector_load %arg6[%get3A_79] {strides = array<i32>} : memref<8192xf32, #tpu.memory_space<vmem>>, vector<16xf32>,
        %get3A_81 = vector.shape_cast %get3A_80 : vector<16xf32> to vector<16xf32>
        %add3A_82 = arith.constant 96 : i32
        %add3A_83 = arith.addi %mul3A_51, %add3A_82 : i32
        %get3A_84 = arith.index_cast %add3A_83 : i32 to index
        %get3A_85 = tpu.vector_load %arg6[%get3A_84] {strides = array<i32>} : memref<8192xf32, #tpu.memory_space<vmem>>, vector<16xf32>,
        %get3A_86 = vector.shape_cast %get3A_85 : vector<16xf32> to vector<16xf32>
        %add3A_87 = arith.constant 112 : i32
        %add3A_88 = arith.addi %mul3A_51, %add3A_87 : i32
        %get3A_89 = arith.index_cast %add3A_88 : i32 to index
        %get3A_90 = tpu.vector_load %arg6[%get3A_89] {strides = array<i32>} : memref<8192xf32, #tpu.memory_space<vmem>>, vector<16xf32>,
        %get3A_91 = vector.shape_cast %get3A_90 : vector<16xf32> to vector<16xf32>
        %mul3A_92 = arith.mulf %get3A_56, %get3A_12 : vector<16xf32>
        %mul3A_93 = arith.mulf %get3A_61, %get3A_15 : vector<16xf32>
        %mul3A_94 = arith.mulf %get3A_66, %get3A_18 : vector<16xf32>
        %mul3A_95 = arith.mulf %get3A_71, %get3A_21 : vector<16xf32>
        %mul3A_96 = arith.mulf %get3A_76, %get3A_24 : vector<16xf32>
        %mul3A_97 = arith.mulf %get3A_81, %get3A_27 : vector<16xf32>
        %mul3A_98 = arith.mulf %get3A_86, %get3A_30 : vector<16xf32>
        %mul3A_99 = arith.mulf %get3A_91, %get3A_33 : vector<16xf32>
        %iota3A = tpu.iota {dimensions = array<i32: 0>} : vector<16xi32>
        %xor3A = arith.constant 1 : i32
        %xor3A_100 = vector.broadcast %xor3A : i32 to vector<16xi32>
        %xor3A_101 = arith.xori %iota3A, %xor3A_100 : vector<16xi32>
        %and3A = arith.constant 1 : i32
        %and3A_102 = vector.broadcast %and3A : i32 to vector<16xi32>
        %and3A_103 = arith.andi %iota3A, %and3A_102 : vector<16xi32>
        %eq3A = arith.constant 0 : i32
        %eq3A_104 = vector.broadcast %eq3A : i32 to vector<16xi32>
        %eq3A_105 = arith.cmpi eq, %and3A_103, %eq3A_104 : vector<16xi32>
        %jit3A = arith.constant 1.000000e+00 : f32
        %jit3A_106 = arith.constant -1.000000e+00 : f32
        %broadcast_in_dim3A = vector.broadcast %jit3A : f32 to vector<16xf32>
        %broadcast_in_dim3A_107 = vector.broadcast %jit3A_106 : f32 to vector<16xf32>
        %select_n3A = arith.select %eq3A_105, %broadcast_in_dim3A, %broadcast_in_dim3A_107 : vector<16xi1>, vector<16xf32>
        %broadcast_in_dim3A_108 = vector.shape_cast %xor3A_101 : vector<16xi32> to vector<16x1xi32>
        %gather3A = vector.shape_cast %broadcast_in_dim3A_108 : vector<16x1xi32> to vector<16xi32>
        %gather3A_109 = tpu.dynamic_gather %mul3A_92[%gather3A] in [0] : vector<16xf32>, vector<16xi32> -> vector<16xf32>
        %mul3A_110 = arith.mulf %select_n3A, %mul3A_92 : vector<16xf32>
        %add3A_111 = arith.addf %gather3A_109, %mul3A_110 : vector<16xf32>
        %broadcast_in_dim3A_112 = vector.shape_cast %xor3A_101 : vector<16xi32> to vector<16x1xi32>
        %gather3A_113 = vector.shape_cast %broadcast_in_dim3A_112 : vector<16x1xi32> to vector<16xi32>
        %gather3A_114 = tpu.dynamic_gather %mul3A_93[%gather3A_113] in [0] : vector<16xf32>, vector<16xi32> -> vector<16xf32>
        %mul3A_115 = arith.mulf %select_n3A, %mul3A_93 : vector<16xf32>
        %add3A_116 = arith.addf %gather3A_114, %mul3A_115 : vector<16xf32>
        %broadcast_in_dim3A_117 = vector.shape_cast %xor3A_101 : vector<16xi32> to vector<16x1xi32>
        %gather3A_118 = vector.shape_cast %broadcast_in_dim3A_117 : vector<16x1xi32> to vector<16xi32>
        %gather3A_119 = tpu.dynamic_gather %mul3A_94[%gather3A_118] in [0] : vector<16xf32>, vector<16xi32> -> vector<16xf32>
        %mul3A_120 = arith.mulf %select_n3A, %mul3A_94 : vector<16xf32>
        %add3A_121 = arith.addf %gather3A_119, %mul3A_120 : vector<16xf32>
        %broadcast_in_dim3A_122 = vector.shape_cast %xor3A_101 : vector<16xi32> to vector<16x1xi32>
        %gather3A_123 = vector.shape_cast %broadcast_in_dim3A_122 : vector<16x1xi32> to vector<16xi32>
        %gather3A_124 = tpu.dynamic_gather %mul3A_95[%gather3A_123] in [0] : vector<16xf32>, vector<16xi32> -> vector<16xf32>
        %mul3A_125 = arith.mulf %select_n3A, %mul3A_95 : vector<16xf32>
        %add3A_126 = arith.addf %gather3A_124, %mul3A_125 : vector<16xf32>
        %broadcast_in_dim3A_127 = vector.shape_cast %xor3A_101 : vector<16xi32> to vector<16x1xi32>
        %gather3A_128 = vector.shape_cast %broadcast_in_dim3A_127 : vector<16x1xi32> to vector<16xi32>
        %gather3A_129 = tpu.dynamic_gather %mul3A_96[%gather3A_128] in [0] : vector<16xf32>, vector<16xi32> -> vector<16xf32>
        %mul3A_130 = arith.mulf %select_n3A, %mul3A_96 : vector<16xf32>
        %add3A_131 = arith.addf %gather3A_129, %mul3A_130 : vector<16xf32>
        %broadcast_in_dim3A_132 = vector.shape_cast %xor3A_101 : vector<16xi32> to vector<16x1xi32>
        %gather3A_133 = vector.shape_cast %broadcast_in_dim3A_132 : vector<16x1xi32> to vector<16xi32>
        %gather3A_134 = tpu.dynamic_gather %mul3A_97[%gather3A_133] in [0] : vector<16xf32>, vector<16xi32> -> vector<16xf32>
        %mul3A_135 = arith.mulf %select_n3A, %mul3A_97 : vector<16xf32>
        %add3A_136 = arith.addf %gather3A_134, %mul3A_135 : vector<16xf32>
        %broadcast_in_dim3A_137 = vector.shape_cast %xor3A_101 : vector<16xi32> to vector<16x1xi32>
        %gather3A_138 = vector.shape_cast %broadcast_in_dim3A_137 : vector<16x1xi32> to vector<16xi32>
        %gather3A_139 = tpu.dynamic_gather %mul3A_98[%gather3A_138] in [0] : vector<16xf32>, vector<16xi32> -> vector<16xf32>
        %mul3A_140 = arith.mulf %select_n3A, %mul3A_98 : vector<16xf32>
        %add3A_141 = arith.addf %gather3A_139, %mul3A_140 : vector<16xf32>
        %broadcast_in_dim3A_142 = vector.shape_cast %xor3A_101 : vector<16xi32> to vector<16x1xi32>
        %gather3A_143 = vector.shape_cast %broadcast_in_dim3A_142 : vector<16x1xi32> to vector<16xi32>
        %gather3A_144 = tpu.dynamic_gather %mul3A_99[%gather3A_143] in [0] : vector<16xf32>, vector<16xi32> -> vector<16xf32>
        %mul3A_145 = arith.mulf %select_n3A, %mul3A_99 : vector<16xf32>
        %add3A_146 = arith.addf %gather3A_144, %mul3A_145 : vector<16xf32>
        %xor3A_147 = arith.constant 2 : i32
        %xor3A_148 = vector.broadcast %xor3A_147 : i32 to vector<16xi32>
        %xor3A_149 = arith.xori %iota3A, %xor3A_148 : vector<16xi32>
        %and3A_150 = arith.constant 2 : i32
        %and3A_151 = vector.broadcast %and3A_150 : i32 to vector<16xi32>
        %and3A_152 = arith.andi %iota3A, %and3A_151 : vector<16xi32>
        %eq3A_153 = arith.constant 0 : i32
        %eq3A_154 = vector.broadcast %eq3A_153 : i32 to vector<16xi32>
        %eq3A_155 = arith.cmpi eq, %and3A_152, %eq3A_154 : vector<16xi32>
        %jit3A_156 = arith.constant 1.000000e+00 : f32
        %jit3A_157 = arith.constant -1.000000e+00 : f32
        %broadcast_in_dim3A_158 = vector.broadcast %jit3A_156 : f32 to vector<16xf32>
        %broadcast_in_dim3A_159 = vector.broadcast %jit3A_157 : f32 to vector<16xf32>
        %select_n3A_160 = arith.select %eq3A_155, %broadcast_in_dim3A_158, %broadcast_in_dim3A_159 : vector<16xi1>, vector<16xf32>
        %broadcast_in_dim3A_161 = vector.shape_cast %xor3A_149 : vector<16xi32> to vector<16x1xi32>
        %gather3A_162 = vector.shape_cast %broadcast_in_dim3A_161 : vector<16x1xi32> to vector<16xi32>
        %gather3A_163 = tpu.dynamic_gather %add3A_111[%gather3A_162] in [0] : vector<16xf32>, vector<16xi32> -> vector<16xf32>
        %mul3A_164 = arith.mulf %select_n3A_160, %add3A_111 : vector<16xf32>
        %add3A_165 = arith.addf %gather3A_163, %mul3A_164 : vector<16xf32>
        %broadcast_in_dim3A_166 = vector.shape_cast %xor3A_149 : vector<16xi32> to vector<16x1xi32>
        %gather3A_167 = vector.shape_cast %broadcast_in_dim3A_166 : vector<16x1xi32> to vector<16xi32>
        %gather3A_168 = tpu.dynamic_gather %add3A_116[%gather3A_167] in [0] : vector<16xf32>, vector<16xi32> -> vector<16xf32>
        %mul3A_169 = arith.mulf %select_n3A_160, %add3A_116 : vector<16xf32>
        %add3A_170 = arith.addf %gather3A_168, %mul3A_169 : vector<16xf32>
        %broadcast_in_dim3A_171 = vector.shape_cast %xor3A_149 : vector<16xi32> to vector<16x1xi32>
        %gather3A_172 = vector.shape_cast %broadcast_in_dim3A_171 : vector<16x1xi32> to vector<16xi32>
        %gather3A_173 = tpu.dynamic_gather %add3A_121[%gather3A_172] in [0] : vector<16xf32>, vector<16xi32> -> vector<16xf32>
        %mul3A_174 = arith.mulf %select_n3A_160, %add3A_121 : vector<16xf32>
        %add3A_175 = arith.addf %gather3A_173, %mul3A_174 : vector<16xf32>
        %broadcast_in_dim3A_176 = vector.shape_cast %xor3A_149 : vector<16xi32> to vector<16x1xi32>
        %gather3A_177 = vector.shape_cast %broadcast_in_dim3A_176 : vector<16x1xi32> to vector<16xi32>
        %gather3A_178 = tpu.dynamic_gather %add3A_126[%gather3A_177] in [0] : vector<16xf32>, vector<16xi32> -> vector<16xf32>
        %mul3A_179 = arith.mulf %select_n3A_160, %add3A_126 : vector<16xf32>
        %add3A_180 = arith.addf %gather3A_178, %mul3A_179 : vector<16xf32>
        %broadcast_in_dim3A_181 = vector.shape_cast %xor3A_149 : vector<16xi32> to vector<16x1xi32>
        %gather3A_182 = vector.shape_cast %broadcast_in_dim3A_181 : vector<16x1xi32> to vector<16xi32>
        %gather3A_183 = tpu.dynamic_gather %add3A_131[%gather3A_182] in [0] : vector<16xf32>, vector<16xi32> -> vector<16xf32>
        %mul3A_184 = arith.mulf %select_n3A_160, %add3A_131 : vector<16xf32>
        %add3A_185 = arith.addf %gather3A_183, %mul3A_184 : vector<16xf32>
        %broadcast_in_dim3A_186 = vector.shape_cast %xor3A_149 : vector<16xi32> to vector<16x1xi32>
        %gather3A_187 = vector.shape_cast %broadcast_in_dim3A_186 : vector<16x1xi32> to vector<16xi32>
        %gather3A_188 = tpu.dynamic_gather %add3A_136[%gather3A_187] in [0] : vector<16xf32>, vector<16xi32> -> vector<16xf32>
        %mul3A_189 = arith.mulf %select_n3A_160, %add3A_136 : vector<16xf32>
        %add3A_190 = arith.addf %gather3A_188, %mul3A_189 : vector<16xf32>
        %broadcast_in_dim3A_191 = vector.shape_cast %xor3A_149 : vector<16xi32> to vector<16x1xi32>
        %gather3A_192 = vector.shape_cast %broadcast_in_dim3A_191 : vector<16x1xi32> to vector<16xi32>
        %gather3A_193 = tpu.dynamic_gather %add3A_141[%gather3A_192] in [0] : vector<16xf32>, vector<16xi32> -> vector<16xf32>
        %mul3A_194 = arith.mulf %select_n3A_160, %add3A_141 : vector<16xf32>
        %add3A_195 = arith.addf %gather3A_193, %mul3A_194 : vector<16xf32>
        %broadcast_in_dim3A_196 = vector.shape_cast %xor3A_149 : vector<16xi32> to vector<16x1xi32>
        %gather3A_197 = vector.shape_cast %broadcast_in_dim3A_196 : vector<16x1xi32> to vector<16xi32>
        %gather3A_198 = tpu.dynamic_gather %add3A_146[%gather3A_197] in [0] : vector<16xf32>, vector<16xi32> -> vector<16xf32>
        %mul3A_199 = arith.mulf %select_n3A_160, %add3A_146 : vector<16xf32>
        %add3A_200 = arith.addf %gather3A_198, %mul3A_199 : vector<16xf32>
        %xor3A_201 = arith.constant 4 : i32
        %xor3A_202 = vector.broadcast %xor3A_201 : i32 to vector<16xi32>
        %xor3A_203 = arith.xori %iota3A, %xor3A_202 : vector<16xi32>
        %and3A_204 = arith.constant 4 : i32
        %and3A_205 = vector.broadcast %and3A_204 : i32 to vector<16xi32>
        %and3A_206 = arith.andi %iota3A, %and3A_205 : vector<16xi32>
        %eq3A_207 = arith.constant 0 : i32
        %eq3A_208 = vector.broadcast %eq3A_207 : i32 to vector<16xi32>
        %eq3A_209 = arith.cmpi eq, %and3A_206, %eq3A_208 : vector<16xi32>
        %jit3A_210 = arith.constant 1.000000e+00 : f32
        %jit3A_211 = arith.constant -1.000000e+00 : f32
        %broadcast_in_dim3A_212 = vector.broadcast %jit3A_210 : f32 to vector<16xf32>
        %broadcast_in_dim3A_213 = vector.broadcast %jit3A_211 : f32 to vector<16xf32>
        %select_n3A_214 = arith.select %eq3A_209, %broadcast_in_dim3A_212, %broadcast_in_dim3A_213 : vector<16xi1>, vector<16xf32>
        %broadcast_in_dim3A_215 = vector.shape_cast %xor3A_203 : vector<16xi32> to vector<16x1xi32>
        %gather3A_216 = vector.shape_cast %broadcast_in_dim3A_215 : vector<16x1xi32> to vector<16xi32>
        %gather3A_217 = tpu.dynamic_gather %add3A_165[%gather3A_216] in [0] : vector<16xf32>, vector<16xi32> -> vector<16xf32>
        %mul3A_218 = arith.mulf %select_n3A_214, %add3A_165 : vector<16xf32>
        %add3A_219 = arith.addf %gather3A_217, %mul3A_218 : vector<16xf32>
        %broadcast_in_dim3A_220 = vector.shape_cast %xor3A_203 : vector<16xi32> to vector<16x1xi32>
        %gather3A_221 = vector.shape_cast %broadcast_in_dim3A_220 : vector<16x1xi32> to vector<16xi32>
        %gather3A_222 = tpu.dynamic_gather %add3A_170[%gather3A_221] in [0] : vector<16xf32>, vector<16xi32> -> vector<16xf32>
        %mul3A_223 = arith.mulf %select_n3A_214, %add3A_170 : vector<16xf32>
        %add3A_224 = arith.addf %gather3A_222, %mul3A_223 : vector<16xf32>
        %broadcast_in_dim3A_225 = vector.shape_cast %xor3A_203 : vector<16xi32> to vector<16x1xi32>
        %gather3A_226 = vector.shape_cast %broadcast_in_dim3A_225 : vector<16x1xi32> to vector<16xi32>
        %gather3A_227 = tpu.dynamic_gather %add3A_175[%gather3A_226] in [0] : vector<16xf32>, vector<16xi32> -> vector<16xf32>
        %mul3A_228 = arith.mulf %select_n3A_214, %add3A_175 : vector<16xf32>
        %add3A_229 = arith.addf %gather3A_227, %mul3A_228 : vector<16xf32>
        %broadcast_in_dim3A_230 = vector.shape_cast %xor3A_203 : vector<16xi32> to vector<16x1xi32>
        %gather3A_231 = vector.shape_cast %broadcast_in_dim3A_230 : vector<16x1xi32> to vector<16xi32>
        %gather3A_232 = tpu.dynamic_gather %add3A_180[%gather3A_231] in [0] : vector<16xf32>, vector<16xi32> -> vector<16xf32>
        %mul3A_233 = arith.mulf %select_n3A_214, %add3A_180 : vector<16xf32>
        %add3A_234 = arith.addf %gather3A_232, %mul3A_233 : vector<16xf32>
        %broadcast_in_dim3A_235 = vector.shape_cast %xor3A_203 : vector<16xi32> to vector<16x1xi32>
        %gather3A_236 = vector.shape_cast %broadcast_in_dim3A_235 : vector<16x1xi32> to vector<16xi32>
        %gather3A_237 = tpu.dynamic_gather %add3A_185[%gather3A_236] in [0] : vector<16xf32>, vector<16xi32> -> vector<16xf32>
        %mul3A_238 = arith.mulf %select_n3A_214, %add3A_185 : vector<16xf32>
        %add3A_239 = arith.addf %gather3A_237, %mul3A_238 : vector<16xf32>
        %broadcast_in_dim3A_240 = vector.shape_cast %xor3A_203 : vector<16xi32> to vector<16x1xi32>
        %gather3A_241 = vector.shape_cast %broadcast_in_dim3A_240 : vector<16x1xi32> to vector<16xi32>
        %gather3A_242 = tpu.dynamic_gather %add3A_190[%gather3A_241] in [0] : vector<16xf32>, vector<16xi32> -> vector<16xf32>
        %mul3A_243 = arith.mulf %select_n3A_214, %add3A_190 : vector<16xf32>
        %add3A_244 = arith.addf %gather3A_242, %mul3A_243 : vector<16xf32>
        %broadcast_in_dim3A_245 = vector.shape_cast %xor3A_203 : vector<16xi32> to vector<16x1xi32>
        %gather3A_246 = vector.shape_cast %broadcast_in_dim3A_245 : vector<16x1xi32> to vector<16xi32>
        %gather3A_247 = tpu.dynamic_gather %add3A_195[%gather3A_246] in [0] : vector<16xf32>, vector<16xi32> -> vector<16xf32>
        %mul3A_248 = arith.mulf %select_n3A_214, %add3A_195 : vector<16xf32>
        %add3A_249 = arith.addf %gather3A_247, %mul3A_248 : vector<16xf32>
        %broadcast_in_dim3A_250 = vector.shape_cast %xor3A_203 : vector<16xi32> to vector<16x1xi32>
        %gather3A_251 = vector.shape_cast %broadcast_in_dim3A_250 : vector<16x1xi32> to vector<16xi32>
        %gather3A_252 = tpu.dynamic_gather %add3A_200[%gather3A_251] in [0] : vector<16xf32>, vector<16xi32> -> vector<16xf32>
        %mul3A_253 = arith.mulf %select_n3A_214, %add3A_200 : vector<16xf32>
        %add3A_254 = arith.addf %gather3A_252, %mul3A_253 : vector<16xf32>
        %xor3A_255 = arith.constant 8 : i32
        %xor3A_256 = vector.broadcast %xor3A_255 : i32 to vector<16xi32>
        %xor3A_257 = arith.xori %iota3A, %xor3A_256 : vector<16xi32>
        %and3A_258 = arith.constant 8 : i32
        %and3A_259 = vector.broadcast %and3A_258 : i32 to vector<16xi32>
        %and3A_260 = arith.andi %iota3A, %and3A_259 : vector<16xi32>
        %eq3A_261 = arith.constant 0 : i32
        %eq3A_262 = vector.broadcast %eq3A_261 : i32 to vector<16xi32>
        %eq3A_263 = arith.cmpi eq, %and3A_260, %eq3A_262 : vector<16xi32>
        %jit3A_264 = arith.constant 1.000000e+00 : f32
        %jit3A_265 = arith.constant -1.000000e+00 : f32
        %broadcast_in_dim3A_266 = vector.broadcast %jit3A_264 : f32 to vector<16xf32>
        %broadcast_in_dim3A_267 = vector.broadcast %jit3A_265 : f32 to vector<16xf32>
        %select_n3A_268 = arith.select %eq3A_263, %broadcast_in_dim3A_266, %broadcast_in_dim3A_267 : vector<16xi1>, vector<16xf32>
        %broadcast_in_dim3A_269 = vector.shape_cast %xor3A_257 : vector<16xi32> to vector<16x1xi32>
        %gather3A_270 = vector.shape_cast %broadcast_in_dim3A_269 : vector<16x1xi32> to vector<16xi32>
        %gather3A_271 = tpu.dynamic_gather %add3A_219[%gather3A_270] in [0] : vector<16xf32>, vector<16xi32> -> vector<16xf32>
        %mul3A_272 = arith.mulf %select_n3A_268, %add3A_219 : vector<16xf32>
        %add3A_273 = arith.addf %gather3A_271, %mul3A_272 : vector<16xf32>
        %broadcast_in_dim3A_274 = vector.shape_cast %xor3A_257 : vector<16xi32> to vector<16x1xi32>
        %gather3A_275 = vector.shape_cast %broadcast_in_dim3A_274 : vector<16x1xi32> to vector<16xi32>
        %gather3A_276 = tpu.dynamic_gather %add3A_224[%gather3A_275] in [0] : vector<16xf32>, vector<16xi32> -> vector<16xf32>
        %mul3A_277 = arith.mulf %select_n3A_268, %add3A_224 : vector<16xf32>
        %add3A_278 = arith.addf %gather3A_276, %mul3A_277 : vector<16xf32>
        %broadcast_in_dim3A_279 = vector.shape_cast %xor3A_257 : vector<16xi32> to vector<16x1xi32>
        %gather3A_280 = vector.shape_cast %broadcast_in_dim3A_279 : vector<16x1xi32> to vector<16xi32>
        %gather3A_281 = tpu.dynamic_gather %add3A_229[%gather3A_280] in [0] : vector<16xf32>, vector<16xi32> -> vector<16xf32>
        %mul3A_282 = arith.mulf %select_n3A_268, %add3A_229 : vector<16xf32>
        %add3A_283 = arith.addf %gather3A_281, %mul3A_282 : vector<16xf32>
        %broadcast_in_dim3A_284 = vector.shape_cast %xor3A_257 : vector<16xi32> to vector<16x1xi32>
        %gather3A_285 = vector.shape_cast %broadcast_in_dim3A_284 : vector<16x1xi32> to vector<16xi32>
        %gather3A_286 = tpu.dynamic_gather %add3A_234[%gather3A_285] in [0] : vector<16xf32>, vector<16xi32> -> vector<16xf32>
        %mul3A_287 = arith.mulf %select_n3A_268, %add3A_234 : vector<16xf32>
        %add3A_288 = arith.addf %gather3A_286, %mul3A_287 : vector<16xf32>
        %broadcast_in_dim3A_289 = vector.shape_cast %xor3A_257 : vector<16xi32> to vector<16x1xi32>
        %gather3A_290 = vector.shape_cast %broadcast_in_dim3A_289 : vector<16x1xi32> to vector<16xi32>
        %gather3A_291 = tpu.dynamic_gather %add3A_239[%gather3A_290] in [0] : vector<16xf32>, vector<16xi32> -> vector<16xf32>
        %mul3A_292 = arith.mulf %select_n3A_268, %add3A_239 : vector<16xf32>
        %add3A_293 = arith.addf %gather3A_291, %mul3A_292 : vector<16xf32>
        %broadcast_in_dim3A_294 = vector.shape_cast %xor3A_257 : vector<16xi32> to vector<16x1xi32>
        %gather3A_295 = vector.shape_cast %broadcast_in_dim3A_294 : vector<16x1xi32> to vector<16xi32>
        %gather3A_296 = tpu.dynamic_gather %add3A_244[%gather3A_295] in [0] : vector<16xf32>, vector<16xi32> -> vector<16xf32>
        %mul3A_297 = arith.mulf %select_n3A_268, %add3A_244 : vector<16xf32>
        %add3A_298 = arith.addf %gather3A_296, %mul3A_297 : vector<16xf32>
        %broadcast_in_dim3A_299 = vector.shape_cast %xor3A_257 : vector<16xi32> to vector<16x1xi32>
        %gather3A_300 = vector.shape_cast %broadcast_in_dim3A_299 : vector<16x1xi32> to vector<16xi32>
        %gather3A_301 = tpu.dynamic_gather %add3A_249[%gather3A_300] in [0] : vector<16xf32>, vector<16xi32> -> vector<16xf32>
        %mul3A_302 = arith.mulf %select_n3A_268, %add3A_249 : vector<16xf32>
        %add3A_303 = arith.addf %gather3A_301, %mul3A_302 : vector<16xf32>
        %broadcast_in_dim3A_304 = vector.shape_cast %xor3A_257 : vector<16xi32> to vector<16x1xi32>
        %gather3A_305 = vector.shape_cast %broadcast_in_dim3A_304 : vector<16x1xi32> to vector<16xi32>
        %gather3A_306 = tpu.dynamic_gather %add3A_254[%gather3A_305] in [0] : vector<16xf32>, vector<16xi32> -> vector<16xf32>
        %mul3A_307 = arith.mulf %select_n3A_268, %add3A_254 : vector<16xf32>
        %add3A_308 = arith.addf %gather3A_306, %mul3A_307 : vector<16xf32>
        %add3A_309 = arith.addf %add3A_273, %add3A_278 : vector<16xf32>
        %sub3A = arith.subf %add3A_273, %add3A_278 : vector<16xf32>
        %add3A_310 = arith.addf %add3A_283, %add3A_288 : vector<16xf32>
        %sub3A_311 = arith.subf %add3A_283, %add3A_288 : vector<16xf32>
        %add3A_312 = arith.addf %add3A_293, %add3A_298 : vector<16xf32>
        %sub3A_313 = arith.subf %add3A_293, %add3A_298 : vector<16xf32>
        %add3A_314 = arith.addf %add3A_303, %add3A_308 : vector<16xf32>
        %sub3A_315 = arith.subf %add3A_303, %add3A_308 : vector<16xf32>
        %add3A_316 = arith.addf %add3A_309, %add3A_310 : vector<16xf32>
        %add3A_317 = arith.addf %sub3A, %sub3A_311 : vector<16xf32>
        %sub3A_318 = arith.subf %add3A_309, %add3A_310 : vector<16xf32>
        %sub3A_319 = arith.subf %sub3A, %sub3A_311 : vector<16xf32>
        %add3A_320 = arith.addf %add3A_312, %add3A_314 : vector<16xf32>
        %add3A_321 = arith.addf %sub3A_313, %sub3A_315 : vector<16xf32>
        %sub3A_322 = arith.subf %add3A_312, %add3A_314 : vector<16xf32>
        %sub3A_323 = arith.subf %sub3A_313, %sub3A_315 : vector<16xf32>
        %add3A_324 = arith.addf %add3A_316, %add3A_320 : vector<16xf32>
        %add3A_325 = arith.addf %add3A_317, %add3A_321 : vector<16xf32>
        %add3A_326 = arith.addf %sub3A_318, %sub3A_322 : vector<16xf32>
        %add3A_327 = arith.addf %sub3A_319, %sub3A_323 : vector<16xf32>
        %sub3A_328 = arith.subf %add3A_316, %add3A_320 : vector<16xf32>
        %sub3A_329 = arith.subf %add3A_317, %add3A_321 : vector<16xf32>
        %sub3A_330 = arith.subf %sub3A_318, %sub3A_322 : vector<16xf32>
        %sub3A_331 = arith.subf %sub3A_319, %sub3A_323 : vector<16xf32>
        %abs3A = math.absf %add3A_324 : vector<16xf32>
        %abs3A_332 = math.absf %add3A_325 : vector<16xf32>
        %abs3A_333 = math.absf %add3A_326 : vector<16xf32>
        %abs3A_334 = math.absf %add3A_327 : vector<16xf32>
        %abs3A_335 = math.absf %sub3A_328 : vector<16xf32>
        %abs3A_336 = math.absf %sub3A_329 : vector<16xf32>
        %abs3A_337 = math.absf %sub3A_330 : vector<16xf32>
        %abs3A_338 = math.absf %sub3A_331 : vector<16xf32>
        %max3A = arith.maximumf %abs3A, %abs3A_332 : vector<16xf32>
        %add3A_339 = arith.addf %abs3A, %abs3A_332 : vector<16xf32>
        %max3A_340 = arith.maximumf %max3A, %abs3A_333 : vector<16xf32>
        %add3A_341 = arith.addf %add3A_339, %abs3A_333 : vector<16xf32>
        %max3A_342 = arith.maximumf %max3A_340, %abs3A_334 : vector<16xf32>
        %add3A_343 = arith.addf %add3A_341, %abs3A_334 : vector<16xf32>
        %max3A_344 = arith.maximumf %max3A_342, %abs3A_335 : vector<16xf32>
        %add3A_345 = arith.addf %add3A_343, %abs3A_335 : vector<16xf32>
        %max3A_346 = arith.maximumf %max3A_344, %abs3A_336 : vector<16xf32>
        %add3A_347 = arith.addf %add3A_345, %abs3A_336 : vector<16xf32>
        %max3A_348 = arith.maximumf %max3A_346, %abs3A_337 : vector<16xf32>
        %add3A_349 = arith.addf %add3A_347, %abs3A_337 : vector<16xf32>
        %max3A_350 = arith.maximumf %max3A_348, %abs3A_338 : vector<16xf32>
        %add3A_351 = arith.addf %add3A_349, %abs3A_338 : vector<16xf32>
        %iota3A_352 = tpu.iota {dimensions = array<i32: 0>} : vector<16xi32>
        %xor3A_353 = arith.constant 1 : i32
        %xor3A_354 = vector.broadcast %xor3A_353 : i32 to vector<16xi32>
        %xor3A_355 = arith.xori %iota3A_352, %xor3A_354 : vector<16xi32>
        %broadcast_in_dim3A_356 = vector.shape_cast %xor3A_355 : vector<16xi32> to vector<16x1xi32>
        %gather3A_357 = vector.shape_cast %broadcast_in_dim3A_356 : vector<16x1xi32> to vector<16xi32>
        %gather3A_358 = tpu.dynamic_gather %max3A_350[%gather3A_357] in [0] : vector<16xf32>, vector<16xi32> -> vector<16xf32>
        %max3A_359 = arith.maximumf %max3A_350, %gather3A_358 : vector<16xf32>
        %xor3A_360 = arith.constant 2 : i32
        %xor3A_361 = vector.broadcast %xor3A_360 : i32 to vector<16xi32>
        %xor3A_362 = arith.xori %iota3A_352, %xor3A_361 : vector<16xi32>
        %broadcast_in_dim3A_363 = vector.shape_cast %xor3A_362 : vector<16xi32> to vector<16x1xi32>
        %gather3A_364 = vector.shape_cast %broadcast_in_dim3A_363 : vector<16x1xi32> to vector<16xi32>
        %gather3A_365 = tpu.dynamic_gather %max3A_359[%gather3A_364] in [0] : vector<16xf32>, vector<16xi32> -> vector<16xf32>
        %max3A_366 = arith.maximumf %max3A_359, %gather3A_365 : vector<16xf32>
        %xor3A_367 = arith.constant 4 : i32
        %xor3A_368 = vector.broadcast %xor3A_367 : i32 to vector<16xi32>
        %xor3A_369 = arith.xori %iota3A_352, %xor3A_368 : vector<16xi32>
        %broadcast_in_dim3A_370 = vector.shape_cast %xor3A_369 : vector<16xi32> to vector<16x1xi32>
        %gather3A_371 = vector.shape_cast %broadcast_in_dim3A_370 : vector<16x1xi32> to vector<16xi32>
        %gather3A_372 = tpu.dynamic_gather %max3A_366[%gather3A_371] in [0] : vector<16xf32>, vector<16xi32> -> vector<16xf32>
        %max3A_373 = arith.maximumf %max3A_366, %gather3A_372 : vector<16xf32>
        %xor3A_374 = arith.constant 8 : i32
        %xor3A_375 = vector.broadcast %xor3A_374 : i32 to vector<16xi32>
        %xor3A_376 = arith.xori %iota3A_352, %xor3A_375 : vector<16xi32>
        %broadcast_in_dim3A_377 = vector.shape_cast %xor3A_376 : vector<16xi32> to vector<16x1xi32>
        %gather3A_378 = vector.shape_cast %broadcast_in_dim3A_377 : vector<16x1xi32> to vector<16xi32>
        %gather3A_379 = tpu.dynamic_gather %max3A_373[%gather3A_378] in [0] : vector<16xf32>, vector<16xi32> -> vector<16xf32>
        %max3A_380 = arith.maximumf %max3A_373, %gather3A_379 : vector<16xf32>
        %iota3A_381 = tpu.iota {dimensions = array<i32: 0>} : vector<16xi32>
        %xor3A_382 = arith.constant 1 : i32
        %xor3A_383 = vector.broadcast %xor3A_382 : i32 to vector<16xi32>
        %xor3A_384 = arith.xori %iota3A_381, %xor3A_383 : vector<16xi32>
        %broadcast_in_dim3A_385 = vector.shape_cast %xor3A_384 : vector<16xi32> to vector<16x1xi32>
        %gather3A_386 = vector.shape_cast %broadcast_in_dim3A_385 : vector<16x1xi32> to vector<16xi32>
        %gather3A_387 = tpu.dynamic_gather %add3A_351[%gather3A_386] in [0] : vector<16xf32>, vector<16xi32> -> vector<16xf32>
        %add3A_388 = arith.addf %add3A_351, %gather3A_387 : vector<16xf32>
        %xor3A_389 = arith.constant 2 : i32
        %xor3A_390 = vector.broadcast %xor3A_389 : i32 to vector<16xi32>
        %xor3A_391 = arith.xori %iota3A_381, %xor3A_390 : vector<16xi32>
        %broadcast_in_dim3A_392 = vector.shape_cast %xor3A_391 : vector<16xi32> to vector<16x1xi32>
        %gather3A_393 = vector.shape_cast %broadcast_in_dim3A_392 : vector<16x1xi32> to vector<16xi32>
        %gather3A_394 = tpu.dynamic_gather %add3A_388[%gather3A_393] in [0] : vector<16xf32>, vector<16xi32> -> vector<16xf32>
        %add3A_395 = arith.addf %add3A_388, %gather3A_394 : vector<16xf32>
        %xor3A_396 = arith.constant 4 : i32
        %xor3A_397 = vector.broadcast %xor3A_396 : i32 to vector<16xi32>
        %xor3A_398 = arith.xori %iota3A_381, %xor3A_397 : vector<16xi32>
        %broadcast_in_dim3A_399 = vector.shape_cast %xor3A_398 : vector<16xi32> to vector<16x1xi32>
        %gather3A_400 = vector.shape_cast %broadcast_in_dim3A_399 : vector<16x1xi32> to vector<16xi32>
        %gather3A_401 = tpu.dynamic_gather %add3A_395[%gather3A_400] in [0] : vector<16xf32>, vector<16xi32> -> vector<16xf32>
        %add3A_402 = arith.addf %add3A_395, %gather3A_401 : vector<16xf32>
        %xor3A_403 = arith.constant 8 : i32
        %xor3A_404 = vector.broadcast %xor3A_403 : i32 to vector<16xi32>
        %xor3A_405 = arith.xori %iota3A_381, %xor3A_404 : vector<16xi32>
        %broadcast_in_dim3A_406 = vector.shape_cast %xor3A_405 : vector<16xi32> to vector<16x1xi32>
        %gather3A_407 = vector.shape_cast %broadcast_in_dim3A_406 : vector<16x1xi32> to vector<16xi32>
        %gather3A_408 = tpu.dynamic_gather %add3A_402[%gather3A_407] in [0] : vector<16xf32>, vector<16xi32> -> vector<16xf32>
        %add3A_409 = arith.addf %add3A_402, %gather3A_408 : vector<16xf32>
        %mul3A_410 = arith.constant 11.3137083 : f32
        %mul3A_411 = vector.broadcast %mul3A_410 : f32 to vector<16xf32>
        %mul3A_412 = arith.mulf %max3A_380, %mul3A_411 : vector<16xf32>
        %add3A_413 = arith.constant 9.99999993E-9 : f32
        %add3A_414 = vector.broadcast %add3A_413 : f32 to vector<16xf32>
        %add3A_415 = arith.addf %mul3A_412, %add3A_414 : vector<16xf32>
        %mul3A_416 = arith.constant 9.99999993E-9 : f32
        %mul3A_417 = vector.broadcast %mul3A_416 : f32 to vector<16xf32>
        %mul3A_418 = arith.mulf %mul3A_417, %add3A_415 : vector<16xf32>
        %mul3A_419 = arith.constant 0.367999136 : f32
        %mul3A_420 = vector.broadcast %mul3A_419 : f32 to vector<16xf32>
        %mul3A_421 = arith.mulf %max3A_380, %mul3A_420 : vector<16xf32>
        %add3A_422 = arith.addf %mul3A_421, %mul3A_418 : vector<16xf32>
        %mul3A_423 = arith.mulf %get3A_9, %add3A_422 : vector<16xf32>
        %broadcast_in_dim3A_424 = arith.constant 0 : i32
        %broadcast_in_dim3A_425 = vector.broadcast %broadcast_in_dim3A_424 : i32 to vector<16xi32>
        %add3A_426 = arith.constant 7 : i32
        %add3A_427 = vector.broadcast %add3A_426 : i32 to vector<16xi32>
        %add3A_428 = arith.addi %broadcast_in_dim3A_425, %add3A_427 : vector<16xi32>
        %broadcast_in_dim3A_429 = vector.shape_cast %add3A_428 : vector<16xi32> to vector<16x1xi32>
        %gather3A_430 = vector.shape_cast %broadcast_in_dim3A_429 : vector<16x1xi32> to vector<16xi32>
        %gather3A_431 = tpu.dynamic_gather %mul3A_423[%gather3A_430] in [0] : vector<16xf32>, vector<16xi32> -> vector<16xf32>
        %lt3A = arith.cmpf olt, %gather3A_431, %add3A_324 : vector<16xf32>
        %jit3A_432 = arith.constant 8 : i32
        %jit3A_433 = arith.constant 0 : i32
        %broadcast_in_dim3A_434 = vector.broadcast %jit3A_432 : i32 to vector<16xi32>
        %broadcast_in_dim3A_435 = vector.broadcast %jit3A_433 : i32 to vector<16xi32>
        %select_n3A_436 = arith.select %lt3A, %broadcast_in_dim3A_434, %broadcast_in_dim3A_435 : vector<16xi1>, vector<16xi32>
        %add3A_437 = arith.addi %broadcast_in_dim3A_425, %select_n3A_436 : vector<16xi32>
        %add3A_438 = arith.constant 3 : i32
        %add3A_439 = vector.broadcast %add3A_438 : i32 to vector<16xi32>
        %add3A_440 = arith.addi %add3A_437, %add3A_439 : vector<16xi32>
        %broadcast_in_dim3A_441 = vector.shape_cast %add3A_440 : vector<16xi32> to vector<16x1xi32>
        %gather3A_442 = vector.shape_cast %broadcast_in_dim3A_441 : vector<16x1xi32> to vector<16xi32>
        %gather3A_443 = tpu.dynamic_gather %mul3A_423[%gather3A_442] in [0] : vector<16xf32>, vector<16xi32> -> vector<16xf32>
        %lt3A_444 = arith.cmpf olt, %gather3A_443, %add3A_324 : vector<16xf32>
        %jit3A_445 = arith.constant 4 : i32
        %jit3A_446 = arith.constant 0 : i32
        %broadcast_in_dim3A_447 = vector.broadcast %jit3A_445 : i32 to vector<16xi32>
        %broadcast_in_dim3A_448 = vector.broadcast %jit3A_446 : i32 to vector<16xi32>
        %select_n3A_449 = arith.select %lt3A_444, %broadcast_in_dim3A_447, %broadcast_in_dim3A_448 : vector<16xi1>, vector<16xi32>
        %add3A_450 = arith.addi %add3A_437, %select_n3A_449 : vector<16xi32>
        %add3A_451 = arith.constant 1 : i32
        %add3A_452 = vector.broadcast %add3A_451 : i32 to vector<16xi32>
        %add3A_453 = arith.addi %add3A_450, %add3A_452 : vector<16xi32>
        %broadcast_in_dim3A_454 = vector.shape_cast %add3A_453 : vector<16xi32> to vector<16x1xi32>
        %gather3A_455 = vector.shape_cast %broadcast_in_dim3A_454 : vector<16x1xi32> to vector<16xi32>
        %gather3A_456 = tpu.dynamic_gather %mul3A_423[%gather3A_455] in [0] : vector<16xf32>, vector<16xi32> -> vector<16xf32>
        %lt3A_457 = arith.cmpf olt, %gather3A_456, %add3A_324 : vector<16xf32>
        %jit3A_458 = arith.constant 2 : i32
        %jit3A_459 = arith.constant 0 : i32
        %broadcast_in_dim3A_460 = vector.broadcast %jit3A_458 : i32 to vector<16xi32>
        %broadcast_in_dim3A_461 = vector.broadcast %jit3A_459 : i32 to vector<16xi32>
        %select_n3A_462 = arith.select %lt3A_457, %broadcast_in_dim3A_460, %broadcast_in_dim3A_461 : vector<16xi1>, vector<16xi32>
        %add3A_463 = arith.addi %add3A_450, %select_n3A_462 : vector<16xi32>
        %add3A_464 = arith.constant 0 : i32
        %add3A_465 = vector.broadcast %add3A_464 : i32 to vector<16xi32>
        %add3A_466 = arith.addi %add3A_463, %add3A_465 : vector<16xi32>
        %broadcast_in_dim3A_467 = vector.shape_cast %add3A_466 : vector<16xi32> to vector<16x1xi32>
        %gather3A_468 = vector.shape_cast %broadcast_in_dim3A_467 : vector<16x1xi32> to vector<16xi32>
        %gather3A_469 = tpu.dynamic_gather %mul3A_423[%gather3A_468] in [0] : vector<16xf32>, vector<16xi32> -> vector<16xf32>
        %lt3A_470 = arith.cmpf olt, %gather3A_469, %add3A_324 : vector<16xf32>
        %jit3A_471 = arith.constant 1 : i32
        %jit3A_472 = arith.constant 0 : i32
        %broadcast_in_dim3A_473 = vector.broadcast %jit3A_471 : i32 to vector<16xi32>
        %broadcast_in_dim3A_474 = vector.broadcast %jit3A_472 : i32 to vector<16xi32>
        %select_n3A_475 = arith.select %lt3A_470, %broadcast_in_dim3A_473, %broadcast_in_dim3A_474 : vector<16xi1>, vector<16xi32>
        %add3A_476 = arith.addi %add3A_463, %select_n3A_475 : vector<16xi32>
        %broadcast_in_dim3A_477 = vector.shape_cast %add3A_476 : vector<16xi32> to vector<16x1xi32>
        %gather3A_478 = vector.shape_cast %broadcast_in_dim3A_477 : vector<16x1xi32> to vector<16xi32>
        %gather3A_479 = tpu.dynamic_gather %get3A_6[%gather3A_478] in [0] : vector<16xf32>, vector<16xi32> -> vector<16xf32>
        %mul3A_480 = arith.mulf %add3A_324, %gather3A_479 : vector<16xf32>
        %mul3A_481 = arith.mulf %gather3A_479, %gather3A_479 : vector<16xf32>
        %broadcast_in_dim3A_482 = arith.constant 0 : i32
        %broadcast_in_dim3A_483 = vector.broadcast %broadcast_in_dim3A_482 : i32 to vector<16xi32>
        %add3A_484 = arith.constant 7 : i32
        %add3A_485 = vector.broadcast %add3A_484 : i32 to vector<16xi32>
        %add3A_486 = arith.addi %broadcast_in_dim3A_483, %add3A_485 : vector<16xi32>
        %broadcast_in_dim3A_487 = vector.shape_cast %add3A_486 : vector<16xi32> to vector<16x1xi32>
        %gather3A_488 = vector.shape_cast %broadcast_in_dim3A_487 : vector<16x1xi32> to vector<16xi32>
        %gather3A_489 = tpu.dynamic_gather %mul3A_423[%gather3A_488] in [0] : vector<16xf32>, vector<16xi32> -> vector<16xf32>
        %lt3A_490 = arith.cmpf olt, %gather3A_489, %add3A_325 : vector<16xf32>
        %jit3A_491 = arith.constant 8 : i32
        %jit3A_492 = arith.constant 0 : i32
        %broadcast_in_dim3A_493 = vector.broadcast %jit3A_491 : i32 to vector<16xi32>
        %broadcast_in_dim3A_494 = vector.broadcast %jit3A_492 : i32 to vector<16xi32>
        %select_n3A_495 = arith.select %lt3A_490, %broadcast_in_dim3A_493, %broadcast_in_dim3A_494 : vector<16xi1>, vector<16xi32>
        %add3A_496 = arith.addi %broadcast_in_dim3A_483, %select_n3A_495 : vector<16xi32>
        %add3A_497 = arith.constant 3 : i32
        %add3A_498 = vector.broadcast %add3A_497 : i32 to vector<16xi32>
        %add3A_499 = arith.addi %add3A_496, %add3A_498 : vector<16xi32>
        %broadcast_in_dim3A_500 = vector.shape_cast %add3A_499 : vector<16xi32> to vector<16x1xi32>
        %gather3A_501 = vector.shape_cast %broadcast_in_dim3A_500 : vector<16x1xi32> to vector<16xi32>
        %gather3A_502 = tpu.dynamic_gather %mul3A_423[%gather3A_501] in [0] : vector<16xf32>, vector<16xi32> -> vector<16xf32>
        %lt3A_503 = arith.cmpf olt, %gather3A_502, %add3A_325 : vector<16xf32>
        %jit3A_504 = arith.constant 4 : i32
        %jit3A_505 = arith.constant 0 : i32
        %broadcast_in_dim3A_506 = vector.broadcast %jit3A_504 : i32 to vector<16xi32>
        %broadcast_in_dim3A_507 = vector.broadcast %jit3A_505 : i32 to vector<16xi32>
        %select_n3A_508 = arith.select %lt3A_503, %broadcast_in_dim3A_506, %broadcast_in_dim3A_507 : vector<16xi1>, vector<16xi32>
        %add3A_509 = arith.addi %add3A_496, %select_n3A_508 : vector<16xi32>
        %add3A_510 = arith.constant 1 : i32
        %add3A_511 = vector.broadcast %add3A_510 : i32 to vector<16xi32>
        %add3A_512 = arith.addi %add3A_509, %add3A_511 : vector<16xi32>
        %broadcast_in_dim3A_513 = vector.shape_cast %add3A_512 : vector<16xi32> to vector<16x1xi32>
        %gather3A_514 = vector.shape_cast %broadcast_in_dim3A_513 : vector<16x1xi32> to vector<16xi32>
        %gather3A_515 = tpu.dynamic_gather %mul3A_423[%gather3A_514] in [0] : vector<16xf32>, vector<16xi32> -> vector<16xf32>
        %lt3A_516 = arith.cmpf olt, %gather3A_515, %add3A_325 : vector<16xf32>
        %jit3A_517 = arith.constant 2 : i32
        %jit3A_518 = arith.constant 0 : i32
        %broadcast_in_dim3A_519 = vector.broadcast %jit3A_517 : i32 to vector<16xi32>
        %broadcast_in_dim3A_520 = vector.broadcast %jit3A_518 : i32 to vector<16xi32>
        %select_n3A_521 = arith.select %lt3A_516, %broadcast_in_dim3A_519, %broadcast_in_dim3A_520 : vector<16xi1>, vector<16xi32>
        %add3A_522 = arith.addi %add3A_509, %select_n3A_521 : vector<16xi32>
        %add3A_523 = arith.constant 0 : i32
        %add3A_524 = vector.broadcast %add3A_523 : i32 to vector<16xi32>
        %add3A_525 = arith.addi %add3A_522, %add3A_524 : vector<16xi32>
        %broadcast_in_dim3A_526 = vector.shape_cast %add3A_525 : vector<16xi32> to vector<16x1xi32>
        %gather3A_527 = vector.shape_cast %broadcast_in_dim3A_526 : vector<16x1xi32> to vector<16xi32>
        %gather3A_528 = tpu.dynamic_gather %mul3A_423[%gather3A_527] in [0] : vector<16xf32>, vector<16xi32> -> vector<16xf32>
        %lt3A_529 = arith.cmpf olt, %gather3A_528, %add3A_325 : vector<16xf32>
        %jit3A_530 = arith.constant 1 : i32
        %jit3A_531 = arith.constant 0 : i32
        %broadcast_in_dim3A_532 = vector.broadcast %jit3A_530 : i32 to vector<16xi32>
        %broadcast_in_dim3A_533 = vector.broadcast %jit3A_531 : i32 to vector<16xi32>
        %select_n3A_534 = arith.select %lt3A_529, %broadcast_in_dim3A_532, %broadcast_in_dim3A_533 : vector<16xi1>, vector<16xi32>
        %add3A_535 = arith.addi %add3A_522, %select_n3A_534 : vector<16xi32>
        %broadcast_in_dim3A_536 = vector.shape_cast %add3A_535 : vector<16xi32> to vector<16x1xi32>
        %gather3A_537 = vector.shape_cast %broadcast_in_dim3A_536 : vector<16x1xi32> to vector<16xi32>
        %gather3A_538 = tpu.dynamic_gather %get3A_6[%gather3A_537] in [0] : vector<16xf32>, vector<16xi32> -> vector<16xf32>
        %mul3A_539 = arith.mulf %add3A_325, %gather3A_538 : vector<16xf32>
        %mul3A_540 = arith.mulf %gather3A_538, %gather3A_538 : vector<16xf32>
        %add3A_541 = arith.addf %mul3A_480, %mul3A_539 : vector<16xf32>
        %add3A_542 = arith.addf %mul3A_481, %mul3A_540 : vector<16xf32>
        %broadcast_in_dim3A_543 = arith.constant 0 : i32
        %broadcast_in_dim3A_544 = vector.broadcast %broadcast_in_dim3A_543 : i32 to vector<16xi32>
        %add3A_545 = arith.constant 7 : i32
        %add3A_546 = vector.broadcast %add3A_545 : i32 to vector<16xi32>
        %add3A_547 = arith.addi %broadcast_in_dim3A_544, %add3A_546 : vector<16xi32>
        %broadcast_in_dim3A_548 = vector.shape_cast %add3A_547 : vector<16xi32> to vector<16x1xi32>
        %gather3A_549 = vector.shape_cast %broadcast_in_dim3A_548 : vector<16x1xi32> to vector<16xi32>
        %gather3A_550 = tpu.dynamic_gather %mul3A_423[%gather3A_549] in [0] : vector<16xf32>, vector<16xi32> -> vector<16xf32>
        %lt3A_551 = arith.cmpf olt, %gather3A_550, %add3A_326 : vector<16xf32>
        %jit3A_552 = arith.constant 8 : i32
        %jit3A_553 = arith.constant 0 : i32
        %broadcast_in_dim3A_554 = vector.broadcast %jit3A_552 : i32 to vector<16xi32>
        %broadcast_in_dim3A_555 = vector.broadcast %jit3A_553 : i32 to vector<16xi32>
        %select_n3A_556 = arith.select %lt3A_551, %broadcast_in_dim3A_554, %broadcast_in_dim3A_555 : vector<16xi1>, vector<16xi32>
        %add3A_557 = arith.addi %broadcast_in_dim3A_544, %select_n3A_556 : vector<16xi32>
        %add3A_558 = arith.constant 3 : i32
        %add3A_559 = vector.broadcast %add3A_558 : i32 to vector<16xi32>
        %add3A_560 = arith.addi %add3A_557, %add3A_559 : vector<16xi32>
        %broadcast_in_dim3A_561 = vector.shape_cast %add3A_560 : vector<16xi32> to vector<16x1xi32>
        %gather3A_562 = vector.shape_cast %broadcast_in_dim3A_561 : vector<16x1xi32> to vector<16xi32>
        %gather3A_563 = tpu.dynamic_gather %mul3A_423[%gather3A_562] in [0] : vector<16xf32>, vector<16xi32> -> vector<16xf32>
        %lt3A_564 = arith.cmpf olt, %gather3A_563, %add3A_326 : vector<16xf32>
        %jit3A_565 = arith.constant 4 : i32
        %jit3A_566 = arith.constant 0 : i32
        %broadcast_in_dim3A_567 = vector.broadcast %jit3A_565 : i32 to vector<16xi32>
        %broadcast_in_dim3A_568 = vector.broadcast %jit3A_566 : i32 to vector<16xi32>
        %select_n3A_569 = arith.select %lt3A_564, %broadcast_in_dim3A_567, %broadcast_in_dim3A_568 : vector<16xi1>, vector<16xi32>
        %add3A_570 = arith.addi %add3A_557, %select_n3A_569 : vector<16xi32>
        %add3A_571 = arith.constant 1 : i32
        %add3A_572 = vector.broadcast %add3A_571 : i32 to vector<16xi32>
        %add3A_573 = arith.addi %add3A_570, %add3A_572 : vector<16xi32>
        %broadcast_in_dim3A_574 = vector.shape_cast %add3A_573 : vector<16xi32> to vector<16x1xi32>
        %gather3A_575 = vector.shape_cast %broadcast_in_dim3A_574 : vector<16x1xi32> to vector<16xi32>
        %gather3A_576 = tpu.dynamic_gather %mul3A_423[%gather3A_575] in [0] : vector<16xf32>, vector<16xi32> -> vector<16xf32>
        %lt3A_577 = arith.cmpf olt, %gather3A_576, %add3A_326 : vector<16xf32>
        %jit3A_578 = arith.constant 2 : i32
        %jit3A_579 = arith.constant 0 : i32
        %broadcast_in_dim3A_580 = vector.broadcast %jit3A_578 : i32 to vector<16xi32>
        %broadcast_in_dim3A_581 = vector.broadcast %jit3A_579 : i32 to vector<16xi32>
        %select_n3A_582 = arith.select %lt3A_577, %broadcast_in_dim3A_580, %broadcast_in_dim3A_581 : vector<16xi1>, vector<16xi32>
        %add3A_583 = arith.addi %add3A_570, %select_n3A_582 : vector<16xi32>
        %add3A_584 = arith.constant 0 : i32
        %add3A_585 = vector.broadcast %add3A_584 : i32 to vector<16xi32>
        %add3A_586 = arith.addi %add3A_583, %add3A_585 : vector<16xi32>
        %broadcast_in_dim3A_587 = vector.shape_cast %add3A_586 : vector<16xi32> to vector<16x1xi32>
        %gather3A_588 = vector.shape_cast %broadcast_in_dim3A_587 : vector<16x1xi32> to vector<16xi32>
        %gather3A_589 = tpu.dynamic_gather %mul3A_423[%gather3A_588] in [0] : vector<16xf32>, vector<16xi32> -> vector<16xf32>
        %lt3A_590 = arith.cmpf olt, %gather3A_589, %add3A_326 : vector<16xf32>
        %jit3A_591 = arith.constant 1 : i32
        %jit3A_592 = arith.constant 0 : i32
        %broadcast_in_dim3A_593 = vector.broadcast %jit3A_591 : i32 to vector<16xi32>
        %broadcast_in_dim3A_594 = vector.broadcast %jit3A_592 : i32 to vector<16xi32>
        %select_n3A_595 = arith.select %lt3A_590, %broadcast_in_dim3A_593, %broadcast_in_dim3A_594 : vector<16xi1>, vector<16xi32>
        %add3A_596 = arith.addi %add3A_583, %select_n3A_595 : vector<16xi32>
        %broadcast_in_dim3A_597 = vector.shape_cast %add3A_596 : vector<16xi32> to vector<16x1xi32>
        %gather3A_598 = vector.shape_cast %broadcast_in_dim3A_597 : vector<16x1xi32> to vector<16xi32>
        %gather3A_599 = tpu.dynamic_gather %get3A_6[%gather3A_598] in [0] : vector<16xf32>, vector<16xi32> -> vector<16xf32>
        %mul3A_600 = arith.mulf %add3A_326, %gather3A_599 : vector<16xf32>
        %mul3A_601 = arith.mulf %gather3A_599, %gather3A_599 : vector<16xf32>
        %add3A_602 = arith.addf %add3A_541, %mul3A_600 : vector<16xf32>
        %add3A_603 = arith.addf %add3A_542, %mul3A_601 : vector<16xf32>
        %broadcast_in_dim3A_604 = arith.constant 0 : i32
        %broadcast_in_dim3A_605 = vector.broadcast %broadcast_in_dim3A_604 : i32 to vector<16xi32>
        %add3A_606 = arith.constant 7 : i32
        %add3A_607 = vector.broadcast %add3A_606 : i32 to vector<16xi32>
        %add3A_608 = arith.addi %broadcast_in_dim3A_605, %add3A_607 : vector<16xi32>
        %broadcast_in_dim3A_609 = vector.shape_cast %add3A_608 : vector<16xi32> to vector<16x1xi32>
        %gather3A_610 = vector.shape_cast %broadcast_in_dim3A_609 : vector<16x1xi32> to vector<16xi32>
        %gather3A_611 = tpu.dynamic_gather %mul3A_423[%gather3A_610] in [0] : vector<16xf32>, vector<16xi32> -> vector<16xf32>
        %lt3A_612 = arith.cmpf olt, %gather3A_611, %add3A_327 : vector<16xf32>
        %jit3A_613 = arith.constant 8 : i32
        %jit3A_614 = arith.constant 0 : i32
        %broadcast_in_dim3A_615 = vector.broadcast %jit3A_613 : i32 to vector<16xi32>
        %broadcast_in_dim3A_616 = vector.broadcast %jit3A_614 : i32 to vector<16xi32>
        %select_n3A_617 = arith.select %lt3A_612, %broadcast_in_dim3A_615, %broadcast_in_dim3A_616 : vector<16xi1>, vector<16xi32>
        %add3A_618 = arith.addi %broadcast_in_dim3A_605, %select_n3A_617 : vector<16xi32>
        %add3A_619 = arith.constant 3 : i32
        %add3A_620 = vector.broadcast %add3A_619 : i32 to vector<16xi32>
        %add3A_621 = arith.addi %add3A_618, %add3A_620 : vector<16xi32>
        %broadcast_in_dim3A_622 = vector.shape_cast %add3A_621 : vector<16xi32> to vector<16x1xi32>
        %gather3A_623 = vector.shape_cast %broadcast_in_dim3A_622 : vector<16x1xi32> to vector<16xi32>
        %gather3A_624 = tpu.dynamic_gather %mul3A_423[%gather3A_623] in [0] : vector<16xf32>, vector<16xi32> -> vector<16xf32>
        %lt3A_625 = arith.cmpf olt, %gather3A_624, %add3A_327 : vector<16xf32>
        %jit3A_626 = arith.constant 4 : i32
        %jit3A_627 = arith.constant 0 : i32
        %broadcast_in_dim3A_628 = vector.broadcast %jit3A_626 : i32 to vector<16xi32>
        %broadcast_in_dim3A_629 = vector.broadcast %jit3A_627 : i32 to vector<16xi32>
        %select_n3A_630 = arith.select %lt3A_625, %broadcast_in_dim3A_628, %broadcast_in_dim3A_629 : vector<16xi1>, vector<16xi32>
        %add3A_631 = arith.addi %add3A_618, %select_n3A_630 : vector<16xi32>
        %add3A_632 = arith.constant 1 : i32
        %add3A_633 = vector.broadcast %add3A_632 : i32 to vector<16xi32>
        %add3A_634 = arith.addi %add3A_631, %add3A_633 : vector<16xi32>
        %broadcast_in_dim3A_635 = vector.shape_cast %add3A_634 : vector<16xi32> to vector<16x1xi32>
        %gather3A_636 = vector.shape_cast %broadcast_in_dim3A_635 : vector<16x1xi32> to vector<16xi32>
        %gather3A_637 = tpu.dynamic_gather %mul3A_423[%gather3A_636] in [0] : vector<16xf32>, vector<16xi32> -> vector<16xf32>
        %lt3A_638 = arith.cmpf olt, %gather3A_637, %add3A_327 : vector<16xf32>
        %jit3A_639 = arith.constant 2 : i32
        %jit3A_640 = arith.constant 0 : i32
        %broadcast_in_dim3A_641 = vector.broadcast %jit3A_639 : i32 to vector<16xi32>
        %broadcast_in_dim3A_642 = vector.broadcast %jit3A_640 : i32 to vector<16xi32>
        %select_n3A_643 = arith.select %lt3A_638, %broadcast_in_dim3A_641, %broadcast_in_dim3A_642 : vector<16xi1>, vector<16xi32>
        %add3A_644 = arith.addi %add3A_631, %select_n3A_643 : vector<16xi32>
        %add3A_645 = arith.constant 0 : i32
        %add3A_646 = vector.broadcast %add3A_645 : i32 to vector<16xi32>
        %add3A_647 = arith.addi %add3A_644, %add3A_646 : vector<16xi32>
        %broadcast_in_dim3A_648 = vector.shape_cast %add3A_647 : vector<16xi32> to vector<16x1xi32>
        %gather3A_649 = vector.shape_cast %broadcast_in_dim3A_648 : vector<16x1xi32> to vector<16xi32>
        %gather3A_650 = tpu.dynamic_gather %mul3A_423[%gather3A_649] in [0] : vector<16xf32>, vector<16xi32> -> vector<16xf32>
        %lt3A_651 = arith.cmpf olt, %gather3A_650, %add3A_327 : vector<16xf32>
        %jit3A_652 = arith.constant 1 : i32
        %jit3A_653 = arith.constant 0 : i32
        %broadcast_in_dim3A_654 = vector.broadcast %jit3A_652 : i32 to vector<16xi32>
        %broadcast_in_dim3A_655 = vector.broadcast %jit3A_653 : i32 to vector<16xi32>
        %select_n3A_656 = arith.select %lt3A_651, %broadcast_in_dim3A_654, %broadcast_in_dim3A_655 : vector<16xi1>, vector<16xi32>
        %add3A_657 = arith.addi %add3A_644, %select_n3A_656 : vector<16xi32>
        %broadcast_in_dim3A_658 = vector.shape_cast %add3A_657 : vector<16xi32> to vector<16x1xi32>
        %gather3A_659 = vector.shape_cast %broadcast_in_dim3A_658 : vector<16x1xi32> to vector<16xi32>
        %gather3A_660 = tpu.dynamic_gather %get3A_6[%gather3A_659] in [0] : vector<16xf32>, vector<16xi32> -> vector<16xf32>
        %mul3A_661 = arith.mulf %add3A_327, %gather3A_660 : vector<16xf32>
        %mul3A_662 = arith.mulf %gather3A_660, %gather3A_660 : vector<16xf32>
        %add3A_663 = arith.addf %add3A_602, %mul3A_661 : vector<16xf32>
        %add3A_664 = arith.addf %add3A_603, %mul3A_662 : vector<16xf32>
        %broadcast_in_dim3A_665 = arith.constant 0 : i32
        %broadcast_in_dim3A_666 = vector.broadcast %broadcast_in_dim3A_665 : i32 to vector<16xi32>
        %add3A_667 = arith.constant 7 : i32
        %add3A_668 = vector.broadcast %add3A_667 : i32 to vector<16xi32>
        %add3A_669 = arith.addi %broadcast_in_dim3A_666, %add3A_668 : vector<16xi32>
        %broadcast_in_dim3A_670 = vector.shape_cast %add3A_669 : vector<16xi32> to vector<16x1xi32>
        %gather3A_671 = vector.shape_cast %broadcast_in_dim3A_670 : vector<16x1xi32> to vector<16xi32>
        %gather3A_672 = tpu.dynamic_gather %mul3A_423[%gather3A_671] in [0] : vector<16xf32>, vector<16xi32> -> vector<16xf32>
        %lt3A_673 = arith.cmpf olt, %gather3A_672, %sub3A_328 : vector<16xf32>
        %jit3A_674 = arith.constant 8 : i32
        %jit3A_675 = arith.constant 0 : i32
        %broadcast_in_dim3A_676 = vector.broadcast %jit3A_674 : i32 to vector<16xi32>
        %broadcast_in_dim3A_677 = vector.broadcast %jit3A_675 : i32 to vector<16xi32>
        %select_n3A_678 = arith.select %lt3A_673, %broadcast_in_dim3A_676, %broadcast_in_dim3A_677 : vector<16xi1>, vector<16xi32>
        %add3A_679 = arith.addi %broadcast_in_dim3A_666, %select_n3A_678 : vector<16xi32>
        %add3A_680 = arith.constant 3 : i32
        %add3A_681 = vector.broadcast %add3A_680 : i32 to vector<16xi32>
        %add3A_682 = arith.addi %add3A_679, %add3A_681 : vector<16xi32>
        %broadcast_in_dim3A_683 = vector.shape_cast %add3A_682 : vector<16xi32> to vector<16x1xi32>
        %gather3A_684 = vector.shape_cast %broadcast_in_dim3A_683 : vector<16x1xi32> to vector<16xi32>
        %gather3A_685 = tpu.dynamic_gather %mul3A_423[%gather3A_684] in [0] : vector<16xf32>, vector<16xi32> -> vector<16xf32>
        %lt3A_686 = arith.cmpf olt, %gather3A_685, %sub3A_328 : vector<16xf32>
        %jit3A_687 = arith.constant 4 : i32
        %jit3A_688 = arith.constant 0 : i32
        %broadcast_in_dim3A_689 = vector.broadcast %jit3A_687 : i32 to vector<16xi32>
        %broadcast_in_dim3A_690 = vector.broadcast %jit3A_688 : i32 to vector<16xi32>
        %select_n3A_691 = arith.select %lt3A_686, %broadcast_in_dim3A_689, %broadcast_in_dim3A_690 : vector<16xi1>, vector<16xi32>
        %add3A_692 = arith.addi %add3A_679, %select_n3A_691 : vector<16xi32>
        %add3A_693 = arith.constant 1 : i32
        %add3A_694 = vector.broadcast %add3A_693 : i32 to vector<16xi32>
        %add3A_695 = arith.addi %add3A_692, %add3A_694 : vector<16xi32>
        %broadcast_in_dim3A_696 = vector.shape_cast %add3A_695 : vector<16xi32> to vector<16x1xi32>
        %gather3A_697 = vector.shape_cast %broadcast_in_dim3A_696 : vector<16x1xi32> to vector<16xi32>
        %gather3A_698 = tpu.dynamic_gather %mul3A_423[%gather3A_697] in [0] : vector<16xf32>, vector<16xi32> -> vector<16xf32>
        %lt3A_699 = arith.cmpf olt, %gather3A_698, %sub3A_328 : vector<16xf32>
        %jit3A_700 = arith.constant 2 : i32
        %jit3A_701 = arith.constant 0 : i32
        %broadcast_in_dim3A_702 = vector.broadcast %jit3A_700 : i32 to vector<16xi32>
        %broadcast_in_dim3A_703 = vector.broadcast %jit3A_701 : i32 to vector<16xi32>
        %select_n3A_704 = arith.select %lt3A_699, %broadcast_in_dim3A_702, %broadcast_in_dim3A_703 : vector<16xi1>, vector<16xi32>
        %add3A_705 = arith.addi %add3A_692, %select_n3A_704 : vector<16xi32>
        %add3A_706 = arith.constant 0 : i32
        %add3A_707 = vector.broadcast %add3A_706 : i32 to vector<16xi32>
        %add3A_708 = arith.addi %add3A_705, %add3A_707 : vector<16xi32>
        %broadcast_in_dim3A_709 = vector.shape_cast %add3A_708 : vector<16xi32> to vector<16x1xi32>
        %gather3A_710 = vector.shape_cast %broadcast_in_dim3A_709 : vector<16x1xi32> to vector<16xi32>
        %gather3A_711 = tpu.dynamic_gather %mul3A_423[%gather3A_710] in [0] : vector<16xf32>, vector<16xi32> -> vector<16xf32>
        %lt3A_712 = arith.cmpf olt, %gather3A_711, %sub3A_328 : vector<16xf32>
        %jit3A_713 = arith.constant 1 : i32
        %jit3A_714 = arith.constant 0 : i32
        %broadcast_in_dim3A_715 = vector.broadcast %jit3A_713 : i32 to vector<16xi32>
        %broadcast_in_dim3A_716 = vector.broadcast %jit3A_714 : i32 to vector<16xi32>
        %select_n3A_717 = arith.select %lt3A_712, %broadcast_in_dim3A_715, %broadcast_in_dim3A_716 : vector<16xi1>, vector<16xi32>
        %add3A_718 = arith.addi %add3A_705, %select_n3A_717 : vector<16xi32>
        %broadcast_in_dim3A_719 = vector.shape_cast %add3A_718 : vector<16xi32> to vector<16x1xi32>
        %gather3A_720 = vector.shape_cast %broadcast_in_dim3A_719 : vector<16x1xi32> to vector<16xi32>
        %gather3A_721 = tpu.dynamic_gather %get3A_6[%gather3A_720] in [0] : vector<16xf32>, vector<16xi32> -> vector<16xf32>
        %mul3A_722 = arith.mulf %sub3A_328, %gather3A_721 : vector<16xf32>
        %mul3A_723 = arith.mulf %gather3A_721, %gather3A_721 : vector<16xf32>
        %add3A_724 = arith.addf %add3A_663, %mul3A_722 : vector<16xf32>
        %add3A_725 = arith.addf %add3A_664, %mul3A_723 : vector<16xf32>
        %broadcast_in_dim3A_726 = arith.constant 0 : i32
        %broadcast_in_dim3A_727 = vector.broadcast %broadcast_in_dim3A_726 : i32 to vector<16xi32>
        %add3A_728 = arith.constant 7 : i32
        %add3A_729 = vector.broadcast %add3A_728 : i32 to vector<16xi32>
        %add3A_730 = arith.addi %broadcast_in_dim3A_727, %add3A_729 : vector<16xi32>
        %broadcast_in_dim3A_731 = vector.shape_cast %add3A_730 : vector<16xi32> to vector<16x1xi32>
        %gather3A_732 = vector.shape_cast %broadcast_in_dim3A_731 : vector<16x1xi32> to vector<16xi32>
        %gather3A_733 = tpu.dynamic_gather %mul3A_423[%gather3A_732] in [0] : vector<16xf32>, vector<16xi32> -> vector<16xf32>
        %lt3A_734 = arith.cmpf olt, %gather3A_733, %sub3A_329 : vector<16xf32>
        %jit3A_735 = arith.constant 8 : i32
        %jit3A_736 = arith.constant 0 : i32
        %broadcast_in_dim3A_737 = vector.broadcast %jit3A_735 : i32 to vector<16xi32>
        %broadcast_in_dim3A_738 = vector.broadcast %jit3A_736 : i32 to vector<16xi32>
        %select_n3A_739 = arith.select %lt3A_734, %broadcast_in_dim3A_737, %broadcast_in_dim3A_738 : vector<16xi1>, vector<16xi32>
        %add3A_740 = arith.addi %broadcast_in_dim3A_727, %select_n3A_739 : vector<16xi32>
        %add3A_741 = arith.constant 3 : i32
        %add3A_742 = vector.broadcast %add3A_741 : i32 to vector<16xi32>
        %add3A_743 = arith.addi %add3A_740, %add3A_742 : vector<16xi32>
        %broadcast_in_dim3A_744 = vector.shape_cast %add3A_743 : vector<16xi32> to vector<16x1xi32>
        %gather3A_745 = vector.shape_cast %broadcast_in_dim3A_744 : vector<16x1xi32> to vector<16xi32>
        %gather3A_746 = tpu.dynamic_gather %mul3A_423[%gather3A_745] in [0] : vector<16xf32>, vector<16xi32> -> vector<16xf32>
        %lt3A_747 = arith.cmpf olt, %gather3A_746, %sub3A_329 : vector<16xf32>
        %jit3A_748 = arith.constant 4 : i32
        %jit3A_749 = arith.constant 0 : i32
        %broadcast_in_dim3A_750 = vector.broadcast %jit3A_748 : i32 to vector<16xi32>
        %broadcast_in_dim3A_751 = vector.broadcast %jit3A_749 : i32 to vector<16xi32>
        %select_n3A_752 = arith.select %lt3A_747, %broadcast_in_dim3A_750, %broadcast_in_dim3A_751 : vector<16xi1>, vector<16xi32>
        %add3A_753 = arith.addi %add3A_740, %select_n3A_752 : vector<16xi32>
        %add3A_754 = arith.constant 1 : i32
        %add3A_755 = vector.broadcast %add3A_754 : i32 to vector<16xi32>
        %add3A_756 = arith.addi %add3A_753, %add3A_755 : vector<16xi32>
        %broadcast_in_dim3A_757 = vector.shape_cast %add3A_756 : vector<16xi32> to vector<16x1xi32>
        %gather3A_758 = vector.shape_cast %broadcast_in_dim3A_757 : vector<16x1xi32> to vector<16xi32>
        %gather3A_759 = tpu.dynamic_gather %mul3A_423[%gather3A_758] in [0] : vector<16xf32>, vector<16xi32> -> vector<16xf32>
        %lt3A_760 = arith.cmpf olt, %gather3A_759, %sub3A_329 : vector<16xf32>
        %jit3A_761 = arith.constant 2 : i32
        %jit3A_762 = arith.constant 0 : i32
        %broadcast_in_dim3A_763 = vector.broadcast %jit3A_761 : i32 to vector<16xi32>
        %broadcast_in_dim3A_764 = vector.broadcast %jit3A_762 : i32 to vector<16xi32>
        %select_n3A_765 = arith.select %lt3A_760, %broadcast_in_dim3A_763, %broadcast_in_dim3A_764 : vector<16xi1>, vector<16xi32>
        %add3A_766 = arith.addi %add3A_753, %select_n3A_765 : vector<16xi32>
        %add3A_767 = arith.constant 0 : i32
        %add3A_768 = vector.broadcast %add3A_767 : i32 to vector<16xi32>
        %add3A_769 = arith.addi %add3A_766, %add3A_768 : vector<16xi32>
        %broadcast_in_dim3A_770 = vector.shape_cast %add3A_769 : vector<16xi32> to vector<16x1xi32>
        %gather3A_771 = vector.shape_cast %broadcast_in_dim3A_770 : vector<16x1xi32> to vector<16xi32>
        %gather3A_772 = tpu.dynamic_gather %mul3A_423[%gather3A_771] in [0] : vector<16xf32>, vector<16xi32> -> vector<16xf32>
        %lt3A_773 = arith.cmpf olt, %gather3A_772, %sub3A_329 : vector<16xf32>
        %jit3A_774 = arith.constant 1 : i32
        %jit3A_775 = arith.constant 0 : i32
        %broadcast_in_dim3A_776 = vector.broadcast %jit3A_774 : i32 to vector<16xi32>
        %broadcast_in_dim3A_777 = vector.broadcast %jit3A_775 : i32 to vector<16xi32>
        %select_n3A_778 = arith.select %lt3A_773, %broadcast_in_dim3A_776, %broadcast_in_dim3A_777 : vector<16xi1>, vector<16xi32>
        %add3A_779 = arith.addi %add3A_766, %select_n3A_778 : vector<16xi32>
        %broadcast_in_dim3A_780 = vector.shape_cast %add3A_779 : vector<16xi32> to vector<16x1xi32>
        %gather3A_781 = vector.shape_cast %broadcast_in_dim3A_780 : vector<16x1xi32> to vector<16xi32>
        %gather3A_782 = tpu.dynamic_gather %get3A_6[%gather3A_781] in [0] : vector<16xf32>, vector<16xi32> -> vector<16xf32>
        %mul3A_783 = arith.mulf %sub3A_329, %gather3A_782 : vector<16xf32>
        %mul3A_784 = arith.mulf %gather3A_782, %gather3A_782 : vector<16xf32>
        %add3A_785 = arith.addf %add3A_724, %mul3A_783 : vector<16xf32>
        %add3A_786 = arith.addf %add3A_725, %mul3A_784 : vector<16xf32>
        %broadcast_in_dim3A_787 = arith.constant 0 : i32
        %broadcast_in_dim3A_788 = vector.broadcast %broadcast_in_dim3A_787 : i32 to vector<16xi32>
        %add3A_789 = arith.constant 7 : i32
        %add3A_790 = vector.broadcast %add3A_789 : i32 to vector<16xi32>
        %add3A_791 = arith.addi %broadcast_in_dim3A_788, %add3A_790 : vector<16xi32>
        %broadcast_in_dim3A_792 = vector.shape_cast %add3A_791 : vector<16xi32> to vector<16x1xi32>
        %gather3A_793 = vector.shape_cast %broadcast_in_dim3A_792 : vector<16x1xi32> to vector<16xi32>
        %gather3A_794 = tpu.dynamic_gather %mul3A_423[%gather3A_793] in [0] : vector<16xf32>, vector<16xi32> -> vector<16xf32>
        %lt3A_795 = arith.cmpf olt, %gather3A_794, %sub3A_330 : vector<16xf32>
        %jit3A_796 = arith.constant 8 : i32
        %jit3A_797 = arith.constant 0 : i32
        %broadcast_in_dim3A_798 = vector.broadcast %jit3A_796 : i32 to vector<16xi32>
        %broadcast_in_dim3A_799 = vector.broadcast %jit3A_797 : i32 to vector<16xi32>
        %select_n3A_800 = arith.select %lt3A_795, %broadcast_in_dim3A_798, %broadcast_in_dim3A_799 : vector<16xi1>, vector<16xi32>
        %add3A_801 = arith.addi %broadcast_in_dim3A_788, %select_n3A_800 : vector<16xi32>
        %add3A_802 = arith.constant 3 : i32
        %add3A_803 = vector.broadcast %add3A_802 : i32 to vector<16xi32>
        %add3A_804 = arith.addi %add3A_801, %add3A_803 : vector<16xi32>
        %broadcast_in_dim3A_805 = vector.shape_cast %add3A_804 : vector<16xi32> to vector<16x1xi32>
        %gather3A_806 = vector.shape_cast %broadcast_in_dim3A_805 : vector<16x1xi32> to vector<16xi32>
        %gather3A_807 = tpu.dynamic_gather %mul3A_423[%gather3A_806] in [0] : vector<16xf32>, vector<16xi32> -> vector<16xf32>
        %lt3A_808 = arith.cmpf olt, %gather3A_807, %sub3A_330 : vector<16xf32>
        %jit3A_809 = arith.constant 4 : i32
        %jit3A_810 = arith.constant 0 : i32
        %broadcast_in_dim3A_811 = vector.broadcast %jit3A_809 : i32 to vector<16xi32>
        %broadcast_in_dim3A_812 = vector.broadcast %jit3A_810 : i32 to vector<16xi32>
        %select_n3A_813 = arith.select %lt3A_808, %broadcast_in_dim3A_811, %broadcast_in_dim3A_812 : vector<16xi1>, vector<16xi32>
        %add3A_814 = arith.addi %add3A_801, %select_n3A_813 : vector<16xi32>
        %add3A_815 = arith.constant 1 : i32
        %add3A_816 = vector.broadcast %add3A_815 : i32 to vector<16xi32>
        %add3A_817 = arith.addi %add3A_814, %add3A_816 : vector<16xi32>
        %broadcast_in_dim3A_818 = vector.shape_cast %add3A_817 : vector<16xi32> to vector<16x1xi32>
        %gather3A_819 = vector.shape_cast %broadcast_in_dim3A_818 : vector<16x1xi32> to vector<16xi32>
        %gather3A_820 = tpu.dynamic_gather %mul3A_423[%gather3A_819] in [0] : vector<16xf32>, vector<16xi32> -> vector<16xf32>
        %lt3A_821 = arith.cmpf olt, %gather3A_820, %sub3A_330 : vector<16xf32>
        %jit3A_822 = arith.constant 2 : i32
        %jit3A_823 = arith.constant 0 : i32
        %broadcast_in_dim3A_824 = vector.broadcast %jit3A_822 : i32 to vector<16xi32>
        %broadcast_in_dim3A_825 = vector.broadcast %jit3A_823 : i32 to vector<16xi32>
        %select_n3A_826 = arith.select %lt3A_821, %broadcast_in_dim3A_824, %broadcast_in_dim3A_825 : vector<16xi1>, vector<16xi32>
        %add3A_827 = arith.addi %add3A_814, %select_n3A_826 : vector<16xi32>
        %add3A_828 = arith.constant 0 : i32
        %add3A_829 = vector.broadcast %add3A_828 : i32 to vector<16xi32>
        %add3A_830 = arith.addi %add3A_827, %add3A_829 : vector<16xi32>
        %broadcast_in_dim3A_831 = vector.shape_cast %add3A_830 : vector<16xi32> to vector<16x1xi32>
        %gather3A_832 = vector.shape_cast %broadcast_in_dim3A_831 : vector<16x1xi32> to vector<16xi32>
        %gather3A_833 = tpu.dynamic_gather %mul3A_423[%gather3A_832] in [0] : vector<16xf32>, vector<16xi32> -> vector<16xf32>
        %lt3A_834 = arith.cmpf olt, %gather3A_833, %sub3A_330 : vector<16xf32>
        %jit3A_835 = arith.constant 1 : i32
        %jit3A_836 = arith.constant 0 : i32
        %broadcast_in_dim3A_837 = vector.broadcast %jit3A_835 : i32 to vector<16xi32>
        %broadcast_in_dim3A_838 = vector.broadcast %jit3A_836 : i32 to vector<16xi32>
        %select_n3A_839 = arith.select %lt3A_834, %broadcast_in_dim3A_837, %broadcast_in_dim3A_838 : vector<16xi1>, vector<16xi32>
        %add3A_840 = arith.addi %add3A_827, %select_n3A_839 : vector<16xi32>
        %broadcast_in_dim3A_841 = vector.shape_cast %add3A_840 : vector<16xi32> to vector<16x1xi32>
        %gather3A_842 = vector.shape_cast %broadcast_in_dim3A_841 : vector<16x1xi32> to vector<16xi32>
        %gather3A_843 = tpu.dynamic_gather %get3A_6[%gather3A_842] in [0] : vector<16xf32>, vector<16xi32> -> vector<16xf32>
        %mul3A_844 = arith.mulf %sub3A_330, %gather3A_843 : vector<16xf32>
        %mul3A_845 = arith.mulf %gather3A_843, %gather3A_843 : vector<16xf32>
        %add3A_846 = arith.addf %add3A_785, %mul3A_844 : vector<16xf32>
        %add3A_847 = arith.addf %add3A_786, %mul3A_845 : vector<16xf32>
        %broadcast_in_dim3A_848 = arith.constant 0 : i32
        %broadcast_in_dim3A_849 = vector.broadcast %broadcast_in_dim3A_848 : i32 to vector<16xi32>
        %add3A_850 = arith.constant 7 : i32
        %add3A_851 = vector.broadcast %add3A_850 : i32 to vector<16xi32>
        %add3A_852 = arith.addi %broadcast_in_dim3A_849, %add3A_851 : vector<16xi32>
        %broadcast_in_dim3A_853 = vector.shape_cast %add3A_852 : vector<16xi32> to vector<16x1xi32>
        %gather3A_854 = vector.shape_cast %broadcast_in_dim3A_853 : vector<16x1xi32> to vector<16xi32>
        %gather3A_855 = tpu.dynamic_gather %mul3A_423[%gather3A_854] in [0] : vector<16xf32>, vector<16xi32> -> vector<16xf32>
        %lt3A_856 = arith.cmpf olt, %gather3A_855, %sub3A_331 : vector<16xf32>
        %jit3A_857 = arith.constant 8 : i32
        %jit3A_858 = arith.constant 0 : i32
        %broadcast_in_dim3A_859 = vector.broadcast %jit3A_857 : i32 to vector<16xi32>
        %broadcast_in_dim3A_860 = vector.broadcast %jit3A_858 : i32 to vector<16xi32>
        %select_n3A_861 = arith.select %lt3A_856, %broadcast_in_dim3A_859, %broadcast_in_dim3A_860 : vector<16xi1>, vector<16xi32>
        %add3A_862 = arith.addi %broadcast_in_dim3A_849, %select_n3A_861 : vector<16xi32>
        %add3A_863 = arith.constant 3 : i32
        %add3A_864 = vector.broadcast %add3A_863 : i32 to vector<16xi32>
        %add3A_865 = arith.addi %add3A_862, %add3A_864 : vector<16xi32>
        %broadcast_in_dim3A_866 = vector.shape_cast %add3A_865 : vector<16xi32> to vector<16x1xi32>
        %gather3A_867 = vector.shape_cast %broadcast_in_dim3A_866 : vector<16x1xi32> to vector<16xi32>
        %gather3A_868 = tpu.dynamic_gather %mul3A_423[%gather3A_867] in [0] : vector<16xf32>, vector<16xi32> -> vector<16xf32>
        %lt3A_869 = arith.cmpf olt, %gather3A_868, %sub3A_331 : vector<16xf32>
        %jit3A_870 = arith.constant 4 : i32
        %jit3A_871 = arith.constant 0 : i32
        %broadcast_in_dim3A_872 = vector.broadcast %jit3A_870 : i32 to vector<16xi32>
        %broadcast_in_dim3A_873 = vector.broadcast %jit3A_871 : i32 to vector<16xi32>
        %select_n3A_874 = arith.select %lt3A_869, %broadcast_in_dim3A_872, %broadcast_in_dim3A_873 : vector<16xi1>, vector<16xi32>
        %add3A_875 = arith.addi %add3A_862, %select_n3A_874 : vector<16xi32>
        %add3A_876 = arith.constant 1 : i32
        %add3A_877 = vector.broadcast %add3A_876 : i32 to vector<16xi32>
        %add3A_878 = arith.addi %add3A_875, %add3A_877 : vector<16xi32>
        %broadcast_in_dim3A_879 = vector.shape_cast %add3A_878 : vector<16xi32> to vector<16x1xi32>
        %gather3A_880 = vector.shape_cast %broadcast_in_dim3A_879 : vector<16x1xi32> to vector<16xi32>
        %gather3A_881 = tpu.dynamic_gather %mul3A_423[%gather3A_880] in [0] : vector<16xf32>, vector<16xi32> -> vector<16xf32>
        %lt3A_882 = arith.cmpf olt, %gather3A_881, %sub3A_331 : vector<16xf32>
        %jit3A_883 = arith.constant 2 : i32
        %jit3A_884 = arith.constant 0 : i32
        %broadcast_in_dim3A_885 = vector.broadcast %jit3A_883 : i32 to vector<16xi32>
        %broadcast_in_dim3A_886 = vector.broadcast %jit3A_884 : i32 to vector<16xi32>
        %select_n3A_887 = arith.select %lt3A_882, %broadcast_in_dim3A_885, %broadcast_in_dim3A_886 : vector<16xi1>, vector<16xi32>
        %add3A_888 = arith.addi %add3A_875, %select_n3A_887 : vector<16xi32>
        %add3A_889 = arith.constant 0 : i32
        %add3A_890 = vector.broadcast %add3A_889 : i32 to vector<16xi32>
        %add3A_891 = arith.addi %add3A_888, %add3A_890 : vector<16xi32>
        %broadcast_in_dim3A_892 = vector.shape_cast %add3A_891 : vector<16xi32> to vector<16x1xi32>
        %gather3A_893 = vector.shape_cast %broadcast_in_dim3A_892 : vector<16x1xi32> to vector<16xi32>
        %gather3A_894 = tpu.dynamic_gather %mul3A_423[%gather3A_893] in [0] : vector<16xf32>, vector<16xi32> -> vector<16xf32>
        %lt3A_895 = arith.cmpf olt, %gather3A_894, %sub3A_331 : vector<16xf32>
        %jit3A_896 = arith.constant 1 : i32
        %jit3A_897 = arith.constant 0 : i32
        %broadcast_in_dim3A_898 = vector.broadcast %jit3A_896 : i32 to vector<16xi32>
        %broadcast_in_dim3A_899 = vector.broadcast %jit3A_897 : i32 to vector<16xi32>
        %select_n3A_900 = arith.select %lt3A_895, %broadcast_in_dim3A_898, %broadcast_in_dim3A_899 : vector<16xi1>, vector<16xi32>
        %add3A_901 = arith.addi %add3A_888, %select_n3A_900 : vector<16xi32>
        %broadcast_in_dim3A_902 = vector.shape_cast %add3A_901 : vector<16xi32> to vector<16x1xi32>
        %gather3A_903 = vector.shape_cast %broadcast_in_dim3A_902 : vector<16x1xi32> to vector<16xi32>
        %gather3A_904 = tpu.dynamic_gather %get3A_6[%gather3A_903] in [0] : vector<16xf32>, vector<16xi32> -> vector<16xf32>
        %mul3A_905 = arith.mulf %sub3A_331, %gather3A_904 : vector<16xf32>
        %mul3A_906 = arith.mulf %gather3A_904, %gather3A_904 : vector<16xf32>
        %add3A_907 = arith.addf %add3A_846, %mul3A_905 : vector<16xf32>
        %add3A_908 = arith.addf %add3A_847, %mul3A_906 : vector<16xf32>
        %iota3A_909 = tpu.iota {dimensions = array<i32: 0>} : vector<16xi32>
        %xor3A_910 = arith.constant 1 : i32
        %xor3A_911 = vector.broadcast %xor3A_910 : i32 to vector<16xi32>
        %xor3A_912 = arith.xori %iota3A_909, %xor3A_911 : vector<16xi32>
        %broadcast_in_dim3A_913 = vector.shape_cast %xor3A_912 : vector<16xi32> to vector<16x1xi32>
        %gather3A_914 = vector.shape_cast %broadcast_in_dim3A_913 : vector<16x1xi32> to vector<16xi32>
        %gather3A_915 = tpu.dynamic_gather %add3A_907[%gather3A_914] in [0] : vector<16xf32>, vector<16xi32> -> vector<16xf32>
        %add3A_916 = arith.addf %add3A_907, %gather3A_915 : vector<16xf32>
        %xor3A_917 = arith.constant 2 : i32
        %xor3A_918 = vector.broadcast %xor3A_917 : i32 to vector<16xi32>
        %xor3A_919 = arith.xori %iota3A_909, %xor3A_918 : vector<16xi32>
        %broadcast_in_dim3A_920 = vector.shape_cast %xor3A_919 : vector<16xi32> to vector<16x1xi32>
        %gather3A_921 = vector.shape_cast %broadcast_in_dim3A_920 : vector<16x1xi32> to vector<16xi32>
        %gather3A_922 = tpu.dynamic_gather %add3A_916[%gather3A_921] in [0] : vector<16xf32>, vector<16xi32> -> vector<16xf32>
        %add3A_923 = arith.addf %add3A_916, %gather3A_922 : vector<16xf32>
        %xor3A_924 = arith.constant 4 : i32
        %xor3A_925 = vector.broadcast %xor3A_924 : i32 to vector<16xi32>
        %xor3A_926 = arith.xori %iota3A_909, %xor3A_925 : vector<16xi32>
        %broadcast_in_dim3A_927 = vector.shape_cast %xor3A_926 : vector<16xi32> to vector<16x1xi32>
        %gather3A_928 = vector.shape_cast %broadcast_in_dim3A_927 : vector<16x1xi32> to vector<16xi32>
        %gather3A_929 = tpu.dynamic_gather %add3A_923[%gather3A_928] in [0] : vector<16xf32>, vector<16xi32> -> vector<16xf32>
        %add3A_930 = arith.addf %add3A_923, %gather3A_929 : vector<16xf32>
        %xor3A_931 = arith.constant 8 : i32
        %xor3A_932 = vector.broadcast %xor3A_931 : i32 to vector<16xi32>
        %xor3A_933 = arith.xori %iota3A_909, %xor3A_932 : vector<16xi32>
        %broadcast_in_dim3A_934 = vector.shape_cast %xor3A_933 : vector<16xi32> to vector<16x1xi32>
        %gather3A_935 = vector.shape_cast %broadcast_in_dim3A_934 : vector<16x1xi32> to vector<16xi32>
        %gather3A_936 = tpu.dynamic_gather %add3A_930[%gather3A_935] in [0] : vector<16xf32>, vector<16xi32> -> vector<16xf32>
        %add3A_937 = arith.addf %add3A_930, %gather3A_936 : vector<16xf32>
        %iota3A_938 = tpu.iota {dimensions = array<i32: 0>} : vector<16xi32>
        %xor3A_939 = arith.constant 1 : i32
        %xor3A_940 = vector.broadcast %xor3A_939 : i32 to vector<16xi32>
        %xor3A_941 = arith.xori %iota3A_938, %xor3A_940 : vector<16xi32>
        %broadcast_in_dim3A_942 = vector.shape_cast %xor3A_941 : vector<16xi32> to vector<16x1xi32>
        %gather3A_943 = vector.shape_cast %broadcast_in_dim3A_942 : vector<16x1xi32> to vector<16xi32>
        %gather3A_944 = tpu.dynamic_gather %add3A_908[%gather3A_943] in [0] : vector<16xf32>, vector<16xi32> -> vector<16xf32>
        %add3A_945 = arith.addf %add3A_908, %gather3A_944 : vector<16xf32>
        %xor3A_946 = arith.constant 2 : i32
        %xor3A_947 = vector.broadcast %xor3A_946 : i32 to vector<16xi32>
        %xor3A_948 = arith.xori %iota3A_938, %xor3A_947 : vector<16xi32>
        %broadcast_in_dim3A_949 = vector.shape_cast %xor3A_948 : vector<16xi32> to vector<16x1xi32>
        %gather3A_950 = vector.shape_cast %broadcast_in_dim3A_949 : vector<16x1xi32> to vector<16xi32>
        %gather3A_951 = tpu.dynamic_gather %add3A_945[%gather3A_950] in [0] : vector<16xf32>, vector<16xi32> -> vector<16xf32>
        %add3A_952 = arith.addf %add3A_945, %gather3A_951 : vector<16xf32>
        %xor3A_953 = arith.constant 4 : i32
        %xor3A_954 = vector.broadcast %xor3A_953 : i32 to vector<16xi32>
        %xor3A_955 = arith.xori %iota3A_938, %xor3A_954 : vector<16xi32>
        %broadcast_in_dim3A_956 = vector.shape_cast %xor3A_955 : vector<16xi32> to vector<16x1xi32>
        %gather3A_957 = vector.shape_cast %broadcast_in_dim3A_956 : vector<16x1xi32> to vector<16xi32>
        %gather3A_958 = tpu.dynamic_gather %add3A_952[%gather3A_957] in [0] : vector<16xf32>, vector<16xi32> -> vector<16xf32>
        %add3A_959 = arith.addf %add3A_952, %gather3A_958 : vector<16xf32>
        %xor3A_960 = arith.constant 8 : i32
        %xor3A_961 = vector.broadcast %xor3A_960 : i32 to vector<16xi32>
        %xor3A_962 = arith.xori %iota3A_938, %xor3A_961 : vector<16xi32>
        %broadcast_in_dim3A_963 = vector.shape_cast %xor3A_962 : vector<16xi32> to vector<16x1xi32>
        %gather3A_964 = vector.shape_cast %broadcast_in_dim3A_963 : vector<16x1xi32> to vector<16xi32>
        %gather3A_965 = tpu.dynamic_gather %add3A_959[%gather3A_964] in [0] : vector<16xf32>, vector<16xi32> -> vector<16xf32>
        %add3A_966 = arith.addf %add3A_959, %gather3A_965 : vector<16xf32>
        %add3A_967 = arith.constant 9.99999993E-9 : f32
        %add3A_968 = vector.broadcast %add3A_967 : f32 to vector<16xf32>
        %add3A_969 = arith.addf %add3A_966, %add3A_968 : vector<16xf32>
        %div3A = arith.divf %add3A_937, %add3A_969 : vector<16xf32>
        %add3A_970 = arith.addf %div3A, %mul3A_418 : vector<16xf32>
        %mul3A_971 = arith.constant 7.812500e-03 : f32
        %mul3A_972 = vector.broadcast %mul3A_971 : f32 to vector<16xf32>
        %mul3A_973 = arith.mulf %add3A_409, %mul3A_972 : vector<16xf32>
        %add3A_974 = arith.addf %mul3A_973, %mul3A_418 : vector<16xf32>
        %mul3A_975 = arith.constant 5.000000e+00 : f32
        %mul3A_976 = vector.broadcast %mul3A_975 : f32 to vector<16xf32>
        %mul3A_977 = arith.mulf %mul3A_976, %add3A_974 : vector<16xf32>
        %gt3A = arith.cmpf ogt, %max3A_380, %mul3A_977 : vector<16xf32>
        %select_n3A_978 = arith.select %gt3A, %add3A_422, %add3A_970 : vector<16xi1>, vector<16xf32>
        %mul3A_979 = arith.mulf %get3A_9, %select_n3A_978 : vector<16xf32>
        %broadcast_in_dim3A_980 = arith.constant 0 : i32
        %broadcast_in_dim3A_981 = vector.broadcast %broadcast_in_dim3A_980 : i32 to vector<16xi32>
        %add3A_982 = arith.constant 7 : i32
        %add3A_983 = vector.broadcast %add3A_982 : i32 to vector<16xi32>
        %add3A_984 = arith.addi %broadcast_in_dim3A_981, %add3A_983 : vector<16xi32>
        %broadcast_in_dim3A_985 = vector.shape_cast %add3A_984 : vector<16xi32> to vector<16x1xi32>
        %gather3A_986 = vector.shape_cast %broadcast_in_dim3A_985 : vector<16x1xi32> to vector<16xi32>
        %gather3A_987 = tpu.dynamic_gather %mul3A_979[%gather3A_986] in [0] : vector<16xf32>, vector<16xi32> -> vector<16xf32>
        %lt3A_988 = arith.cmpf olt, %gather3A_987, %add3A_324 : vector<16xf32>
        %jit3A_989 = arith.constant 8 : i32
        %jit3A_990 = arith.constant 0 : i32
        %broadcast_in_dim3A_991 = vector.broadcast %jit3A_989 : i32 to vector<16xi32>
        %broadcast_in_dim3A_992 = vector.broadcast %jit3A_990 : i32 to vector<16xi32>
        %select_n3A_993 = arith.select %lt3A_988, %broadcast_in_dim3A_991, %broadcast_in_dim3A_992 : vector<16xi1>, vector<16xi32>
        %add3A_994 = arith.addi %broadcast_in_dim3A_981, %select_n3A_993 : vector<16xi32>
        %add3A_995 = arith.constant 3 : i32
        %add3A_996 = vector.broadcast %add3A_995 : i32 to vector<16xi32>
        %add3A_997 = arith.addi %add3A_994, %add3A_996 : vector<16xi32>
        %broadcast_in_dim3A_998 = vector.shape_cast %add3A_997 : vector<16xi32> to vector<16x1xi32>
        %gather3A_999 = vector.shape_cast %broadcast_in_dim3A_998 : vector<16x1xi32> to vector<16xi32>
        %gather3A_1000 = tpu.dynamic_gather %mul3A_979[%gather3A_999] in [0] : vector<16xf32>, vector<16xi32> -> vector<16xf32>
        %lt3A_1001 = arith.cmpf olt, %gather3A_1000, %add3A_324 : vector<16xf32>
        %jit3A_1002 = arith.constant 4 : i32
        %jit3A_1003 = arith.constant 0 : i32
        %broadcast_in_dim3A_1004 = vector.broadcast %jit3A_1002 : i32 to vector<16xi32>
        %broadcast_in_dim3A_1005 = vector.broadcast %jit3A_1003 : i32 to vector<16xi32>
        %select_n3A_1006 = arith.select %lt3A_1001, %broadcast_in_dim3A_1004, %broadcast_in_dim3A_1005 : vector<16xi1>, vector<16xi32>
        %add3A_1007 = arith.addi %add3A_994, %select_n3A_1006 : vector<16xi32>
        %add3A_1008 = arith.constant 1 : i32
        %add3A_1009 = vector.broadcast %add3A_1008 : i32 to vector<16xi32>
        %add3A_1010 = arith.addi %add3A_1007, %add3A_1009 : vector<16xi32>
        %broadcast_in_dim3A_1011 = vector.shape_cast %add3A_1010 : vector<16xi32> to vector<16x1xi32>
        %gather3A_1012 = vector.shape_cast %broadcast_in_dim3A_1011 : vector<16x1xi32> to vector<16xi32>
        %gather3A_1013 = tpu.dynamic_gather %mul3A_979[%gather3A_1012] in [0] : vector<16xf32>, vector<16xi32> -> vector<16xf32>
        %lt3A_1014 = arith.cmpf olt, %gather3A_1013, %add3A_324 : vector<16xf32>
        %jit3A_1015 = arith.constant 2 : i32
        %jit3A_1016 = arith.constant 0 : i32
        %broadcast_in_dim3A_1017 = vector.broadcast %jit3A_1015 : i32 to vector<16xi32>
        %broadcast_in_dim3A_1018 = vector.broadcast %jit3A_1016 : i32 to vector<16xi32>
        %select_n3A_1019 = arith.select %lt3A_1014, %broadcast_in_dim3A_1017, %broadcast_in_dim3A_1018 : vector<16xi1>, vector<16xi32>
        %add3A_1020 = arith.addi %add3A_1007, %select_n3A_1019 : vector<16xi32>
        %add3A_1021 = arith.constant 0 : i32
        %add3A_1022 = vector.broadcast %add3A_1021 : i32 to vector<16xi32>
        %add3A_1023 = arith.addi %add3A_1020, %add3A_1022 : vector<16xi32>
        %broadcast_in_dim3A_1024 = vector.shape_cast %add3A_1023 : vector<16xi32> to vector<16x1xi32>
        %gather3A_1025 = vector.shape_cast %broadcast_in_dim3A_1024 : vector<16x1xi32> to vector<16xi32>
        %gather3A_1026 = tpu.dynamic_gather %mul3A_979[%gather3A_1025] in [0] : vector<16xf32>, vector<16xi32> -> vector<16xf32>
        %lt3A_1027 = arith.cmpf olt, %gather3A_1026, %add3A_324 : vector<16xf32>
        %jit3A_1028 = arith.constant 1 : i32
        %jit3A_1029 = arith.constant 0 : i32
        %broadcast_in_dim3A_1030 = vector.broadcast %jit3A_1028 : i32 to vector<16xi32>
        %broadcast_in_dim3A_1031 = vector.broadcast %jit3A_1029 : i32 to vector<16xi32>
        %select_n3A_1032 = arith.select %lt3A_1027, %broadcast_in_dim3A_1030, %broadcast_in_dim3A_1031 : vector<16xi1>, vector<16xi32>
        %add3A_1033 = arith.addi %add3A_1020, %select_n3A_1032 : vector<16xi32>
        %broadcast_in_dim3A_1034 = vector.shape_cast %add3A_1033 : vector<16xi32> to vector<16x1xi32>
        %gather3A_1035 = vector.shape_cast %broadcast_in_dim3A_1034 : vector<16x1xi32> to vector<16xi32>
        %gather3A_1036 = tpu.dynamic_gather %get3A_6[%gather3A_1035] in [0] : vector<16xf32>, vector<16xi32> -> vector<16xf32>
        %mul3A_1037 = arith.mulf %add3A_324, %gather3A_1036 : vector<16xf32>
        %mul3A_1038 = arith.mulf %gather3A_1036, %gather3A_1036 : vector<16xf32>
        %broadcast_in_dim3A_1039 = arith.constant 0 : i32
        %broadcast_in_dim3A_1040 = vector.broadcast %broadcast_in_dim3A_1039 : i32 to vector<16xi32>
        %add3A_1041 = arith.constant 7 : i32
        %add3A_1042 = vector.broadcast %add3A_1041 : i32 to vector<16xi32>
        %add3A_1043 = arith.addi %broadcast_in_dim3A_1040, %add3A_1042 : vector<16xi32>
        %broadcast_in_dim3A_1044 = vector.shape_cast %add3A_1043 : vector<16xi32> to vector<16x1xi32>
        %gather3A_1045 = vector.shape_cast %broadcast_in_dim3A_1044 : vector<16x1xi32> to vector<16xi32>
        %gather3A_1046 = tpu.dynamic_gather %mul3A_979[%gather3A_1045] in [0] : vector<16xf32>, vector<16xi32> -> vector<16xf32>
        %lt3A_1047 = arith.cmpf olt, %gather3A_1046, %add3A_325 : vector<16xf32>
        %jit3A_1048 = arith.constant 8 : i32
        %jit3A_1049 = arith.constant 0 : i32
        %broadcast_in_dim3A_1050 = vector.broadcast %jit3A_1048 : i32 to vector<16xi32>
        %broadcast_in_dim3A_1051 = vector.broadcast %jit3A_1049 : i32 to vector<16xi32>
        %select_n3A_1052 = arith.select %lt3A_1047, %broadcast_in_dim3A_1050, %broadcast_in_dim3A_1051 : vector<16xi1>, vector<16xi32>
        %add3A_1053 = arith.addi %broadcast_in_dim3A_1040, %select_n3A_1052 : vector<16xi32>
        %add3A_1054 = arith.constant 3 : i32
        %add3A_1055 = vector.broadcast %add3A_1054 : i32 to vector<16xi32>
        %add3A_1056 = arith.addi %add3A_1053, %add3A_1055 : vector<16xi32>
        %broadcast_in_dim3A_1057 = vector.shape_cast %add3A_1056 : vector<16xi32> to vector<16x1xi32>
        %gather3A_1058 = vector.shape_cast %broadcast_in_dim3A_1057 : vector<16x1xi32> to vector<16xi32>
        %gather3A_1059 = tpu.dynamic_gather %mul3A_979[%gather3A_1058] in [0] : vector<16xf32>, vector<16xi32> -> vector<16xf32>
        %lt3A_1060 = arith.cmpf olt, %gather3A_1059, %add3A_325 : vector<16xf32>
        %jit3A_1061 = arith.constant 4 : i32
        %jit3A_1062 = arith.constant 0 : i32
        %broadcast_in_dim3A_1063 = vector.broadcast %jit3A_1061 : i32 to vector<16xi32>
        %broadcast_in_dim3A_1064 = vector.broadcast %jit3A_1062 : i32 to vector<16xi32>
        %select_n3A_1065 = arith.select %lt3A_1060, %broadcast_in_dim3A_1063, %broadcast_in_dim3A_1064 : vector<16xi1>, vector<16xi32>
        %add3A_1066 = arith.addi %add3A_1053, %select_n3A_1065 : vector<16xi32>
        %add3A_1067 = arith.constant 1 : i32
        %add3A_1068 = vector.broadcast %add3A_1067 : i32 to vector<16xi32>
        %add3A_1069 = arith.addi %add3A_1066, %add3A_1068 : vector<16xi32>
        %broadcast_in_dim3A_1070 = vector.shape_cast %add3A_1069 : vector<16xi32> to vector<16x1xi32>
        %gather3A_1071 = vector.shape_cast %broadcast_in_dim3A_1070 : vector<16x1xi32> to vector<16xi32>
        %gather3A_1072 = tpu.dynamic_gather %mul3A_979[%gather3A_1071] in [0] : vector<16xf32>, vector<16xi32> -> vector<16xf32>
        %lt3A_1073 = arith.cmpf olt, %gather3A_1072, %add3A_325 : vector<16xf32>
        %jit3A_1074 = arith.constant 2 : i32
        %jit3A_1075 = arith.constant 0 : i32
        %broadcast_in_dim3A_1076 = vector.broadcast %jit3A_1074 : i32 to vector<16xi32>
        %broadcast_in_dim3A_1077 = vector.broadcast %jit3A_1075 : i32 to vector<16xi32>
        %select_n3A_1078 = arith.select %lt3A_1073, %broadcast_in_dim3A_1076, %broadcast_in_dim3A_1077 : vector<16xi1>, vector<16xi32>
        %add3A_1079 = arith.addi %add3A_1066, %select_n3A_1078 : vector<16xi32>
        %add3A_1080 = arith.constant 0 : i32
        %add3A_1081 = vector.broadcast %add3A_1080 : i32 to vector<16xi32>
        %add3A_1082 = arith.addi %add3A_1079, %add3A_1081 : vector<16xi32>
        %broadcast_in_dim3A_1083 = vector.shape_cast %add3A_1082 : vector<16xi32> to vector<16x1xi32>
        %gather3A_1084 = vector.shape_cast %broadcast_in_dim3A_1083 : vector<16x1xi32> to vector<16xi32>
        %gather3A_1085 = tpu.dynamic_gather %mul3A_979[%gather3A_1084] in [0] : vector<16xf32>, vector<16xi32> -> vector<16xf32>
        %lt3A_1086 = arith.cmpf olt, %gather3A_1085, %add3A_325 : vector<16xf32>
        %jit3A_1087 = arith.constant 1 : i32
        %jit3A_1088 = arith.constant 0 : i32
        %broadcast_in_dim3A_1089 = vector.broadcast %jit3A_1087 : i32 to vector<16xi32>
        %broadcast_in_dim3A_1090 = vector.broadcast %jit3A_1088 : i32 to vector<16xi32>
        %select_n3A_1091 = arith.select %lt3A_1086, %broadcast_in_dim3A_1089, %broadcast_in_dim3A_1090 : vector<16xi1>, vector<16xi32>
        %add3A_1092 = arith.addi %add3A_1079, %select_n3A_1091 : vector<16xi32>
        %broadcast_in_dim3A_1093 = vector.shape_cast %add3A_1092 : vector<16xi32> to vector<16x1xi32>
        %gather3A_1094 = vector.shape_cast %broadcast_in_dim3A_1093 : vector<16x1xi32> to vector<16xi32>
        %gather3A_1095 = tpu.dynamic_gather %get3A_6[%gather3A_1094] in [0] : vector<16xf32>, vector<16xi32> -> vector<16xf32>
        %mul3A_1096 = arith.mulf %add3A_325, %gather3A_1095 : vector<16xf32>
        %mul3A_1097 = arith.mulf %gather3A_1095, %gather3A_1095 : vector<16xf32>
        %add3A_1098 = arith.addf %mul3A_1037, %mul3A_1096 : vector<16xf32>
        %add3A_1099 = arith.addf %mul3A_1038, %mul3A_1097 : vector<16xf32>
        %broadcast_in_dim3A_1100 = arith.constant 0 : i32
        %broadcast_in_dim3A_1101 = vector.broadcast %broadcast_in_dim3A_1100 : i32 to vector<16xi32>
        %add3A_1102 = arith.constant 7 : i32
        %add3A_1103 = vector.broadcast %add3A_1102 : i32 to vector<16xi32>
        %add3A_1104 = arith.addi %broadcast_in_dim3A_1101, %add3A_1103 : vector<16xi32>
        %broadcast_in_dim3A_1105 = vector.shape_cast %add3A_1104 : vector<16xi32> to vector<16x1xi32>
        %gather3A_1106 = vector.shape_cast %broadcast_in_dim3A_1105 : vector<16x1xi32> to vector<16xi32>
        %gather3A_1107 = tpu.dynamic_gather %mul3A_979[%gather3A_1106] in [0] : vector<16xf32>, vector<16xi32> -> vector<16xf32>
        %lt3A_1108 = arith.cmpf olt, %gather3A_1107, %add3A_326 : vector<16xf32>
        %jit3A_1109 = arith.constant 8 : i32
        %jit3A_1110 = arith.constant 0 : i32
        %broadcast_in_dim3A_1111 = vector.broadcast %jit3A_1109 : i32 to vector<16xi32>
        %broadcast_in_dim3A_1112 = vector.broadcast %jit3A_1110 : i32 to vector<16xi32>
        %select_n3A_1113 = arith.select %lt3A_1108, %broadcast_in_dim3A_1111, %broadcast_in_dim3A_1112 : vector<16xi1>, vector<16xi32>
        %add3A_1114 = arith.addi %broadcast_in_dim3A_1101, %select_n3A_1113 : vector<16xi32>
        %add3A_1115 = arith.constant 3 : i32
        %add3A_1116 = vector.broadcast %add3A_1115 : i32 to vector<16xi32>
        %add3A_1117 = arith.addi %add3A_1114, %add3A_1116 : vector<16xi32>
        %broadcast_in_dim3A_1118 = vector.shape_cast %add3A_1117 : vector<16xi32> to vector<16x1xi32>
        %gather3A_1119 = vector.shape_cast %broadcast_in_dim3A_1118 : vector<16x1xi32> to vector<16xi32>
        %gather3A_1120 = tpu.dynamic_gather %mul3A_979[%gather3A_1119] in [0] : vector<16xf32>, vector<16xi32> -> vector<16xf32>
        %lt3A_1121 = arith.cmpf olt, %gather3A_1120, %add3A_326 : vector<16xf32>
        %jit3A_1122 = arith.constant 4 : i32
        %jit3A_1123 = arith.constant 0 : i32
        %broadcast_in_dim3A_1124 = vector.broadcast %jit3A_1122 : i32 to vector<16xi32>
        %broadcast_in_dim3A_1125 = vector.broadcast %jit3A_1123 : i32 to vector<16xi32>
        %select_n3A_1126 = arith.select %lt3A_1121, %broadcast_in_dim3A_1124, %broadcast_in_dim3A_1125 : vector<16xi1>, vector<16xi32>
        %add3A_1127 = arith.addi %add3A_1114, %select_n3A_1126 : vector<16xi32>
        %add3A_1128 = arith.constant 1 : i32
        %add3A_1129 = vector.broadcast %add3A_1128 : i32 to vector<16xi32>
        %add3A_1130 = arith.addi %add3A_1127, %add3A_1129 : vector<16xi32>
        %broadcast_in_dim3A_1131 = vector.shape_cast %add3A_1130 : vector<16xi32> to vector<16x1xi32>
        %gather3A_1132 = vector.shape_cast %broadcast_in_dim3A_1131 : vector<16x1xi32> to vector<16xi32>
        %gather3A_1133 = tpu.dynamic_gather %mul3A_979[%gather3A_1132] in [0] : vector<16xf32>, vector<16xi32> -> vector<16xf32>
        %lt3A_1134 = arith.cmpf olt, %gather3A_1133, %add3A_326 : vector<16xf32>
        %jit3A_1135 = arith.constant 2 : i32
        %jit3A_1136 = arith.constant 0 : i32
        %broadcast_in_dim3A_1137 = vector.broadcast %jit3A_1135 : i32 to vector<16xi32>
        %broadcast_in_dim3A_1138 = vector.broadcast %jit3A_1136 : i32 to vector<16xi32>
        %select_n3A_1139 = arith.select %lt3A_1134, %broadcast_in_dim3A_1137, %broadcast_in_dim3A_1138 : vector<16xi1>, vector<16xi32>
        %add3A_1140 = arith.addi %add3A_1127, %select_n3A_1139 : vector<16xi32>
        %add3A_1141 = arith.constant 0 : i32
        %add3A_1142 = vector.broadcast %add3A_1141 : i32 to vector<16xi32>
        %add3A_1143 = arith.addi %add3A_1140, %add3A_1142 : vector<16xi32>
        %broadcast_in_dim3A_1144 = vector.shape_cast %add3A_1143 : vector<16xi32> to vector<16x1xi32>
        %gather3A_1145 = vector.shape_cast %broadcast_in_dim3A_1144 : vector<16x1xi32> to vector<16xi32>
        %gather3A_1146 = tpu.dynamic_gather %mul3A_979[%gather3A_1145] in [0] : vector<16xf32>, vector<16xi32> -> vector<16xf32>
        %lt3A_1147 = arith.cmpf olt, %gather3A_1146, %add3A_326 : vector<16xf32>
        %jit3A_1148 = arith.constant 1 : i32
        %jit3A_1149 = arith.constant 0 : i32
        %broadcast_in_dim3A_1150 = vector.broadcast %jit3A_1148 : i32 to vector<16xi32>
        %broadcast_in_dim3A_1151 = vector.broadcast %jit3A_1149 : i32 to vector<16xi32>
        %select_n3A_1152 = arith.select %lt3A_1147, %broadcast_in_dim3A_1150, %broadcast_in_dim3A_1151 : vector<16xi1>, vector<16xi32>
        %add3A_1153 = arith.addi %add3A_1140, %select_n3A_1152 : vector<16xi32>
        %broadcast_in_dim3A_1154 = vector.shape_cast %add3A_1153 : vector<16xi32> to vector<16x1xi32>
        %gather3A_1155 = vector.shape_cast %broadcast_in_dim3A_1154 : vector<16x1xi32> to vector<16xi32>
        %gather3A_1156 = tpu.dynamic_gather %get3A_6[%gather3A_1155] in [0] : vector<16xf32>, vector<16xi32> -> vector<16xf32>
        %mul3A_1157 = arith.mulf %add3A_326, %gather3A_1156 : vector<16xf32>
        %mul3A_1158 = arith.mulf %gather3A_1156, %gather3A_1156 : vector<16xf32>
        %add3A_1159 = arith.addf %add3A_1098, %mul3A_1157 : vector<16xf32>
        %add3A_1160 = arith.addf %add3A_1099, %mul3A_1158 : vector<16xf32>
        %broadcast_in_dim3A_1161 = arith.constant 0 : i32
        %broadcast_in_dim3A_1162 = vector.broadcast %broadcast_in_dim3A_1161 : i32 to vector<16xi32>
        %add3A_1163 = arith.constant 7 : i32
        %add3A_1164 = vector.broadcast %add3A_1163 : i32 to vector<16xi32>
        %add3A_1165 = arith.addi %broadcast_in_dim3A_1162, %add3A_1164 : vector<16xi32>
        %broadcast_in_dim3A_1166 = vector.shape_cast %add3A_1165 : vector<16xi32> to vector<16x1xi32>
        %gather3A_1167 = vector.shape_cast %broadcast_in_dim3A_1166 : vector<16x1xi32> to vector<16xi32>
        %gather3A_1168 = tpu.dynamic_gather %mul3A_979[%gather3A_1167] in [0] : vector<16xf32>, vector<16xi32> -> vector<16xf32>
        %lt3A_1169 = arith.cmpf olt, %gather3A_1168, %add3A_327 : vector<16xf32>
        %jit3A_1170 = arith.constant 8 : i32
        %jit3A_1171 = arith.constant 0 : i32
        %broadcast_in_dim3A_1172 = vector.broadcast %jit3A_1170 : i32 to vector<16xi32>
        %broadcast_in_dim3A_1173 = vector.broadcast %jit3A_1171 : i32 to vector<16xi32>
        %select_n3A_1174 = arith.select %lt3A_1169, %broadcast_in_dim3A_1172, %broadcast_in_dim3A_1173 : vector<16xi1>, vector<16xi32>
        %add3A_1175 = arith.addi %broadcast_in_dim3A_1162, %select_n3A_1174 : vector<16xi32>
        %add3A_1176 = arith.constant 3 : i32
        %add3A_1177 = vector.broadcast %add3A_1176 : i32 to vector<16xi32>
        %add3A_1178 = arith.addi %add3A_1175, %add3A_1177 : vector<16xi32>
        %broadcast_in_dim3A_1179 = vector.shape_cast %add3A_1178 : vector<16xi32> to vector<16x1xi32>
        %gather3A_1180 = vector.shape_cast %broadcast_in_dim3A_1179 : vector<16x1xi32> to vector<16xi32>
        %gather3A_1181 = tpu.dynamic_gather %mul3A_979[%gather3A_1180] in [0] : vector<16xf32>, vector<16xi32> -> vector<16xf32>
        %lt3A_1182 = arith.cmpf olt, %gather3A_1181, %add3A_327 : vector<16xf32>
        %jit3A_1183 = arith.constant 4 : i32
        %jit3A_1184 = arith.constant 0 : i32
        %broadcast_in_dim3A_1185 = vector.broadcast %jit3A_1183 : i32 to vector<16xi32>
        %broadcast_in_dim3A_1186 = vector.broadcast %jit3A_1184 : i32 to vector<16xi32>
        %select_n3A_1187 = arith.select %lt3A_1182, %broadcast_in_dim3A_1185, %broadcast_in_dim3A_1186 : vector<16xi1>, vector<16xi32>
        %add3A_1188 = arith.addi %add3A_1175, %select_n3A_1187 : vector<16xi32>
        %add3A_1189 = arith.constant 1 : i32
        %add3A_1190 = vector.broadcast %add3A_1189 : i32 to vector<16xi32>
        %add3A_1191 = arith.addi %add3A_1188, %add3A_1190 : vector<16xi32>
        %broadcast_in_dim3A_1192 = vector.shape_cast %add3A_1191 : vector<16xi32> to vector<16x1xi32>
        %gather3A_1193 = vector.shape_cast %broadcast_in_dim3A_1192 : vector<16x1xi32> to vector<16xi32>
        %gather3A_1194 = tpu.dynamic_gather %mul3A_979[%gather3A_1193] in [0] : vector<16xf32>, vector<16xi32> -> vector<16xf32>
        %lt3A_1195 = arith.cmpf olt, %gather3A_1194, %add3A_327 : vector<16xf32>
        %jit3A_1196 = arith.constant 2 : i32
        %jit3A_1197 = arith.constant 0 : i32
        %broadcast_in_dim3A_1198 = vector.broadcast %jit3A_1196 : i32 to vector<16xi32>
        %broadcast_in_dim3A_1199 = vector.broadcast %jit3A_1197 : i32 to vector<16xi32>
        %select_n3A_1200 = arith.select %lt3A_1195, %broadcast_in_dim3A_1198, %broadcast_in_dim3A_1199 : vector<16xi1>, vector<16xi32>
        %add3A_1201 = arith.addi %add3A_1188, %select_n3A_1200 : vector<16xi32>
        %add3A_1202 = arith.constant 0 : i32
        %add3A_1203 = vector.broadcast %add3A_1202 : i32 to vector<16xi32>
        %add3A_1204 = arith.addi %add3A_1201, %add3A_1203 : vector<16xi32>
        %broadcast_in_dim3A_1205 = vector.shape_cast %add3A_1204 : vector<16xi32> to vector<16x1xi32>
        %gather3A_1206 = vector.shape_cast %broadcast_in_dim3A_1205 : vector<16x1xi32> to vector<16xi32>
        %gather3A_1207 = tpu.dynamic_gather %mul3A_979[%gather3A_1206] in [0] : vector<16xf32>, vector<16xi32> -> vector<16xf32>
        %lt3A_1208 = arith.cmpf olt, %gather3A_1207, %add3A_327 : vector<16xf32>
        %jit3A_1209 = arith.constant 1 : i32
        %jit3A_1210 = arith.constant 0 : i32
        %broadcast_in_dim3A_1211 = vector.broadcast %jit3A_1209 : i32 to vector<16xi32>
        %broadcast_in_dim3A_1212 = vector.broadcast %jit3A_1210 : i32 to vector<16xi32>
        %select_n3A_1213 = arith.select %lt3A_1208, %broadcast_in_dim3A_1211, %broadcast_in_dim3A_1212 : vector<16xi1>, vector<16xi32>
        %add3A_1214 = arith.addi %add3A_1201, %select_n3A_1213 : vector<16xi32>
        %broadcast_in_dim3A_1215 = vector.shape_cast %add3A_1214 : vector<16xi32> to vector<16x1xi32>
        %gather3A_1216 = vector.shape_cast %broadcast_in_dim3A_1215 : vector<16x1xi32> to vector<16xi32>
        %gather3A_1217 = tpu.dynamic_gather %get3A_6[%gather3A_1216] in [0] : vector<16xf32>, vector<16xi32> -> vector<16xf32>
        %mul3A_1218 = arith.mulf %add3A_327, %gather3A_1217 : vector<16xf32>
        %mul3A_1219 = arith.mulf %gather3A_1217, %gather3A_1217 : vector<16xf32>
        %add3A_1220 = arith.addf %add3A_1159, %mul3A_1218 : vector<16xf32>
        %add3A_1221 = arith.addf %add3A_1160, %mul3A_1219 : vector<16xf32>
        %broadcast_in_dim3A_1222 = arith.constant 0 : i32
        %broadcast_in_dim3A_1223 = vector.broadcast %broadcast_in_dim3A_1222 : i32 to vector<16xi32>
        %add3A_1224 = arith.constant 7 : i32
        %add3A_1225 = vector.broadcast %add3A_1224 : i32 to vector<16xi32>
        %add3A_1226 = arith.addi %broadcast_in_dim3A_1223, %add3A_1225 : vector<16xi32>
        %broadcast_in_dim3A_1227 = vector.shape_cast %add3A_1226 : vector<16xi32> to vector<16x1xi32>
        %gather3A_1228 = vector.shape_cast %broadcast_in_dim3A_1227 : vector<16x1xi32> to vector<16xi32>
        %gather3A_1229 = tpu.dynamic_gather %mul3A_979[%gather3A_1228] in [0] : vector<16xf32>, vector<16xi32> -> vector<16xf32>
        %lt3A_1230 = arith.cmpf olt, %gather3A_1229, %sub3A_328 : vector<16xf32>
        %jit3A_1231 = arith.constant 8 : i32
        %jit3A_1232 = arith.constant 0 : i32
        %broadcast_in_dim3A_1233 = vector.broadcast %jit3A_1231 : i32 to vector<16xi32>
        %broadcast_in_dim3A_1234 = vector.broadcast %jit3A_1232 : i32 to vector<16xi32>
        %select_n3A_1235 = arith.select %lt3A_1230, %broadcast_in_dim3A_1233, %broadcast_in_dim3A_1234 : vector<16xi1>, vector<16xi32>
        %add3A_1236 = arith.addi %broadcast_in_dim3A_1223, %select_n3A_1235 : vector<16xi32>
        %add3A_1237 = arith.constant 3 : i32
        %add3A_1238 = vector.broadcast %add3A_1237 : i32 to vector<16xi32>
        %add3A_1239 = arith.addi %add3A_1236, %add3A_1238 : vector<16xi32>
        %broadcast_in_dim3A_1240 = vector.shape_cast %add3A_1239 : vector<16xi32> to vector<16x1xi32>
        %gather3A_1241 = vector.shape_cast %broadcast_in_dim3A_1240 : vector<16x1xi32> to vector<16xi32>
        %gather3A_1242 = tpu.dynamic_gather %mul3A_979[%gather3A_1241] in [0] : vector<16xf32>, vector<16xi32> -> vector<16xf32>
        %lt3A_1243 = arith.cmpf olt, %gather3A_1242, %sub3A_328 : vector<16xf32>
        %jit3A_1244 = arith.constant 4 : i32
        %jit3A_1245 = arith.constant 0 : i32
        %broadcast_in_dim3A_1246 = vector.broadcast %jit3A_1244 : i32 to vector<16xi32>
        %broadcast_in_dim3A_1247 = vector.broadcast %jit3A_1245 : i32 to vector<16xi32>
        %select_n3A_1248 = arith.select %lt3A_1243, %broadcast_in_dim3A_1246, %broadcast_in_dim3A_1247 : vector<16xi1>, vector<16xi32>
        %add3A_1249 = arith.addi %add3A_1236, %select_n3A_1248 : vector<16xi32>
        %add3A_1250 = arith.constant 1 : i32
        %add3A_1251 = vector.broadcast %add3A_1250 : i32 to vector<16xi32>
        %add3A_1252 = arith.addi %add3A_1249, %add3A_1251 : vector<16xi32>
        %broadcast_in_dim3A_1253 = vector.shape_cast %add3A_1252 : vector<16xi32> to vector<16x1xi32>
        %gather3A_1254 = vector.shape_cast %broadcast_in_dim3A_1253 : vector<16x1xi32> to vector<16xi32>
        %gather3A_1255 = tpu.dynamic_gather %mul3A_979[%gather3A_1254] in [0] : vector<16xf32>, vector<16xi32> -> vector<16xf32>
        %lt3A_1256 = arith.cmpf olt, %gather3A_1255, %sub3A_328 : vector<16xf32>
        %jit3A_1257 = arith.constant 2 : i32
        %jit3A_1258 = arith.constant 0 : i32
        %broadcast_in_dim3A_1259 = vector.broadcast %jit3A_1257 : i32 to vector<16xi32>
        %broadcast_in_dim3A_1260 = vector.broadcast %jit3A_1258 : i32 to vector<16xi32>
        %select_n3A_1261 = arith.select %lt3A_1256, %broadcast_in_dim3A_1259, %broadcast_in_dim3A_1260 : vector<16xi1>, vector<16xi32>
        %add3A_1262 = arith.addi %add3A_1249, %select_n3A_1261 : vector<16xi32>
        %add3A_1263 = arith.constant 0 : i32
        %add3A_1264 = vector.broadcast %add3A_1263 : i32 to vector<16xi32>
        %add3A_1265 = arith.addi %add3A_1262, %add3A_1264 : vector<16xi32>
        %broadcast_in_dim3A_1266 = vector.shape_cast %add3A_1265 : vector<16xi32> to vector<16x1xi32>
        %gather3A_1267 = vector.shape_cast %broadcast_in_dim3A_1266 : vector<16x1xi32> to vector<16xi32>
        %gather3A_1268 = tpu.dynamic_gather %mul3A_979[%gather3A_1267] in [0] : vector<16xf32>, vector<16xi32> -> vector<16xf32>
        %lt3A_1269 = arith.cmpf olt, %gather3A_1268, %sub3A_328 : vector<16xf32>
        %jit3A_1270 = arith.constant 1 : i32
        %jit3A_1271 = arith.constant 0 : i32
        %broadcast_in_dim3A_1272 = vector.broadcast %jit3A_1270 : i32 to vector<16xi32>
        %broadcast_in_dim3A_1273 = vector.broadcast %jit3A_1271 : i32 to vector<16xi32>
        %select_n3A_1274 = arith.select %lt3A_1269, %broadcast_in_dim3A_1272, %broadcast_in_dim3A_1273 : vector<16xi1>, vector<16xi32>
        %add3A_1275 = arith.addi %add3A_1262, %select_n3A_1274 : vector<16xi32>
        %broadcast_in_dim3A_1276 = vector.shape_cast %add3A_1275 : vector<16xi32> to vector<16x1xi32>
        %gather3A_1277 = vector.shape_cast %broadcast_in_dim3A_1276 : vector<16x1xi32> to vector<16xi32>
        %gather3A_1278 = tpu.dynamic_gather %get3A_6[%gather3A_1277] in [0] : vector<16xf32>, vector<16xi32> -> vector<16xf32>
        %mul3A_1279 = arith.mulf %sub3A_328, %gather3A_1278 : vector<16xf32>
        %mul3A_1280 = arith.mulf %gather3A_1278, %gather3A_1278 : vector<16xf32>
        %add3A_1281 = arith.addf %add3A_1220, %mul3A_1279 : vector<16xf32>
        %add3A_1282 = arith.addf %add3A_1221, %mul3A_1280 : vector<16xf32>
        %broadcast_in_dim3A_1283 = arith.constant 0 : i32
        %broadcast_in_dim3A_1284 = vector.broadcast %broadcast_in_dim3A_1283 : i32 to vector<16xi32>
        %add3A_1285 = arith.constant 7 : i32
        %add3A_1286 = vector.broadcast %add3A_1285 : i32 to vector<16xi32>
        %add3A_1287 = arith.addi %broadcast_in_dim3A_1284, %add3A_1286 : vector<16xi32>
        %broadcast_in_dim3A_1288 = vector.shape_cast %add3A_1287 : vector<16xi32> to vector<16x1xi32>
        %gather3A_1289 = vector.shape_cast %broadcast_in_dim3A_1288 : vector<16x1xi32> to vector<16xi32>
        %gather3A_1290 = tpu.dynamic_gather %mul3A_979[%gather3A_1289] in [0] : vector<16xf32>, vector<16xi32> -> vector<16xf32>
        %lt3A_1291 = arith.cmpf olt, %gather3A_1290, %sub3A_329 : vector<16xf32>
        %jit3A_1292 = arith.constant 8 : i32
        %jit3A_1293 = arith.constant 0 : i32
        %broadcast_in_dim3A_1294 = vector.broadcast %jit3A_1292 : i32 to vector<16xi32>
        %broadcast_in_dim3A_1295 = vector.broadcast %jit3A_1293 : i32 to vector<16xi32>
        %select_n3A_1296 = arith.select %lt3A_1291, %broadcast_in_dim3A_1294, %broadcast_in_dim3A_1295 : vector<16xi1>, vector<16xi32>
        %add3A_1297 = arith.addi %broadcast_in_dim3A_1284, %select_n3A_1296 : vector<16xi32>
        %add3A_1298 = arith.constant 3 : i32
        %add3A_1299 = vector.broadcast %add3A_1298 : i32 to vector<16xi32>
        %add3A_1300 = arith.addi %add3A_1297, %add3A_1299 : vector<16xi32>
        %broadcast_in_dim3A_1301 = vector.shape_cast %add3A_1300 : vector<16xi32> to vector<16x1xi32>
        %gather3A_1302 = vector.shape_cast %broadcast_in_dim3A_1301 : vector<16x1xi32> to vector<16xi32>
        %gather3A_1303 = tpu.dynamic_gather %mul3A_979[%gather3A_1302] in [0] : vector<16xf32>, vector<16xi32> -> vector<16xf32>
        %lt3A_1304 = arith.cmpf olt, %gather3A_1303, %sub3A_329 : vector<16xf32>
        %jit3A_1305 = arith.constant 4 : i32
        %jit3A_1306 = arith.constant 0 : i32
        %broadcast_in_dim3A_1307 = vector.broadcast %jit3A_1305 : i32 to vector<16xi32>
        %broadcast_in_dim3A_1308 = vector.broadcast %jit3A_1306 : i32 to vector<16xi32>
        %select_n3A_1309 = arith.select %lt3A_1304, %broadcast_in_dim3A_1307, %broadcast_in_dim3A_1308 : vector<16xi1>, vector<16xi32>
        %add3A_1310 = arith.addi %add3A_1297, %select_n3A_1309 : vector<16xi32>
        %add3A_1311 = arith.constant 1 : i32
        %add3A_1312 = vector.broadcast %add3A_1311 : i32 to vector<16xi32>
        %add3A_1313 = arith.addi %add3A_1310, %add3A_1312 : vector<16xi32>
        %broadcast_in_dim3A_1314 = vector.shape_cast %add3A_1313 : vector<16xi32> to vector<16x1xi32>
        %gather3A_1315 = vector.shape_cast %broadcast_in_dim3A_1314 : vector<16x1xi32> to vector<16xi32>
        %gather3A_1316 = tpu.dynamic_gather %mul3A_979[%gather3A_1315] in [0] : vector<16xf32>, vector<16xi32> -> vector<16xf32>
        %lt3A_1317 = arith.cmpf olt, %gather3A_1316, %sub3A_329 : vector<16xf32>
        %jit3A_1318 = arith.constant 2 : i32
        %jit3A_1319 = arith.constant 0 : i32
        %broadcast_in_dim3A_1320 = vector.broadcast %jit3A_1318 : i32 to vector<16xi32>
        %broadcast_in_dim3A_1321 = vector.broadcast %jit3A_1319 : i32 to vector<16xi32>
        %select_n3A_1322 = arith.select %lt3A_1317, %broadcast_in_dim3A_1320, %broadcast_in_dim3A_1321 : vector<16xi1>, vector<16xi32>
        %add3A_1323 = arith.addi %add3A_1310, %select_n3A_1322 : vector<16xi32>
        %add3A_1324 = arith.constant 0 : i32
        %add3A_1325 = vector.broadcast %add3A_1324 : i32 to vector<16xi32>
        %add3A_1326 = arith.addi %add3A_1323, %add3A_1325 : vector<16xi32>
        %broadcast_in_dim3A_1327 = vector.shape_cast %add3A_1326 : vector<16xi32> to vector<16x1xi32>
        %gather3A_1328 = vector.shape_cast %broadcast_in_dim3A_1327 : vector<16x1xi32> to vector<16xi32>
        %gather3A_1329 = tpu.dynamic_gather %mul3A_979[%gather3A_1328] in [0] : vector<16xf32>, vector<16xi32> -> vector<16xf32>
        %lt3A_1330 = arith.cmpf olt, %gather3A_1329, %sub3A_329 : vector<16xf32>
        %jit3A_1331 = arith.constant 1 : i32
        %jit3A_1332 = arith.constant 0 : i32
        %broadcast_in_dim3A_1333 = vector.broadcast %jit3A_1331 : i32 to vector<16xi32>
        %broadcast_in_dim3A_1334 = vector.broadcast %jit3A_1332 : i32 to vector<16xi32>
        %select_n3A_1335 = arith.select %lt3A_1330, %broadcast_in_dim3A_1333, %broadcast_in_dim3A_1334 : vector<16xi1>, vector<16xi32>
        %add3A_1336 = arith.addi %add3A_1323, %select_n3A_1335 : vector<16xi32>
        %broadcast_in_dim3A_1337 = vector.shape_cast %add3A_1336 : vector<16xi32> to vector<16x1xi32>
        %gather3A_1338 = vector.shape_cast %broadcast_in_dim3A_1337 : vector<16x1xi32> to vector<16xi32>
        %gather3A_1339 = tpu.dynamic_gather %get3A_6[%gather3A_1338] in [0] : vector<16xf32>, vector<16xi32> -> vector<16xf32>
        %mul3A_1340 = arith.mulf %sub3A_329, %gather3A_1339 : vector<16xf32>
        %mul3A_1341 = arith.mulf %gather3A_1339, %gather3A_1339 : vector<16xf32>
        %add3A_1342 = arith.addf %add3A_1281, %mul3A_1340 : vector<16xf32>
        %add3A_1343 = arith.addf %add3A_1282, %mul3A_1341 : vector<16xf32>
        %broadcast_in_dim3A_1344 = arith.constant 0 : i32
        %broadcast_in_dim3A_1345 = vector.broadcast %broadcast_in_dim3A_1344 : i32 to vector<16xi32>
        %add3A_1346 = arith.constant 7 : i32
        %add3A_1347 = vector.broadcast %add3A_1346 : i32 to vector<16xi32>
        %add3A_1348 = arith.addi %broadcast_in_dim3A_1345, %add3A_1347 : vector<16xi32>
        %broadcast_in_dim3A_1349 = vector.shape_cast %add3A_1348 : vector<16xi32> to vector<16x1xi32>
        %gather3A_1350 = vector.shape_cast %broadcast_in_dim3A_1349 : vector<16x1xi32> to vector<16xi32>
        %gather3A_1351 = tpu.dynamic_gather %mul3A_979[%gather3A_1350] in [0] : vector<16xf32>, vector<16xi32> -> vector<16xf32>
        %lt3A_1352 = arith.cmpf olt, %gather3A_1351, %sub3A_330 : vector<16xf32>
        %jit3A_1353 = arith.constant 8 : i32
        %jit3A_1354 = arith.constant 0 : i32
        %broadcast_in_dim3A_1355 = vector.broadcast %jit3A_1353 : i32 to vector<16xi32>
        %broadcast_in_dim3A_1356 = vector.broadcast %jit3A_1354 : i32 to vector<16xi32>
        %select_n3A_1357 = arith.select %lt3A_1352, %broadcast_in_dim3A_1355, %broadcast_in_dim3A_1356 : vector<16xi1>, vector<16xi32>
        %add3A_1358 = arith.addi %broadcast_in_dim3A_1345, %select_n3A_1357 : vector<16xi32>
        %add3A_1359 = arith.constant 3 : i32
        %add3A_1360 = vector.broadcast %add3A_1359 : i32 to vector<16xi32>
        %add3A_1361 = arith.addi %add3A_1358, %add3A_1360 : vector<16xi32>
        %broadcast_in_dim3A_1362 = vector.shape_cast %add3A_1361 : vector<16xi32> to vector<16x1xi32>
        %gather3A_1363 = vector.shape_cast %broadcast_in_dim3A_1362 : vector<16x1xi32> to vector<16xi32>
        %gather3A_1364 = tpu.dynamic_gather %mul3A_979[%gather3A_1363] in [0] : vector<16xf32>, vector<16xi32> -> vector<16xf32>
        %lt3A_1365 = arith.cmpf olt, %gather3A_1364, %sub3A_330 : vector<16xf32>
        %jit3A_1366 = arith.constant 4 : i32
        %jit3A_1367 = arith.constant 0 : i32
        %broadcast_in_dim3A_1368 = vector.broadcast %jit3A_1366 : i32 to vector<16xi32>
        %broadcast_in_dim3A_1369 = vector.broadcast %jit3A_1367 : i32 to vector<16xi32>
        %select_n3A_1370 = arith.select %lt3A_1365, %broadcast_in_dim3A_1368, %broadcast_in_dim3A_1369 : vector<16xi1>, vector<16xi32>
        %add3A_1371 = arith.addi %add3A_1358, %select_n3A_1370 : vector<16xi32>
        %add3A_1372 = arith.constant 1 : i32
        %add3A_1373 = vector.broadcast %add3A_1372 : i32 to vector<16xi32>
        %add3A_1374 = arith.addi %add3A_1371, %add3A_1373 : vector<16xi32>
        %broadcast_in_dim3A_1375 = vector.shape_cast %add3A_1374 : vector<16xi32> to vector<16x1xi32>
        %gather3A_1376 = vector.shape_cast %broadcast_in_dim3A_1375 : vector<16x1xi32> to vector<16xi32>
        %gather3A_1377 = tpu.dynamic_gather %mul3A_979[%gather3A_1376] in [0] : vector<16xf32>, vector<16xi32> -> vector<16xf32>
        %lt3A_1378 = arith.cmpf olt, %gather3A_1377, %sub3A_330 : vector<16xf32>
        %jit3A_1379 = arith.constant 2 : i32
        %jit3A_1380 = arith.constant 0 : i32
        %broadcast_in_dim3A_1381 = vector.broadcast %jit3A_1379 : i32 to vector<16xi32>
        %broadcast_in_dim3A_1382 = vector.broadcast %jit3A_1380 : i32 to vector<16xi32>
        %select_n3A_1383 = arith.select %lt3A_1378, %broadcast_in_dim3A_1381, %broadcast_in_dim3A_1382 : vector<16xi1>, vector<16xi32>
        %add3A_1384 = arith.addi %add3A_1371, %select_n3A_1383 : vector<16xi32>
        %add3A_1385 = arith.constant 0 : i32
        %add3A_1386 = vector.broadcast %add3A_1385 : i32 to vector<16xi32>
        %add3A_1387 = arith.addi %add3A_1384, %add3A_1386 : vector<16xi32>
        %broadcast_in_dim3A_1388 = vector.shape_cast %add3A_1387 : vector<16xi32> to vector<16x1xi32>
        %gather3A_1389 = vector.shape_cast %broadcast_in_dim3A_1388 : vector<16x1xi32> to vector<16xi32>
        %gather3A_1390 = tpu.dynamic_gather %mul3A_979[%gather3A_1389] in [0] : vector<16xf32>, vector<16xi32> -> vector<16xf32>
        %lt3A_1391 = arith.cmpf olt, %gather3A_1390, %sub3A_330 : vector<16xf32>
        %jit3A_1392 = arith.constant 1 : i32
        %jit3A_1393 = arith.constant 0 : i32
        %broadcast_in_dim3A_1394 = vector.broadcast %jit3A_1392 : i32 to vector<16xi32>
        %broadcast_in_dim3A_1395 = vector.broadcast %jit3A_1393 : i32 to vector<16xi32>
        %select_n3A_1396 = arith.select %lt3A_1391, %broadcast_in_dim3A_1394, %broadcast_in_dim3A_1395 : vector<16xi1>, vector<16xi32>
        %add3A_1397 = arith.addi %add3A_1384, %select_n3A_1396 : vector<16xi32>
        %broadcast_in_dim3A_1398 = vector.shape_cast %add3A_1397 : vector<16xi32> to vector<16x1xi32>
        %gather3A_1399 = vector.shape_cast %broadcast_in_dim3A_1398 : vector<16x1xi32> to vector<16xi32>
        %gather3A_1400 = tpu.dynamic_gather %get3A_6[%gather3A_1399] in [0] : vector<16xf32>, vector<16xi32> -> vector<16xf32>
        %mul3A_1401 = arith.mulf %sub3A_330, %gather3A_1400 : vector<16xf32>
        %mul3A_1402 = arith.mulf %gather3A_1400, %gather3A_1400 : vector<16xf32>
        %add3A_1403 = arith.addf %add3A_1342, %mul3A_1401 : vector<16xf32>
        %add3A_1404 = arith.addf %add3A_1343, %mul3A_1402 : vector<16xf32>
        %broadcast_in_dim3A_1405 = arith.constant 0 : i32
        %broadcast_in_dim3A_1406 = vector.broadcast %broadcast_in_dim3A_1405 : i32 to vector<16xi32>
        %add3A_1407 = arith.constant 7 : i32
        %add3A_1408 = vector.broadcast %add3A_1407 : i32 to vector<16xi32>
        %add3A_1409 = arith.addi %broadcast_in_dim3A_1406, %add3A_1408 : vector<16xi32>
        %broadcast_in_dim3A_1410 = vector.shape_cast %add3A_1409 : vector<16xi32> to vector<16x1xi32>
        %gather3A_1411 = vector.shape_cast %broadcast_in_dim3A_1410 : vector<16x1xi32> to vector<16xi32>
        %gather3A_1412 = tpu.dynamic_gather %mul3A_979[%gather3A_1411] in [0] : vector<16xf32>, vector<16xi32> -> vector<16xf32>
        %lt3A_1413 = arith.cmpf olt, %gather3A_1412, %sub3A_331 : vector<16xf32>
        %jit3A_1414 = arith.constant 8 : i32
        %jit3A_1415 = arith.constant 0 : i32
        %broadcast_in_dim3A_1416 = vector.broadcast %jit3A_1414 : i32 to vector<16xi32>
        %broadcast_in_dim3A_1417 = vector.broadcast %jit3A_1415 : i32 to vector<16xi32>
        %select_n3A_1418 = arith.select %lt3A_1413, %broadcast_in_dim3A_1416, %broadcast_in_dim3A_1417 : vector<16xi1>, vector<16xi32>
        %add3A_1419 = arith.addi %broadcast_in_dim3A_1406, %select_n3A_1418 : vector<16xi32>
        %add3A_1420 = arith.constant 3 : i32
        %add3A_1421 = vector.broadcast %add3A_1420 : i32 to vector<16xi32>
        %add3A_1422 = arith.addi %add3A_1419, %add3A_1421 : vector<16xi32>
        %broadcast_in_dim3A_1423 = vector.shape_cast %add3A_1422 : vector<16xi32> to vector<16x1xi32>
        %gather3A_1424 = vector.shape_cast %broadcast_in_dim3A_1423 : vector<16x1xi32> to vector<16xi32>
        %gather3A_1425 = tpu.dynamic_gather %mul3A_979[%gather3A_1424] in [0] : vector<16xf32>, vector<16xi32> -> vector<16xf32>
        %lt3A_1426 = arith.cmpf olt, %gather3A_1425, %sub3A_331 : vector<16xf32>
        %jit3A_1427 = arith.constant 4 : i32
        %jit3A_1428 = arith.constant 0 : i32
        %broadcast_in_dim3A_1429 = vector.broadcast %jit3A_1427 : i32 to vector<16xi32>
        %broadcast_in_dim3A_1430 = vector.broadcast %jit3A_1428 : i32 to vector<16xi32>
        %select_n3A_1431 = arith.select %lt3A_1426, %broadcast_in_dim3A_1429, %broadcast_in_dim3A_1430 : vector<16xi1>, vector<16xi32>
        %add3A_1432 = arith.addi %add3A_1419, %select_n3A_1431 : vector<16xi32>
        %add3A_1433 = arith.constant 1 : i32
        %add3A_1434 = vector.broadcast %add3A_1433 : i32 to vector<16xi32>
        %add3A_1435 = arith.addi %add3A_1432, %add3A_1434 : vector<16xi32>
        %broadcast_in_dim3A_1436 = vector.shape_cast %add3A_1435 : vector<16xi32> to vector<16x1xi32>
        %gather3A_1437 = vector.shape_cast %broadcast_in_dim3A_1436 : vector<16x1xi32> to vector<16xi32>
        %gather3A_1438 = tpu.dynamic_gather %mul3A_979[%gather3A_1437] in [0] : vector<16xf32>, vector<16xi32> -> vector<16xf32>
        %lt3A_1439 = arith.cmpf olt, %gather3A_1438, %sub3A_331 : vector<16xf32>
        %jit3A_1440 = arith.constant 2 : i32
        %jit3A_1441 = arith.constant 0 : i32
        %broadcast_in_dim3A_1442 = vector.broadcast %jit3A_1440 : i32 to vector<16xi32>
        %broadcast_in_dim3A_1443 = vector.broadcast %jit3A_1441 : i32 to vector<16xi32>
        %select_n3A_1444 = arith.select %lt3A_1439, %broadcast_in_dim3A_1442, %broadcast_in_dim3A_1443 : vector<16xi1>, vector<16xi32>
        %add3A_1445 = arith.addi %add3A_1432, %select_n3A_1444 : vector<16xi32>
        %add3A_1446 = arith.constant 0 : i32
        %add3A_1447 = vector.broadcast %add3A_1446 : i32 to vector<16xi32>
        %add3A_1448 = arith.addi %add3A_1445, %add3A_1447 : vector<16xi32>
        %broadcast_in_dim3A_1449 = vector.shape_cast %add3A_1448 : vector<16xi32> to vector<16x1xi32>
        %gather3A_1450 = vector.shape_cast %broadcast_in_dim3A_1449 : vector<16x1xi32> to vector<16xi32>
        %gather3A_1451 = tpu.dynamic_gather %mul3A_979[%gather3A_1450] in [0] : vector<16xf32>, vector<16xi32> -> vector<16xf32>
        %lt3A_1452 = arith.cmpf olt, %gather3A_1451, %sub3A_331 : vector<16xf32>
        %jit3A_1453 = arith.constant 1 : i32
        %jit3A_1454 = arith.constant 0 : i32
        %broadcast_in_dim3A_1455 = vector.broadcast %jit3A_1453 : i32 to vector<16xi32>
        %broadcast_in_dim3A_1456 = vector.broadcast %jit3A_1454 : i32 to vector<16xi32>
        %select_n3A_1457 = arith.select %lt3A_1452, %broadcast_in_dim3A_1455, %broadcast_in_dim3A_1456 : vector<16xi1>, vector<16xi32>
        %add3A_1458 = arith.addi %add3A_1445, %select_n3A_1457 : vector<16xi32>
        %broadcast_in_dim3A_1459 = vector.shape_cast %add3A_1458 : vector<16xi32> to vector<16x1xi32>
        %gather3A_1460 = vector.shape_cast %broadcast_in_dim3A_1459 : vector<16x1xi32> to vector<16xi32>
        %gather3A_1461 = tpu.dynamic_gather %get3A_6[%gather3A_1460] in [0] : vector<16xf32>, vector<16xi32> -> vector<16xf32>
        %mul3A_1462 = arith.mulf %sub3A_331, %gather3A_1461 : vector<16xf32>
        %mul3A_1463 = arith.mulf %gather3A_1461, %gather3A_1461 : vector<16xf32>
        %add3A_1464 = arith.addf %add3A_1403, %mul3A_1462 : vector<16xf32>
        %add3A_1465 = arith.addf %add3A_1404, %mul3A_1463 : vector<16xf32>
        %iota3A_1466 = tpu.iota {dimensions = array<i32: 0>} : vector<16xi32>
        %xor3A_1467 = arith.constant 1 : i32
        %xor3A_1468 = vector.broadcast %xor3A_1467 : i32 to vector<16xi32>
        %xor3A_1469 = arith.xori %iota3A_1466, %xor3A_1468 : vector<16xi32>
        %broadcast_in_dim3A_1470 = vector.shape_cast %xor3A_1469 : vector<16xi32> to vector<16x1xi32>
        %gather3A_1471 = vector.shape_cast %broadcast_in_dim3A_1470 : vector<16x1xi32> to vector<16xi32>
        %gather3A_1472 = tpu.dynamic_gather %add3A_1464[%gather3A_1471] in [0] : vector<16xf32>, vector<16xi32> -> vector<16xf32>
        %add3A_1473 = arith.addf %add3A_1464, %gather3A_1472 : vector<16xf32>
        %xor3A_1474 = arith.constant 2 : i32
        %xor3A_1475 = vector.broadcast %xor3A_1474 : i32 to vector<16xi32>
        %xor3A_1476 = arith.xori %iota3A_1466, %xor3A_1475 : vector<16xi32>
        %broadcast_in_dim3A_1477 = vector.shape_cast %xor3A_1476 : vector<16xi32> to vector<16x1xi32>
        %gather3A_1478 = vector.shape_cast %broadcast_in_dim3A_1477 : vector<16x1xi32> to vector<16xi32>
        %gather3A_1479 = tpu.dynamic_gather %add3A_1473[%gather3A_1478] in [0] : vector<16xf32>, vector<16xi32> -> vector<16xf32>
        %add3A_1480 = arith.addf %add3A_1473, %gather3A_1479 : vector<16xf32>
        %xor3A_1481 = arith.constant 4 : i32
        %xor3A_1482 = vector.broadcast %xor3A_1481 : i32 to vector<16xi32>
        %xor3A_1483 = arith.xori %iota3A_1466, %xor3A_1482 : vector<16xi32>
        %broadcast_in_dim3A_1484 = vector.shape_cast %xor3A_1483 : vector<16xi32> to vector<16x1xi32>
        %gather3A_1485 = vector.shape_cast %broadcast_in_dim3A_1484 : vector<16x1xi32> to vector<16xi32>
        %gather3A_1486 = tpu.dynamic_gather %add3A_1480[%gather3A_1485] in [0] : vector<16xf32>, vector<16xi32> -> vector<16xf32>
        %add3A_1487 = arith.addf %add3A_1480, %gather3A_1486 : vector<16xf32>
        %xor3A_1488 = arith.constant 8 : i32
        %xor3A_1489 = vector.broadcast %xor3A_1488 : i32 to vector<16xi32>
        %xor3A_1490 = arith.xori %iota3A_1466, %xor3A_1489 : vector<16xi32>
        %broadcast_in_dim3A_1491 = vector.shape_cast %xor3A_1490 : vector<16xi32> to vector<16x1xi32>
        %gather3A_1492 = vector.shape_cast %broadcast_in_dim3A_1491 : vector<16x1xi32> to vector<16xi32>
        %gather3A_1493 = tpu.dynamic_gather %add3A_1487[%gather3A_1492] in [0] : vector<16xf32>, vector<16xi32> -> vector<16xf32>
        %add3A_1494 = arith.addf %add3A_1487, %gather3A_1493 : vector<16xf32>
        %iota3A_1495 = tpu.iota {dimensions = array<i32: 0>} : vector<16xi32>
        %xor3A_1496 = arith.constant 1 : i32
        %xor3A_1497 = vector.broadcast %xor3A_1496 : i32 to vector<16xi32>
        %xor3A_1498 = arith.xori %iota3A_1495, %xor3A_1497 : vector<16xi32>
        %broadcast_in_dim3A_1499 = vector.shape_cast %xor3A_1498 : vector<16xi32> to vector<16x1xi32>
        %gather3A_1500 = vector.shape_cast %broadcast_in_dim3A_1499 : vector<16x1xi32> to vector<16xi32>
        %gather3A_1501 = tpu.dynamic_gather %add3A_1465[%gather3A_1500] in [0] : vector<16xf32>, vector<16xi32> -> vector<16xf32>
        %add3A_1502 = arith.addf %add3A_1465, %gather3A_1501 : vector<16xf32>
        %xor3A_1503 = arith.constant 2 : i32
        %xor3A_1504 = vector.broadcast %xor3A_1503 : i32 to vector<16xi32>
        %xor3A_1505 = arith.xori %iota3A_1495, %xor3A_1504 : vector<16xi32>
        %broadcast_in_dim3A_1506 = vector.shape_cast %xor3A_1505 : vector<16xi32> to vector<16x1xi32>
        %gather3A_1507 = vector.shape_cast %broadcast_in_dim3A_1506 : vector<16x1xi32> to vector<16xi32>
        %gather3A_1508 = tpu.dynamic_gather %add3A_1502[%gather3A_1507] in [0] : vector<16xf32>, vector<16xi32> -> vector<16xf32>
        %add3A_1509 = arith.addf %add3A_1502, %gather3A_1508 : vector<16xf32>
        %xor3A_1510 = arith.constant 4 : i32
        %xor3A_1511 = vector.broadcast %xor3A_1510 : i32 to vector<16xi32>
        %xor3A_1512 = arith.xori %iota3A_1495, %xor3A_1511 : vector<16xi32>
        %broadcast_in_dim3A_1513 = vector.shape_cast %xor3A_1512 : vector<16xi32> to vector<16x1xi32>
        %gather3A_1514 = vector.shape_cast %broadcast_in_dim3A_1513 : vector<16x1xi32> to vector<16xi32>
        %gather3A_1515 = tpu.dynamic_gather %add3A_1509[%gather3A_1514] in [0] : vector<16xf32>, vector<16xi32> -> vector<16xf32>
        %add3A_1516 = arith.addf %add3A_1509, %gather3A_1515 : vector<16xf32>
        %xor3A_1517 = arith.constant 8 : i32
        %xor3A_1518 = vector.broadcast %xor3A_1517 : i32 to vector<16xi32>
        %xor3A_1519 = arith.xori %iota3A_1495, %xor3A_1518 : vector<16xi32>
        %broadcast_in_dim3A_1520 = vector.shape_cast %xor3A_1519 : vector<16xi32> to vector<16x1xi32>
        %gather3A_1521 = vector.shape_cast %broadcast_in_dim3A_1520 : vector<16x1xi32> to vector<16xi32>
        %gather3A_1522 = tpu.dynamic_gather %add3A_1516[%gather3A_1521] in [0] : vector<16xf32>, vector<16xi32> -> vector<16xf32>
        %add3A_1523 = arith.addf %add3A_1516, %gather3A_1522 : vector<16xf32>
        %add3A_1524 = arith.constant 9.99999993E-9 : f32
        %add3A_1525 = vector.broadcast %add3A_1524 : f32 to vector<16xf32>
        %add3A_1526 = arith.addf %add3A_1523, %add3A_1525 : vector<16xf32>
        %div3A_1527 = arith.divf %add3A_1494, %add3A_1526 : vector<16xf32>
        %select_n3A_1528 = arith.select %gt3A, %mul3A_421, %div3A_1527 : vector<16xi1>, vector<16xf32>
        %iota3A_1529 = tpu.iota {dimensions = array<i32: 0>} : vector<16xi32>
        %xor3A_1530 = arith.constant 1 : i32
        %xor3A_1531 = vector.broadcast %xor3A_1530 : i32 to vector<16xi32>
        %xor3A_1532 = arith.xori %iota3A_1529, %xor3A_1531 : vector<16xi32>
        %and3A_1533 = arith.constant 1 : i32
        %and3A_1534 = vector.broadcast %and3A_1533 : i32 to vector<16xi32>
        %and3A_1535 = arith.andi %iota3A_1529, %and3A_1534 : vector<16xi32>
        %eq3A_1536 = arith.constant 0 : i32
        %eq3A_1537 = vector.broadcast %eq3A_1536 : i32 to vector<16xi32>
        %eq3A_1538 = arith.cmpi eq, %and3A_1535, %eq3A_1537 : vector<16xi32>
        %jit3A_1539 = arith.constant 1.000000e+00 : f32
        %jit3A_1540 = arith.constant -1.000000e+00 : f32
        %broadcast_in_dim3A_1541 = vector.broadcast %jit3A_1539 : f32 to vector<16xf32>
        %broadcast_in_dim3A_1542 = vector.broadcast %jit3A_1540 : f32 to vector<16xf32>
        %select_n3A_1543 = arith.select %eq3A_1538, %broadcast_in_dim3A_1541, %broadcast_in_dim3A_1542 : vector<16xi1>, vector<16xf32>
        %broadcast_in_dim3A_1544 = vector.shape_cast %xor3A_1532 : vector<16xi32> to vector<16x1xi32>
        %gather3A_1545 = vector.shape_cast %broadcast_in_dim3A_1544 : vector<16x1xi32> to vector<16xi32>
        %gather3A_1546 = tpu.dynamic_gather %gather3A_1036[%gather3A_1545] in [0] : vector<16xf32>, vector<16xi32> -> vector<16xf32>
        %mul3A_1547 = arith.mulf %select_n3A_1543, %gather3A_1036 : vector<16xf32>
        %add3A_1548 = arith.addf %gather3A_1546, %mul3A_1547 : vector<16xf32>
        %broadcast_in_dim3A_1549 = vector.shape_cast %xor3A_1532 : vector<16xi32> to vector<16x1xi32>
        %gather3A_1550 = vector.shape_cast %broadcast_in_dim3A_1549 : vector<16x1xi32> to vector<16xi32>
        %gather3A_1551 = tpu.dynamic_gather %gather3A_1095[%gather3A_1550] in [0] : vector<16xf32>, vector<16xi32> -> vector<16xf32>
        %mul3A_1552 = arith.mulf %select_n3A_1543, %gather3A_1095 : vector<16xf32>
        %add3A_1553 = arith.addf %gather3A_1551, %mul3A_1552 : vector<16xf32>
        %broadcast_in_dim3A_1554 = vector.shape_cast %xor3A_1532 : vector<16xi32> to vector<16x1xi32>
        %gather3A_1555 = vector.shape_cast %broadcast_in_dim3A_1554 : vector<16x1xi32> to vector<16xi32>
        %gather3A_1556 = tpu.dynamic_gather %gather3A_1156[%gather3A_1555] in [0] : vector<16xf32>, vector<16xi32> -> vector<16xf32>
        %mul3A_1557 = arith.mulf %select_n3A_1543, %gather3A_1156 : vector<16xf32>
        %add3A_1558 = arith.addf %gather3A_1556, %mul3A_1557 : vector<16xf32>
        %broadcast_in_dim3A_1559 = vector.shape_cast %xor3A_1532 : vector<16xi32> to vector<16x1xi32>
        %gather3A_1560 = vector.shape_cast %broadcast_in_dim3A_1559 : vector<16x1xi32> to vector<16xi32>
        %gather3A_1561 = tpu.dynamic_gather %gather3A_1217[%gather3A_1560] in [0] : vector<16xf32>, vector<16xi32> -> vector<16xf32>
        %mul3A_1562 = arith.mulf %select_n3A_1543, %gather3A_1217 : vector<16xf32>
        %add3A_1563 = arith.addf %gather3A_1561, %mul3A_1562 : vector<16xf32>
        %broadcast_in_dim3A_1564 = vector.shape_cast %xor3A_1532 : vector<16xi32> to vector<16x1xi32>
        %gather3A_1565 = vector.shape_cast %broadcast_in_dim3A_1564 : vector<16x1xi32> to vector<16xi32>
        %gather3A_1566 = tpu.dynamic_gather %gather3A_1278[%gather3A_1565] in [0] : vector<16xf32>, vector<16xi32> -> vector<16xf32>
        %mul3A_1567 = arith.mulf %select_n3A_1543, %gather3A_1278 : vector<16xf32>
        %add3A_1568 = arith.addf %gather3A_1566, %mul3A_1567 : vector<16xf32>
        %broadcast_in_dim3A_1569 = vector.shape_cast %xor3A_1532 : vector<16xi32> to vector<16x1xi32>
        %gather3A_1570 = vector.shape_cast %broadcast_in_dim3A_1569 : vector<16x1xi32> to vector<16xi32>
        %gather3A_1571 = tpu.dynamic_gather %gather3A_1339[%gather3A_1570] in [0] : vector<16xf32>, vector<16xi32> -> vector<16xf32>
        %mul3A_1572 = arith.mulf %select_n3A_1543, %gather3A_1339 : vector<16xf32>
        %add3A_1573 = arith.addf %gather3A_1571, %mul3A_1572 : vector<16xf32>
        %broadcast_in_dim3A_1574 = vector.shape_cast %xor3A_1532 : vector<16xi32> to vector<16x1xi32>
        %gather3A_1575 = vector.shape_cast %broadcast_in_dim3A_1574 : vector<16x1xi32> to vector<16xi32>
        %gather3A_1576 = tpu.dynamic_gather %gather3A_1400[%gather3A_1575] in [0] : vector<16xf32>, vector<16xi32> -> vector<16xf32>
        %mul3A_1577 = arith.mulf %select_n3A_1543, %gather3A_1400 : vector<16xf32>
        %add3A_1578 = arith.addf %gather3A_1576, %mul3A_1577 : vector<16xf32>
        %broadcast_in_dim3A_1579 = vector.shape_cast %xor3A_1532 : vector<16xi32> to vector<16x1xi32>
        %gather3A_1580 = vector.shape_cast %broadcast_in_dim3A_1579 : vector<16x1xi32> to vector<16xi32>
        %gather3A_1581 = tpu.dynamic_gather %gather3A_1461[%gather3A_1580] in [0] : vector<16xf32>, vector<16xi32> -> vector<16xf32>
        %mul3A_1582 = arith.mulf %select_n3A_1543, %gather3A_1461 : vector<16xf32>
        %add3A_1583 = arith.addf %gather3A_1581, %mul3A_1582 : vector<16xf32>
        %xor3A_1584 = arith.constant 2 : i32
        %xor3A_1585 = vector.broadcast %xor3A_1584 : i32 to vector<16xi32>
        %xor3A_1586 = arith.xori %iota3A_1529, %xor3A_1585 : vector<16xi32>
        %and3A_1587 = arith.constant 2 : i32
        %and3A_1588 = vector.broadcast %and3A_1587 : i32 to vector<16xi32>
        %and3A_1589 = arith.andi %iota3A_1529, %and3A_1588 : vector<16xi32>
        %eq3A_1590 = arith.constant 0 : i32
        %eq3A_1591 = vector.broadcast %eq3A_1590 : i32 to vector<16xi32>
        %eq3A_1592 = arith.cmpi eq, %and3A_1589, %eq3A_1591 : vector<16xi32>
        %jit3A_1593 = arith.constant 1.000000e+00 : f32
        %jit3A_1594 = arith.constant -1.000000e+00 : f32
        %broadcast_in_dim3A_1595 = vector.broadcast %jit3A_1593 : f32 to vector<16xf32>
        %broadcast_in_dim3A_1596 = vector.broadcast %jit3A_1594 : f32 to vector<16xf32>
        %select_n3A_1597 = arith.select %eq3A_1592, %broadcast_in_dim3A_1595, %broadcast_in_dim3A_1596 : vector<16xi1>, vector<16xf32>
        %broadcast_in_dim3A_1598 = vector.shape_cast %xor3A_1586 : vector<16xi32> to vector<16x1xi32>
        %gather3A_1599 = vector.shape_cast %broadcast_in_dim3A_1598 : vector<16x1xi32> to vector<16xi32>
        %gather3A_1600 = tpu.dynamic_gather %add3A_1548[%gather3A_1599] in [0] : vector<16xf32>, vector<16xi32> -> vector<16xf32>
        %mul3A_1601 = arith.mulf %select_n3A_1597, %add3A_1548 : vector<16xf32>
        %add3A_1602 = arith.addf %gather3A_1600, %mul3A_1601 : vector<16xf32>
        %broadcast_in_dim3A_1603 = vector.shape_cast %xor3A_1586 : vector<16xi32> to vector<16x1xi32>
        %gather3A_1604 = vector.shape_cast %broadcast_in_dim3A_1603 : vector<16x1xi32> to vector<16xi32>
        %gather3A_1605 = tpu.dynamic_gather %add3A_1553[%gather3A_1604] in [0] : vector<16xf32>, vector<16xi32> -> vector<16xf32>
        %mul3A_1606 = arith.mulf %select_n3A_1597, %add3A_1553 : vector<16xf32>
        %add3A_1607 = arith.addf %gather3A_1605, %mul3A_1606 : vector<16xf32>
        %broadcast_in_dim3A_1608 = vector.shape_cast %xor3A_1586 : vector<16xi32> to vector<16x1xi32>
        %gather3A_1609 = vector.shape_cast %broadcast_in_dim3A_1608 : vector<16x1xi32> to vector<16xi32>
        %gather3A_1610 = tpu.dynamic_gather %add3A_1558[%gather3A_1609] in [0] : vector<16xf32>, vector<16xi32> -> vector<16xf32>
        %mul3A_1611 = arith.mulf %select_n3A_1597, %add3A_1558 : vector<16xf32>
        %add3A_1612 = arith.addf %gather3A_1610, %mul3A_1611 : vector<16xf32>
        %broadcast_in_dim3A_1613 = vector.shape_cast %xor3A_1586 : vector<16xi32> to vector<16x1xi32>
        %gather3A_1614 = vector.shape_cast %broadcast_in_dim3A_1613 : vector<16x1xi32> to vector<16xi32>
        %gather3A_1615 = tpu.dynamic_gather %add3A_1563[%gather3A_1614] in [0] : vector<16xf32>, vector<16xi32> -> vector<16xf32>
        %mul3A_1616 = arith.mulf %select_n3A_1597, %add3A_1563 : vector<16xf32>
        %add3A_1617 = arith.addf %gather3A_1615, %mul3A_1616 : vector<16xf32>
        %broadcast_in_dim3A_1618 = vector.shape_cast %xor3A_1586 : vector<16xi32> to vector<16x1xi32>
        %gather3A_1619 = vector.shape_cast %broadcast_in_dim3A_1618 : vector<16x1xi32> to vector<16xi32>
        %gather3A_1620 = tpu.dynamic_gather %add3A_1568[%gather3A_1619] in [0] : vector<16xf32>, vector<16xi32> -> vector<16xf32>
        %mul3A_1621 = arith.mulf %select_n3A_1597, %add3A_1568 : vector<16xf32>
        %add3A_1622 = arith.addf %gather3A_1620, %mul3A_1621 : vector<16xf32>
        %broadcast_in_dim3A_1623 = vector.shape_cast %xor3A_1586 : vector<16xi32> to vector<16x1xi32>
        %gather3A_1624 = vector.shape_cast %broadcast_in_dim3A_1623 : vector<16x1xi32> to vector<16xi32>
        %gather3A_1625 = tpu.dynamic_gather %add3A_1573[%gather3A_1624] in [0] : vector<16xf32>, vector<16xi32> -> vector<16xf32>
        %mul3A_1626 = arith.mulf %select_n3A_1597, %add3A_1573 : vector<16xf32>
        %add3A_1627 = arith.addf %gather3A_1625, %mul3A_1626 : vector<16xf32>
        %broadcast_in_dim3A_1628 = vector.shape_cast %xor3A_1586 : vector<16xi32> to vector<16x1xi32>
        %gather3A_1629 = vector.shape_cast %broadcast_in_dim3A_1628 : vector<16x1xi32> to vector<16xi32>
        %gather3A_1630 = tpu.dynamic_gather %add3A_1578[%gather3A_1629] in [0] : vector<16xf32>, vector<16xi32> -> vector<16xf32>
        %mul3A_1631 = arith.mulf %select_n3A_1597, %add3A_1578 : vector<16xf32>
        %add3A_1632 = arith.addf %gather3A_1630, %mul3A_1631 : vector<16xf32>
        %broadcast_in_dim3A_1633 = vector.shape_cast %xor3A_1586 : vector<16xi32> to vector<16x1xi32>
        %gather3A_1634 = vector.shape_cast %broadcast_in_dim3A_1633 : vector<16x1xi32> to vector<16xi32>
        %gather3A_1635 = tpu.dynamic_gather %add3A_1583[%gather3A_1634] in [0] : vector<16xf32>, vector<16xi32> -> vector<16xf32>
        %mul3A_1636 = arith.mulf %select_n3A_1597, %add3A_1583 : vector<16xf32>
        %add3A_1637 = arith.addf %gather3A_1635, %mul3A_1636 : vector<16xf32>
        %xor3A_1638 = arith.constant 4 : i32
        %xor3A_1639 = vector.broadcast %xor3A_1638 : i32 to vector<16xi32>
        %xor3A_1640 = arith.xori %iota3A_1529, %xor3A_1639 : vector<16xi32>
        %and3A_1641 = arith.constant 4 : i32
        %and3A_1642 = vector.broadcast %and3A_1641 : i32 to vector<16xi32>
        %and3A_1643 = arith.andi %iota3A_1529, %and3A_1642 : vector<16xi32>
        %eq3A_1644 = arith.constant 0 : i32
        %eq3A_1645 = vector.broadcast %eq3A_1644 : i32 to vector<16xi32>
        %eq3A_1646 = arith.cmpi eq, %and3A_1643, %eq3A_1645 : vector<16xi32>
        %jit3A_1647 = arith.constant 1.000000e+00 : f32
        %jit3A_1648 = arith.constant -1.000000e+00 : f32
        %broadcast_in_dim3A_1649 = vector.broadcast %jit3A_1647 : f32 to vector<16xf32>
        %broadcast_in_dim3A_1650 = vector.broadcast %jit3A_1648 : f32 to vector<16xf32>
        %select_n3A_1651 = arith.select %eq3A_1646, %broadcast_in_dim3A_1649, %broadcast_in_dim3A_1650 : vector<16xi1>, vector<16xf32>
        %broadcast_in_dim3A_1652 = vector.shape_cast %xor3A_1640 : vector<16xi32> to vector<16x1xi32>
        %gather3A_1653 = vector.shape_cast %broadcast_in_dim3A_1652 : vector<16x1xi32> to vector<16xi32>
        %gather3A_1654 = tpu.dynamic_gather %add3A_1602[%gather3A_1653] in [0] : vector<16xf32>, vector<16xi32> -> vector<16xf32>
        %mul3A_1655 = arith.mulf %select_n3A_1651, %add3A_1602 : vector<16xf32>
        %add3A_1656 = arith.addf %gather3A_1654, %mul3A_1655 : vector<16xf32>
        %broadcast_in_dim3A_1657 = vector.shape_cast %xor3A_1640 : vector<16xi32> to vector<16x1xi32>
        %gather3A_1658 = vector.shape_cast %broadcast_in_dim3A_1657 : vector<16x1xi32> to vector<16xi32>
        %gather3A_1659 = tpu.dynamic_gather %add3A_1607[%gather3A_1658] in [0] : vector<16xf32>, vector<16xi32> -> vector<16xf32>
        %mul3A_1660 = arith.mulf %select_n3A_1651, %add3A_1607 : vector<16xf32>
        %add3A_1661 = arith.addf %gather3A_1659, %mul3A_1660 : vector<16xf32>
        %broadcast_in_dim3A_1662 = vector.shape_cast %xor3A_1640 : vector<16xi32> to vector<16x1xi32>
        %gather3A_1663 = vector.shape_cast %broadcast_in_dim3A_1662 : vector<16x1xi32> to vector<16xi32>
        %gather3A_1664 = tpu.dynamic_gather %add3A_1612[%gather3A_1663] in [0] : vector<16xf32>, vector<16xi32> -> vector<16xf32>
        %mul3A_1665 = arith.mulf %select_n3A_1651, %add3A_1612 : vector<16xf32>
        %add3A_1666 = arith.addf %gather3A_1664, %mul3A_1665 : vector<16xf32>
        %broadcast_in_dim3A_1667 = vector.shape_cast %xor3A_1640 : vector<16xi32> to vector<16x1xi32>
        %gather3A_1668 = vector.shape_cast %broadcast_in_dim3A_1667 : vector<16x1xi32> to vector<16xi32>
        %gather3A_1669 = tpu.dynamic_gather %add3A_1617[%gather3A_1668] in [0] : vector<16xf32>, vector<16xi32> -> vector<16xf32>
        %mul3A_1670 = arith.mulf %select_n3A_1651, %add3A_1617 : vector<16xf32>
        %add3A_1671 = arith.addf %gather3A_1669, %mul3A_1670 : vector<16xf32>
        %broadcast_in_dim3A_1672 = vector.shape_cast %xor3A_1640 : vector<16xi32> to vector<16x1xi32>
        %gather3A_1673 = vector.shape_cast %broadcast_in_dim3A_1672 : vector<16x1xi32> to vector<16xi32>
        %gather3A_1674 = tpu.dynamic_gather %add3A_1622[%gather3A_1673] in [0] : vector<16xf32>, vector<16xi32> -> vector<16xf32>
        %mul3A_1675 = arith.mulf %select_n3A_1651, %add3A_1622 : vector<16xf32>
        %add3A_1676 = arith.addf %gather3A_1674, %mul3A_1675 : vector<16xf32>
        %broadcast_in_dim3A_1677 = vector.shape_cast %xor3A_1640 : vector<16xi32> to vector<16x1xi32>
        %gather3A_1678 = vector.shape_cast %broadcast_in_dim3A_1677 : vector<16x1xi32> to vector<16xi32>
        %gather3A_1679 = tpu.dynamic_gather %add3A_1627[%gather3A_1678] in [0] : vector<16xf32>, vector<16xi32> -> vector<16xf32>
        %mul3A_1680 = arith.mulf %select_n3A_1651, %add3A_1627 : vector<16xf32>
        %add3A_1681 = arith.addf %gather3A_1679, %mul3A_1680 : vector<16xf32>
        %broadcast_in_dim3A_1682 = vector.shape_cast %xor3A_1640 : vector<16xi32> to vector<16x1xi32>
        %gather3A_1683 = vector.shape_cast %broadcast_in_dim3A_1682 : vector<16x1xi32> to vector<16xi32>
        %gather3A_1684 = tpu.dynamic_gather %add3A_1632[%gather3A_1683] in [0] : vector<16xf32>, vector<16xi32> -> vector<16xf32>
        %mul3A_1685 = arith.mulf %select_n3A_1651, %add3A_1632 : vector<16xf32>
        %add3A_1686 = arith.addf %gather3A_1684, %mul3A_1685 : vector<16xf32>
        %broadcast_in_dim3A_1687 = vector.shape_cast %xor3A_1640 : vector<16xi32> to vector<16x1xi32>
        %gather3A_1688 = vector.shape_cast %broadcast_in_dim3A_1687 : vector<16x1xi32> to vector<16xi32>
        %gather3A_1689 = tpu.dynamic_gather %add3A_1637[%gather3A_1688] in [0] : vector<16xf32>, vector<16xi32> -> vector<16xf32>
        %mul3A_1690 = arith.mulf %select_n3A_1651, %add3A_1637 : vector<16xf32>
        %add3A_1691 = arith.addf %gather3A_1689, %mul3A_1690 : vector<16xf32>
        %xor3A_1692 = arith.constant 8 : i32
        %xor3A_1693 = vector.broadcast %xor3A_1692 : i32 to vector<16xi32>
        %xor3A_1694 = arith.xori %iota3A_1529, %xor3A_1693 : vector<16xi32>
        %and3A_1695 = arith.constant 8 : i32
        %and3A_1696 = vector.broadcast %and3A_1695 : i32 to vector<16xi32>
        %and3A_1697 = arith.andi %iota3A_1529, %and3A_1696 : vector<16xi32>
        %eq3A_1698 = arith.constant 0 : i32
        %eq3A_1699 = vector.broadcast %eq3A_1698 : i32 to vector<16xi32>
        %eq3A_1700 = arith.cmpi eq, %and3A_1697, %eq3A_1699 : vector<16xi32>
        %jit3A_1701 = arith.constant 1.000000e+00 : f32
        %jit3A_1702 = arith.constant -1.000000e+00 : f32
        %broadcast_in_dim3A_1703 = vector.broadcast %jit3A_1701 : f32 to vector<16xf32>
        %broadcast_in_dim3A_1704 = vector.broadcast %jit3A_1702 : f32 to vector<16xf32>
        %select_n3A_1705 = arith.select %eq3A_1700, %broadcast_in_dim3A_1703, %broadcast_in_dim3A_1704 : vector<16xi1>, vector<16xf32>
        %broadcast_in_dim3A_1706 = vector.shape_cast %xor3A_1694 : vector<16xi32> to vector<16x1xi32>
        %gather3A_1707 = vector.shape_cast %broadcast_in_dim3A_1706 : vector<16x1xi32> to vector<16xi32>
        %gather3A_1708 = tpu.dynamic_gather %add3A_1656[%gather3A_1707] in [0] : vector<16xf32>, vector<16xi32> -> vector<16xf32>
        %mul3A_1709 = arith.mulf %select_n3A_1705, %add3A_1656 : vector<16xf32>
        %add3A_1710 = arith.addf %gather3A_1708, %mul3A_1709 : vector<16xf32>
        %broadcast_in_dim3A_1711 = vector.shape_cast %xor3A_1694 : vector<16xi32> to vector<16x1xi32>
        %gather3A_1712 = vector.shape_cast %broadcast_in_dim3A_1711 : vector<16x1xi32> to vector<16xi32>
        %gather3A_1713 = tpu.dynamic_gather %add3A_1661[%gather3A_1712] in [0] : vector<16xf32>, vector<16xi32> -> vector<16xf32>
        %mul3A_1714 = arith.mulf %select_n3A_1705, %add3A_1661 : vector<16xf32>
        %add3A_1715 = arith.addf %gather3A_1713, %mul3A_1714 : vector<16xf32>
        %broadcast_in_dim3A_1716 = vector.shape_cast %xor3A_1694 : vector<16xi32> to vector<16x1xi32>
        %gather3A_1717 = vector.shape_cast %broadcast_in_dim3A_1716 : vector<16x1xi32> to vector<16xi32>
        %gather3A_1718 = tpu.dynamic_gather %add3A_1666[%gather3A_1717] in [0] : vector<16xf32>, vector<16xi32> -> vector<16xf32>
        %mul3A_1719 = arith.mulf %select_n3A_1705, %add3A_1666 : vector<16xf32>
        %add3A_1720 = arith.addf %gather3A_1718, %mul3A_1719 : vector<16xf32>
        %broadcast_in_dim3A_1721 = vector.shape_cast %xor3A_1694 : vector<16xi32> to vector<16x1xi32>
        %gather3A_1722 = vector.shape_cast %broadcast_in_dim3A_1721 : vector<16x1xi32> to vector<16xi32>
        %gather3A_1723 = tpu.dynamic_gather %add3A_1671[%gather3A_1722] in [0] : vector<16xf32>, vector<16xi32> -> vector<16xf32>
        %mul3A_1724 = arith.mulf %select_n3A_1705, %add3A_1671 : vector<16xf32>
        %add3A_1725 = arith.addf %gather3A_1723, %mul3A_1724 : vector<16xf32>
        %broadcast_in_dim3A_1726 = vector.shape_cast %xor3A_1694 : vector<16xi32> to vector<16x1xi32>
        %gather3A_1727 = vector.shape_cast %broadcast_in_dim3A_1726 : vector<16x1xi32> to vector<16xi32>
        %gather3A_1728 = tpu.dynamic_gather %add3A_1676[%gather3A_1727] in [0] : vector<16xf32>, vector<16xi32> -> vector<16xf32>
        %mul3A_1729 = arith.mulf %select_n3A_1705, %add3A_1676 : vector<16xf32>
        %add3A_1730 = arith.addf %gather3A_1728, %mul3A_1729 : vector<16xf32>
        %broadcast_in_dim3A_1731 = vector.shape_cast %xor3A_1694 : vector<16xi32> to vector<16x1xi32>
        %gather3A_1732 = vector.shape_cast %broadcast_in_dim3A_1731 : vector<16x1xi32> to vector<16xi32>
        %gather3A_1733 = tpu.dynamic_gather %add3A_1681[%gather3A_1732] in [0] : vector<16xf32>, vector<16xi32> -> vector<16xf32>
        %mul3A_1734 = arith.mulf %select_n3A_1705, %add3A_1681 : vector<16xf32>
        %add3A_1735 = arith.addf %gather3A_1733, %mul3A_1734 : vector<16xf32>
        %broadcast_in_dim3A_1736 = vector.shape_cast %xor3A_1694 : vector<16xi32> to vector<16x1xi32>
        %gather3A_1737 = vector.shape_cast %broadcast_in_dim3A_1736 : vector<16x1xi32> to vector<16xi32>
        %gather3A_1738 = tpu.dynamic_gather %add3A_1686[%gather3A_1737] in [0] : vector<16xf32>, vector<16xi32> -> vector<16xf32>
        %mul3A_1739 = arith.mulf %select_n3A_1705, %add3A_1686 : vector<16xf32>
        %add3A_1740 = arith.addf %gather3A_1738, %mul3A_1739 : vector<16xf32>
        %broadcast_in_dim3A_1741 = vector.shape_cast %xor3A_1694 : vector<16xi32> to vector<16x1xi32>
        %gather3A_1742 = vector.shape_cast %broadcast_in_dim3A_1741 : vector<16x1xi32> to vector<16xi32>
        %gather3A_1743 = tpu.dynamic_gather %add3A_1691[%gather3A_1742] in [0] : vector<16xf32>, vector<16xi32> -> vector<16xf32>
        %mul3A_1744 = arith.mulf %select_n3A_1705, %add3A_1691 : vector<16xf32>
        %add3A_1745 = arith.addf %gather3A_1743, %mul3A_1744 : vector<16xf32>
        %add3A_1746 = arith.addf %add3A_1710, %add3A_1715 : vector<16xf32>
        %sub3A_1747 = arith.subf %add3A_1710, %add3A_1715 : vector<16xf32>
        %add3A_1748 = arith.addf %add3A_1720, %add3A_1725 : vector<16xf32>
        %sub3A_1749 = arith.subf %add3A_1720, %add3A_1725 : vector<16xf32>
        %add3A_1750 = arith.addf %add3A_1730, %add3A_1735 : vector<16xf32>
        %sub3A_1751 = arith.subf %add3A_1730, %add3A_1735 : vector<16xf32>
        %add3A_1752 = arith.addf %add3A_1740, %add3A_1745 : vector<16xf32>
        %sub3A_1753 = arith.subf %add3A_1740, %add3A_1745 : vector<16xf32>
        %add3A_1754 = arith.addf %add3A_1746, %add3A_1748 : vector<16xf32>
        %add3A_1755 = arith.addf %sub3A_1747, %sub3A_1749 : vector<16xf32>
        %sub3A_1756 = arith.subf %add3A_1746, %add3A_1748 : vector<16xf32>
        %sub3A_1757 = arith.subf %sub3A_1747, %sub3A_1749 : vector<16xf32>
        %add3A_1758 = arith.addf %add3A_1750, %add3A_1752 : vector<16xf32>
        %add3A_1759 = arith.addf %sub3A_1751, %sub3A_1753 : vector<16xf32>
        %sub3A_1760 = arith.subf %add3A_1750, %add3A_1752 : vector<16xf32>
        %sub3A_1761 = arith.subf %sub3A_1751, %sub3A_1753 : vector<16xf32>
        %add3A_1762 = arith.addf %add3A_1754, %add3A_1758 : vector<16xf32>
        %add3A_1763 = arith.addf %add3A_1755, %add3A_1759 : vector<16xf32>
        %add3A_1764 = arith.addf %sub3A_1756, %sub3A_1760 : vector<16xf32>
        %add3A_1765 = arith.addf %sub3A_1757, %sub3A_1761 : vector<16xf32>
        %sub3A_1766 = arith.subf %add3A_1754, %add3A_1758 : vector<16xf32>
        %sub3A_1767 = arith.subf %add3A_1755, %add3A_1759 : vector<16xf32>
        %sub3A_1768 = arith.subf %sub3A_1756, %sub3A_1760 : vector<16xf32>
        %sub3A_1769 = arith.subf %sub3A_1757, %sub3A_1761 : vector<16xf32>
        %mul3A_1770 = arith.mulf %add3A_1762, %get3A_12 : vector<16xf32>
        %mul3A_1771 = arith.mulf %mul3A_1770, %select_n3A_1528 : vector<16xf32>
        %add3A_1772 = arith.constant 0 : i32
        %add3A_1773 = arith.addi %mul3A_51, %add3A_1772 : i32
        %swap3A = arith.index_cast %add3A_1773 : i32 to index
        %swap3A_1774 = tpu.vector_load %arg7[%swap3A] {strides = array<i32>} : memref<8192xf32, #tpu.memory_space<vmem>>, vector<16xf32>,
        %swap3A_1775 = vector.shape_cast %swap3A_1774 : vector<16xf32> to vector<16xf32>
        %swap3A_1776 = vector.shape_cast %mul3A_1771 : vector<16xf32> to vector<16xf32>
        tpu.vector_store %arg7[%swap3A], %swap3A_1776 {strides = array<i32>} : memref<8192xf32, #tpu.memory_space<vmem>>, vector<16xf32>,
        %mul3A_1777 = arith.mulf %add3A_1763, %get3A_15 : vector<16xf32>
        %mul3A_1778 = arith.mulf %mul3A_1777, %select_n3A_1528 : vector<16xf32>
        %add3A_1779 = arith.constant 16 : i32
        %add3A_1780 = arith.addi %mul3A_51, %add3A_1779 : i32
        %swap3A_1781 = arith.index_cast %add3A_1780 : i32 to index
        %swap3A_1782 = tpu.vector_load %arg7[%swap3A_1781] {strides = array<i32>} : memref<8192xf32, #tpu.memory_space<vmem>>, vector<16xf32>,
        %swap3A_1783 = vector.shape_cast %swap3A_1782 : vector<16xf32> to vector<16xf32>
        %swap3A_1784 = vector.shape_cast %mul3A_1778 : vector<16xf32> to vector<16xf32>
        tpu.vector_store %arg7[%swap3A_1781], %swap3A_1784 {strides = array<i32>} : memref<8192xf32, #tpu.memory_space<vmem>>, vector<16xf32>,
        %mul3A_1785 = arith.mulf %add3A_1764, %get3A_18 : vector<16xf32>
        %mul3A_1786 = arith.mulf %mul3A_1785, %select_n3A_1528 : vector<16xf32>
        %add3A_1787 = arith.constant 32 : i32
        %add3A_1788 = arith.addi %mul3A_51, %add3A_1787 : i32
        %swap3A_1789 = arith.index_cast %add3A_1788 : i32 to index
        %swap3A_1790 = tpu.vector_load %arg7[%swap3A_1789] {strides = array<i32>} : memref<8192xf32, #tpu.memory_space<vmem>>, vector<16xf32>,
        %swap3A_1791 = vector.shape_cast %swap3A_1790 : vector<16xf32> to vector<16xf32>
        %swap3A_1792 = vector.shape_cast %mul3A_1786 : vector<16xf32> to vector<16xf32>
        tpu.vector_store %arg7[%swap3A_1789], %swap3A_1792 {strides = array<i32>} : memref<8192xf32, #tpu.memory_space<vmem>>, vector<16xf32>,
        %mul3A_1793 = arith.mulf %add3A_1765, %get3A_21 : vector<16xf32>
        %mul3A_1794 = arith.mulf %mul3A_1793, %select_n3A_1528 : vector<16xf32>
        %add3A_1795 = arith.constant 48 : i32
        %add3A_1796 = arith.addi %mul3A_51, %add3A_1795 : i32
        %swap3A_1797 = arith.index_cast %add3A_1796 : i32 to index
        %swap3A_1798 = tpu.vector_load %arg7[%swap3A_1797] {strides = array<i32>} : memref<8192xf32, #tpu.memory_space<vmem>>, vector<16xf32>,
        %swap3A_1799 = vector.shape_cast %swap3A_1798 : vector<16xf32> to vector<16xf32>
        %swap3A_1800 = vector.shape_cast %mul3A_1794 : vector<16xf32> to vector<16xf32>
        tpu.vector_store %arg7[%swap3A_1797], %swap3A_1800 {strides = array<i32>} : memref<8192xf32, #tpu.memory_space<vmem>>, vector<16xf32>,
        %mul3A_1801 = arith.mulf %sub3A_1766, %get3A_24 : vector<16xf32>
        %mul3A_1802 = arith.mulf %mul3A_1801, %select_n3A_1528 : vector<16xf32>
        %add3A_1803 = arith.constant 64 : i32
        %add3A_1804 = arith.addi %mul3A_51, %add3A_1803 : i32
        %swap3A_1805 = arith.index_cast %add3A_1804 : i32 to index
        %swap3A_1806 = tpu.vector_load %arg7[%swap3A_1805] {strides = array<i32>} : memref<8192xf32, #tpu.memory_space<vmem>>, vector<16xf32>,
        %swap3A_1807 = vector.shape_cast %swap3A_1806 : vector<16xf32> to vector<16xf32>
        %swap3A_1808 = vector.shape_cast %mul3A_1802 : vector<16xf32> to vector<16xf32>
        tpu.vector_store %arg7[%swap3A_1805], %swap3A_1808 {strides = array<i32>} : memref<8192xf32, #tpu.memory_space<vmem>>, vector<16xf32>,
        %mul3A_1809 = arith.mulf %sub3A_1767, %get3A_27 : vector<16xf32>
        %mul3A_1810 = arith.mulf %mul3A_1809, %select_n3A_1528 : vector<16xf32>
        %add3A_1811 = arith.constant 80 : i32
        %add3A_1812 = arith.addi %mul3A_51, %add3A_1811 : i32
        %swap3A_1813 = arith.index_cast %add3A_1812 : i32 to index
        %swap3A_1814 = tpu.vector_load %arg7[%swap3A_1813] {strides = array<i32>} : memref<8192xf32, #tpu.memory_space<vmem>>, vector<16xf32>,
        %swap3A_1815 = vector.shape_cast %swap3A_1814 : vector<16xf32> to vector<16xf32>
        %swap3A_1816 = vector.shape_cast %mul3A_1810 : vector<16xf32> to vector<16xf32>
        tpu.vector_store %arg7[%swap3A_1813], %swap3A_1816 {strides = array<i32>} : memref<8192xf32, #tpu.memory_space<vmem>>, vector<16xf32>,
        %mul3A_1817 = arith.mulf %sub3A_1768, %get3A_30 : vector<16xf32>
        %mul3A_1818 = arith.mulf %mul3A_1817, %select_n3A_1528 : vector<16xf32>
        %add3A_1819 = arith.constant 96 : i32
        %add3A_1820 = arith.addi %mul3A_51, %add3A_1819 : i32
        %swap3A_1821 = arith.index_cast %add3A_1820 : i32 to index
        %swap3A_1822 = tpu.vector_load %arg7[%swap3A_1821] {strides = array<i32>} : memref<8192xf32, #tpu.memory_space<vmem>>, vector<16xf32>,
        %swap3A_1823 = vector.shape_cast %swap3A_1822 : vector<16xf32> to vector<16xf32>
        %swap3A_1824 = vector.shape_cast %mul3A_1818 : vector<16xf32> to vector<16xf32>
        tpu.vector_store %arg7[%swap3A_1821], %swap3A_1824 {strides = array<i32>} : memref<8192xf32, #tpu.memory_space<vmem>>, vector<16xf32>,
        %mul3A_1825 = arith.mulf %sub3A_1769, %get3A_33 : vector<16xf32>
        %mul3A_1826 = arith.mulf %mul3A_1825, %select_n3A_1528 : vector<16xf32>
        %add3A_1827 = arith.constant 112 : i32
        %add3A_1828 = arith.addi %mul3A_51, %add3A_1827 : i32
        %swap3A_1829 = arith.index_cast %add3A_1828 : i32 to index
        %swap3A_1830 = tpu.vector_load %arg7[%swap3A_1829] {strides = array<i32>} : memref<8192xf32, #tpu.memory_space<vmem>>, vector<16xf32>,
        %swap3A_1831 = vector.shape_cast %swap3A_1830 : vector<16xf32> to vector<16xf32>
        %swap3A_1832 = vector.shape_cast %mul3A_1826 : vector<16xf32> to vector<16xf32>
        tpu.vector_store %arg7[%swap3A_1829], %swap3A_1832 {strides = array<i32>} : memref<8192xf32, #tpu.memory_space<vmem>>, vector<16xf32>,
      }
      %scan3A_48 = arith.constant 64 : i32
      "tpu.region"() ({
        %run_scoped3A = tpu.sem_alloc : memref<!tpu.dma_semaphore, #tpu.memory_space<semaphore_mem>>
        %dma_start3A = tpu.memref_slice %arg4[%add3A_42] : memref<3932160xf32, #tpu.memory_space<hbm>> -> memref<8192xf32, #tpu.memory_space<hbm>>
        %dma_start3A_49 = tpu.memref_slice %arg4[%add3A_42] : memref<3932160xf32, #tpu.memory_space<hbm>> -> memref<8192xf32, #tpu.memory_space<hbm>>
        tpu.enqueue_dma source(%arg7 : memref<8192xf32, #tpu.memory_space<vmem>>) target(%dma_start3A_49 : memref<8192xf32, #tpu.memory_space<hbm>>) target_semaphore(%run_scoped3A : memref<!tpu.dma_semaphore, #tpu.memory_space<semaphore_mem>>)
        %dma_wait3A = tpu.memref_slice %arg4[%add3A_42] : memref<3932160xf32, #tpu.memory_space<hbm>> -> memref<8192xf32, #tpu.memory_space<hbm>>
        %dma_wait3A_50 = tpu.memref_slice %arg4[%add3A_42] : memref<3932160xf32, #tpu.memory_space<hbm>> -> memref<8192xf32, #tpu.memory_space<hbm>>
        tpu.wait_dma2 semaphore(%run_scoped3A : memref<!tpu.dma_semaphore, #tpu.memory_space<semaphore_mem>>) src(%arg7 : memref<8192xf32, #tpu.memory_space<vmem>>) dst(%dma_wait3A_50 : memref<8192xf32, #tpu.memory_space<hbm>>)
        tpu.yield
      }) : () -> ()
    }
    %scan3A_38 = arith.constant 15 : i32
    return
  }
}

module attributes {stable_mosaic.version = 14 : i64} {
  func.func @_tc_body(%arg0: i32, %arg1: memref<1024x128xf32, #tpu.memory_space<vmem>>, %arg2: memref<128x128xf32, #tpu.memory_space<vmem>>, %arg3: memref<1024x128xf32, #tpu.memory_space<vmem>>) attributes {dimension_semantics = [#tpu.dimension_semantics<arbitrary>], iteration_bounds = array<i64: 34>, scalar_prefetch = 0 : i64, scratch_operands = 0 : i64, tpu.core_type = #tpu.core_type<tc>, window_params = [{transform_indices = @transform_0, window_bounds = array<i64: 1024, 128>}, {pipeline_mode = #tpu.pipeline_mode<synchronous>, transform_indices = @transform_1, window_bounds = array<i64: 128, 128>}, {transform_indices = @transform_2, window_bounds = array<i64: 1024, 128>}]} {
    %get3A = arith.constant 0 : index
    %get3A_0 = arith.constant 0 : index
    %get3A_1 = vector.load %arg1[%get3A, %get3A_0] : memref<1024x128xf32, #tpu.memory_space<vmem>>, vector<1024x128xf32>
    %get3A_2 = arith.constant 0 : index
    %get3A_3 = arith.constant 0 : index
    %get3A_4 = vector.load %arg2[%get3A_2, %get3A_3] : memref<128x128xf32, #tpu.memory_space<vmem>>, vector<128x128xf32>
    %dot_general3A = arith.constant dense<0.000000e+00> : vector<1024x128xf32>
    %dot_general3A_5 = tpu.matmul %get3A_1, %get3A_4, %dot_general3A {dimension_numbers = #tpu.dot_dimension_numbers<[1], [0], [0], [1], [0, 0, 1, 1], [], []>, precision = #tpu.contract_precision<fp32>, transpose_lhs_hint = false} : vector<1024x128xf32>, vector<128x128xf32>, vector<1024x128xf32> -> vector<1024x128xf32>
    %abs3A = math.absf %dot_general3A_5 : vector<1024x128xf32>
    %reduce_max3A = arith.constant dense<0xFF800000> : vector<1024xf32>
    %reduce_max3A_6 = vector.multi_reduction <maximumf>, %abs3A, %reduce_max3A [1] : vector<1024x128xf32> to vector<1024xf32>
    %broadcast_in_dim3A = vector.shape_cast %reduce_max3A_6 : vector<1024xf32> to vector<1024x1xf32>
    %reduce_sum3A = arith.constant dense<0.000000e+00> : vector<1024xf32>
    %reduce_sum3A_7 = vector.multi_reduction <add>, %abs3A, %reduce_sum3A [1] : vector<1024x128xf32> to vector<1024xf32>
    %broadcast_in_dim3A_8 = vector.shape_cast %reduce_sum3A_7 : vector<1024xf32> to vector<1024x1xf32>
    %mul3A = arith.constant 11.3137083 : f32
    %mul3A_9 = vector.broadcast %mul3A : f32 to vector<1024x1xf32>
    %mul3A_10 = arith.mulf %broadcast_in_dim3A, %mul3A_9 : vector<1024x1xf32>
    %add3A = arith.constant 9.99999993E-9 : f32
    %add3A_11 = vector.broadcast %add3A : f32 to vector<1024x1xf32>
    %add3A_12 = arith.addf %mul3A_10, %add3A_11 : vector<1024x1xf32>
    %mul3A_13 = arith.constant 9.99999993E-9 : f32
    %mul3A_14 = vector.broadcast %mul3A_13 : f32 to vector<1024x1xf32>
    %mul3A_15 = arith.mulf %mul3A_14, %add3A_12 : vector<1024x1xf32>
    %mul3A_16 = arith.constant 0.367999136 : f32
    %mul3A_17 = vector.broadcast %mul3A_16 : f32 to vector<1024x1xf32>
    %mul3A_18 = arith.mulf %broadcast_in_dim3A, %mul3A_17 : vector<1024x1xf32>
    %add3A_19 = arith.addf %mul3A_18, %mul3A_15 : vector<1024x1xf32>
    %broadcast_in_dim3A_20 = arith.constant -2.71747017 : f32
    %broadcast_in_dim3A_21 = vector.broadcast %broadcast_in_dim3A_20 : f32 to vector<1024x128xf32>
    %mul3A_22 = arith.constant -2.38469601 : f32
    %mul3A_23 = vector.broadcast %mul3A_22 : f32 to vector<1024x1xf32>
    %mul3A_24 = arith.mulf %mul3A_23, %add3A_19 : vector<1024x1xf32>
    %gt3A = vector.broadcast %mul3A_24 : vector<1024x1xf32> to vector<1024x128xf32>
    %gt3A_25 = arith.cmpf ogt, %dot_general3A_5, %gt3A : vector<1024x128xf32>
    %jit3A = arith.constant 0.665548086 : f32
    %jit3A_26 = arith.constant 0.000000e+00 : f32
    %broadcast_in_dim3A_27 = vector.broadcast %jit3A : f32 to vector<1024x128xf32>
    %broadcast_in_dim3A_28 = vector.broadcast %jit3A_26 : f32 to vector<1024x128xf32>
    %select_n3A = arith.select %gt3A_25, %broadcast_in_dim3A_27, %broadcast_in_dim3A_28 : vector<1024x128xi1>, vector<1024x128xf32>
    %add3A_29 = arith.addf %broadcast_in_dim3A_21, %select_n3A : vector<1024x128xf32>
    %mul3A_30 = arith.constant -1.8262521 : f32
    %mul3A_31 = vector.broadcast %mul3A_30 : f32 to vector<1024x1xf32>
    %mul3A_32 = arith.mulf %mul3A_31, %add3A_19 : vector<1024x1xf32>
    %gt3A_33 = vector.broadcast %mul3A_32 : vector<1024x1xf32> to vector<1024x128xf32>
    %gt3A_34 = arith.cmpf ogt, %dot_general3A_5, %gt3A_33 : vector<1024x128xf32>
    %jit3A_35 = arith.constant 0.45133996 : f32
    %jit3A_36 = arith.constant 0.000000e+00 : f32
    %broadcast_in_dim3A_37 = vector.broadcast %jit3A_35 : f32 to vector<1024x128xf32>
    %broadcast_in_dim3A_38 = vector.broadcast %jit3A_36 : f32 to vector<1024x128xf32>
    %select_n3A_39 = arith.select %gt3A_34, %broadcast_in_dim3A_37, %broadcast_in_dim3A_38 : vector<1024x128xi1>, vector<1024x128xf32>
    %add3A_40 = arith.addf %add3A_29, %select_n3A_39 : vector<1024x128xf32>
    %mul3A_41 = arith.constant -1.42015529 : f32
    %mul3A_42 = vector.broadcast %mul3A_41 : f32 to vector<1024x1xf32>
    %mul3A_43 = arith.mulf %mul3A_42, %add3A_19 : vector<1024x1xf32>
    %gt3A_44 = vector.broadcast %mul3A_43 : vector<1024x1xf32> to vector<1024x128xf32>
    %gt3A_45 = arith.cmpf ogt, %dot_general3A_5, %gt3A_44 : vector<1024x128xf32>
    %jit3A_46 = arith.constant 0.360853791 : f32
    %jit3A_47 = arith.constant 0.000000e+00 : f32
    %broadcast_in_dim3A_48 = vector.broadcast %jit3A_46 : f32 to vector<1024x128xf32>
    %broadcast_in_dim3A_49 = vector.broadcast %jit3A_47 : f32 to vector<1024x128xf32>
    %select_n3A_50 = arith.select %gt3A_45, %broadcast_in_dim3A_48, %broadcast_in_dim3A_49 : vector<1024x128xi1>, vector<1024x128xf32>
    %add3A_51 = arith.addf %add3A_40, %select_n3A_50 : vector<1024x128xf32>
    %mul3A_52 = arith.constant -1.08388531 : f32
    %mul3A_53 = vector.broadcast %mul3A_52 : f32 to vector<1024x1xf32>
    %mul3A_54 = arith.mulf %mul3A_53, %add3A_19 : vector<1024x1xf32>
    %gt3A_55 = vector.broadcast %mul3A_54 : vector<1024x1xf32> to vector<1024x128xf32>
    %gt3A_56 = arith.cmpf ogt, %dot_general3A_5, %gt3A_55 : vector<1024x128xf32>
    %jit3A_57 = arith.constant 0.311685979 : f32
    %jit3A_58 = arith.constant 0.000000e+00 : f32
    %broadcast_in_dim3A_59 = vector.broadcast %jit3A_57 : f32 to vector<1024x128xf32>
    %broadcast_in_dim3A_60 = vector.broadcast %jit3A_58 : f32 to vector<1024x128xf32>
    %select_n3A_61 = arith.select %gt3A_56, %broadcast_in_dim3A_59, %broadcast_in_dim3A_60 : vector<1024x128xi1>, vector<1024x128xf32>
    %add3A_62 = arith.addf %add3A_51, %select_n3A_61 : vector<1024x128xf32>
    %mul3A_63 = arith.constant -0.786863148 : f32
    %mul3A_64 = vector.broadcast %mul3A_63 : f32 to vector<1024x1xf32>
    %mul3A_65 = arith.mulf %mul3A_64, %add3A_19 : vector<1024x1xf32>
    %gt3A_66 = vector.broadcast %mul3A_65 : vector<1024x1xf32> to vector<1024x128xf32>
    %gt3A_67 = arith.cmpf ogt, %dot_general3A_5, %gt3A_66 : vector<1024x128xf32>
    %jit3A_68 = arith.constant 0.282358408 : f32
    %jit3A_69 = arith.constant 0.000000e+00 : f32
    %broadcast_in_dim3A_70 = vector.broadcast %jit3A_68 : f32 to vector<1024x128xf32>
    %broadcast_in_dim3A_71 = vector.broadcast %jit3A_69 : f32 to vector<1024x128xf32>
    %select_n3A_72 = arith.select %gt3A_67, %broadcast_in_dim3A_70, %broadcast_in_dim3A_71 : vector<1024x128xi1>, vector<1024x128xf32>
    %add3A_73 = arith.addf %add3A_62, %select_n3A_72 : vector<1024x128xf32>
    %mul3A_74 = arith.constant -5.133480e-01 : f32
    %mul3A_75 = vector.broadcast %mul3A_74 : f32 to vector<1024x1xf32>
    %mul3A_76 = arith.mulf %mul3A_75, %add3A_19 : vector<1024x1xf32>
    %gt3A_77 = vector.broadcast %mul3A_76 : vector<1024x1xf32> to vector<1024x128xf32>
    %gt3A_78 = arith.cmpf ogt, %dot_general3A_5, %gt3A_77 : vector<1024x128xf32>
    %jit3A_79 = arith.constant 0.264671922 : f32
    %jit3A_80 = arith.constant 0.000000e+00 : f32
    %broadcast_in_dim3A_81 = vector.broadcast %jit3A_79 : f32 to vector<1024x128xf32>
    %broadcast_in_dim3A_82 = vector.broadcast %jit3A_80 : f32 to vector<1024x128xf32>
    %select_n3A_83 = arith.select %gt3A_78, %broadcast_in_dim3A_81, %broadcast_in_dim3A_82 : vector<1024x128xi1>, vector<1024x128xf32>
    %add3A_84 = arith.addf %add3A_73, %select_n3A_83 : vector<1024x128xf32>
    %mul3A_85 = arith.constant -0.253508121 : f32
    %mul3A_86 = vector.broadcast %mul3A_85 : f32 to vector<1024x1xf32>
    %mul3A_87 = arith.mulf %mul3A_86, %add3A_19 : vector<1024x1xf32>
    %gt3A_88 = vector.broadcast %mul3A_87 : vector<1024x1xf32> to vector<1024x128xf32>
    %gt3A_89 = arith.cmpf ogt, %dot_general3A_5, %gt3A_88 : vector<1024x128xf32>
    %jit3A_90 = arith.constant 0.255007803 : f32
    %jit3A_91 = arith.constant 0.000000e+00 : f32
    %broadcast_in_dim3A_92 = vector.broadcast %jit3A_90 : f32 to vector<1024x128xf32>
    %broadcast_in_dim3A_93 = vector.broadcast %jit3A_91 : f32 to vector<1024x128xf32>
    %select_n3A_94 = arith.select %gt3A_89, %broadcast_in_dim3A_92, %broadcast_in_dim3A_93 : vector<1024x128xi1>, vector<1024x128xf32>
    %add3A_95 = arith.addf %add3A_84, %select_n3A_94 : vector<1024x128xf32>
    %mul3A_96 = arith.constant -3.978610e-05 : f32
    %mul3A_97 = vector.broadcast %mul3A_96 : f32 to vector<1024x1xf32>
    %mul3A_98 = arith.mulf %mul3A_97, %add3A_19 : vector<1024x1xf32>
    %gt3A_99 = vector.broadcast %mul3A_98 : vector<1024x1xf32> to vector<1024x128xf32>
    %gt3A_100 = arith.cmpf ogt, %dot_general3A_5, %gt3A_99 : vector<1024x128xf32>
    %jit3A_101 = arith.constant 0.251928896 : f32
    %jit3A_102 = arith.constant 0.000000e+00 : f32
    %broadcast_in_dim3A_103 = vector.broadcast %jit3A_101 : f32 to vector<1024x128xf32>
    %broadcast_in_dim3A_104 = vector.broadcast %jit3A_102 : f32 to vector<1024x128xf32>
    %select_n3A_105 = arith.select %gt3A_100, %broadcast_in_dim3A_103, %broadcast_in_dim3A_104 : vector<1024x128xi1>, vector<1024x128xf32>
    %add3A_106 = arith.addf %add3A_95, %select_n3A_105 : vector<1024x128xf32>
    %mul3A_107 = arith.constant 0.253428578 : f32
    %mul3A_108 = vector.broadcast %mul3A_107 : f32 to vector<1024x1xf32>
    %mul3A_109 = arith.mulf %mul3A_108, %add3A_19 : vector<1024x1xf32>
    %gt3A_110 = vector.broadcast %mul3A_109 : vector<1024x1xf32> to vector<1024x128xf32>
    %gt3A_111 = arith.cmpf ogt, %dot_general3A_5, %gt3A_110 : vector<1024x128xf32>
    %jit3A_112 = arith.constant 0.255007803 : f32
    %jit3A_113 = arith.constant 0.000000e+00 : f32
    %broadcast_in_dim3A_114 = vector.broadcast %jit3A_112 : f32 to vector<1024x128xf32>
    %broadcast_in_dim3A_115 = vector.broadcast %jit3A_113 : f32 to vector<1024x128xf32>
    %select_n3A_116 = arith.select %gt3A_111, %broadcast_in_dim3A_114, %broadcast_in_dim3A_115 : vector<1024x128xi1>, vector<1024x128xf32>
    %add3A_117 = arith.addf %add3A_106, %select_n3A_116 : vector<1024x128xf32>
    %mul3A_118 = arith.constant 0.513268471 : f32
    %mul3A_119 = vector.broadcast %mul3A_118 : f32 to vector<1024x1xf32>
    %mul3A_120 = arith.mulf %mul3A_119, %add3A_19 : vector<1024x1xf32>
    %gt3A_121 = vector.broadcast %mul3A_120 : vector<1024x1xf32> to vector<1024x128xf32>
    %gt3A_122 = arith.cmpf ogt, %dot_general3A_5, %gt3A_121 : vector<1024x128xf32>
    %jit3A_123 = arith.constant 0.264671952 : f32
    %jit3A_124 = arith.constant 0.000000e+00 : f32
    %broadcast_in_dim3A_125 = vector.broadcast %jit3A_123 : f32 to vector<1024x128xf32>
    %broadcast_in_dim3A_126 = vector.broadcast %jit3A_124 : f32 to vector<1024x128xf32>
    %select_n3A_127 = arith.select %gt3A_122, %broadcast_in_dim3A_125, %broadcast_in_dim3A_126 : vector<1024x128xi1>, vector<1024x128xf32>
    %add3A_128 = arith.addf %add3A_117, %select_n3A_127 : vector<1024x128xf32>
    %mul3A_129 = arith.constant 0.786783695 : f32
    %mul3A_130 = vector.broadcast %mul3A_129 : f32 to vector<1024x1xf32>
    %mul3A_131 = arith.mulf %mul3A_130, %add3A_19 : vector<1024x1xf32>
    %gt3A_132 = vector.broadcast %mul3A_131 : vector<1024x1xf32> to vector<1024x128xf32>
    %gt3A_133 = arith.cmpf ogt, %dot_general3A_5, %gt3A_132 : vector<1024x128xf32>
    %jit3A_134 = arith.constant 0.282358527 : f32
    %jit3A_135 = arith.constant 0.000000e+00 : f32
    %broadcast_in_dim3A_136 = vector.broadcast %jit3A_134 : f32 to vector<1024x128xf32>
    %broadcast_in_dim3A_137 = vector.broadcast %jit3A_135 : f32 to vector<1024x128xf32>
    %select_n3A_138 = arith.select %gt3A_133, %broadcast_in_dim3A_136, %broadcast_in_dim3A_137 : vector<1024x128xi1>, vector<1024x128xf32>
    %add3A_139 = arith.addf %add3A_128, %select_n3A_138 : vector<1024x128xf32>
    %mul3A_140 = arith.constant 1.08380604 : f32
    %mul3A_141 = vector.broadcast %mul3A_140 : f32 to vector<1024x1xf32>
    %mul3A_142 = arith.mulf %mul3A_141, %add3A_19 : vector<1024x1xf32>
    %gt3A_143 = vector.broadcast %mul3A_142 : vector<1024x1xf32> to vector<1024x128xf32>
    %gt3A_144 = arith.cmpf ogt, %dot_general3A_5, %gt3A_143 : vector<1024x128xf32>
    %jit3A_145 = arith.constant 0.311686099 : f32
    %jit3A_146 = arith.constant 0.000000e+00 : f32
    %broadcast_in_dim3A_147 = vector.broadcast %jit3A_145 : f32 to vector<1024x128xf32>
    %broadcast_in_dim3A_148 = vector.broadcast %jit3A_146 : f32 to vector<1024x128xf32>
    %select_n3A_149 = arith.select %gt3A_144, %broadcast_in_dim3A_147, %broadcast_in_dim3A_148 : vector<1024x128xi1>, vector<1024x128xf32>
    %add3A_150 = arith.addf %add3A_139, %select_n3A_149 : vector<1024x128xf32>
    %mul3A_151 = arith.constant 1.42007613 : f32
    %mul3A_152 = vector.broadcast %mul3A_151 : f32 to vector<1024x1xf32>
    %mul3A_153 = arith.mulf %mul3A_152, %add3A_19 : vector<1024x1xf32>
    %gt3A_154 = vector.broadcast %mul3A_153 : vector<1024x1xf32> to vector<1024x128xf32>
    %gt3A_155 = arith.cmpf ogt, %dot_general3A_5, %gt3A_154 : vector<1024x128xf32>
    %jit3A_156 = arith.constant 0.360854149 : f32
    %jit3A_157 = arith.constant 0.000000e+00 : f32
    %broadcast_in_dim3A_158 = vector.broadcast %jit3A_156 : f32 to vector<1024x128xf32>
    %broadcast_in_dim3A_159 = vector.broadcast %jit3A_157 : f32 to vector<1024x128xf32>
    %select_n3A_160 = arith.select %gt3A_155, %broadcast_in_dim3A_158, %broadcast_in_dim3A_159 : vector<1024x128xi1>, vector<1024x128xf32>
    %add3A_161 = arith.addf %add3A_150, %select_n3A_160 : vector<1024x128xf32>
    %mul3A_162 = arith.constant 1.82617366 : f32
    %mul3A_163 = vector.broadcast %mul3A_162 : f32 to vector<1024x1xf32>
    %mul3A_164 = arith.mulf %mul3A_163, %add3A_19 : vector<1024x1xf32>
    %gt3A_165 = vector.broadcast %mul3A_164 : vector<1024x1xf32> to vector<1024x128xf32>
    %gt3A_166 = arith.cmpf ogt, %dot_general3A_5, %gt3A_165 : vector<1024x128xf32>
    %jit3A_167 = arith.constant 0.451340914 : f32
    %jit3A_168 = arith.constant 0.000000e+00 : f32
    %broadcast_in_dim3A_169 = vector.broadcast %jit3A_167 : f32 to vector<1024x128xf32>
    %broadcast_in_dim3A_170 = vector.broadcast %jit3A_168 : f32 to vector<1024x128xf32>
    %select_n3A_171 = arith.select %gt3A_166, %broadcast_in_dim3A_169, %broadcast_in_dim3A_170 : vector<1024x128xi1>, vector<1024x128xf32>
    %add3A_172 = arith.addf %add3A_161, %select_n3A_171 : vector<1024x128xf32>
    %mul3A_173 = arith.constant 2.3846209 : f32
    %mul3A_174 = vector.broadcast %mul3A_173 : f32 to vector<1024x1xf32>
    %mul3A_175 = arith.mulf %mul3A_174, %add3A_19 : vector<1024x1xf32>
    %gt3A_176 = vector.broadcast %mul3A_175 : vector<1024x1xf32> to vector<1024x128xf32>
    %gt3A_177 = arith.cmpf ogt, %dot_general3A_5, %gt3A_176 : vector<1024x128xf32>
    %jit3A_178 = arith.constant 0.665553569 : f32
    %jit3A_179 = arith.constant 0.000000e+00 : f32
    %broadcast_in_dim3A_180 = vector.broadcast %jit3A_178 : f32 to vector<1024x128xf32>
    %broadcast_in_dim3A_181 = vector.broadcast %jit3A_179 : f32 to vector<1024x128xf32>
    %select_n3A_182 = arith.select %gt3A_177, %broadcast_in_dim3A_180, %broadcast_in_dim3A_181 : vector<1024x128xi1>, vector<1024x128xf32>
    %add3A_183 = arith.addf %add3A_172, %select_n3A_182 : vector<1024x128xf32>
    %mul3A_184 = arith.mulf %dot_general3A_5, %add3A_183 : vector<1024x128xf32>
    %reduce_sum3A_185 = arith.constant dense<0.000000e+00> : vector<1024xf32>
    %reduce_sum3A_186 = vector.multi_reduction <add>, %mul3A_184, %reduce_sum3A_185 [1] : vector<1024x128xf32> to vector<1024xf32>
    %broadcast_in_dim3A_187 = vector.shape_cast %reduce_sum3A_186 : vector<1024xf32> to vector<1024x1xf32>
    %mul3A_188 = arith.mulf %add3A_183, %add3A_183 : vector<1024x128xf32>
    %reduce_sum3A_189 = arith.constant dense<0.000000e+00> : vector<1024xf32>
    %reduce_sum3A_190 = vector.multi_reduction <add>, %mul3A_188, %reduce_sum3A_189 [1] : vector<1024x128xf32> to vector<1024xf32>
    %broadcast_in_dim3A_191 = vector.shape_cast %reduce_sum3A_190 : vector<1024xf32> to vector<1024x1xf32>
    %add3A_192 = arith.constant 9.99999993E-9 : f32
    %add3A_193 = vector.broadcast %add3A_192 : f32 to vector<1024x1xf32>
    %add3A_194 = arith.addf %broadcast_in_dim3A_191, %add3A_193 : vector<1024x1xf32>
    %div3A = arith.divf %broadcast_in_dim3A_187, %add3A_194 : vector<1024x1xf32>
    %add3A_195 = arith.addf %div3A, %mul3A_15 : vector<1024x1xf32>
    %mul3A_196 = arith.constant 7.812500e-03 : f32
    %mul3A_197 = vector.broadcast %mul3A_196 : f32 to vector<1024x1xf32>
    %mul3A_198 = arith.mulf %broadcast_in_dim3A_8, %mul3A_197 : vector<1024x1xf32>
    %add3A_199 = arith.addf %mul3A_198, %mul3A_15 : vector<1024x1xf32>
    %mul3A_200 = arith.constant 5.000000e+00 : f32
    %mul3A_201 = vector.broadcast %mul3A_200 : f32 to vector<1024x1xf32>
    %mul3A_202 = arith.mulf %mul3A_201, %add3A_199 : vector<1024x1xf32>
    %gt3A_203 = arith.cmpf ogt, %broadcast_in_dim3A, %mul3A_202 : vector<1024x1xf32>
    %select_n3A_204 = arith.select %gt3A_203, %add3A_19, %add3A_195 : vector<1024x1xi1>, vector<1024x1xf32>
    %broadcast_in_dim3A_205 = arith.constant -2.71747017 : f32
    %broadcast_in_dim3A_206 = vector.broadcast %broadcast_in_dim3A_205 : f32 to vector<1024x128xf32>
    %mul3A_207 = arith.constant -2.38469601 : f32
    %mul3A_208 = vector.broadcast %mul3A_207 : f32 to vector<1024x1xf32>
    %mul3A_209 = arith.mulf %mul3A_208, %select_n3A_204 : vector<1024x1xf32>
    %gt3A_210 = vector.broadcast %mul3A_209 : vector<1024x1xf32> to vector<1024x128xf32>
    %gt3A_211 = arith.cmpf ogt, %dot_general3A_5, %gt3A_210 : vector<1024x128xf32>
    %jit3A_212 = arith.constant 0.665548086 : f32
    %jit3A_213 = arith.constant 0.000000e+00 : f32
    %broadcast_in_dim3A_214 = vector.broadcast %jit3A_212 : f32 to vector<1024x128xf32>
    %broadcast_in_dim3A_215 = vector.broadcast %jit3A_213 : f32 to vector<1024x128xf32>
    %select_n3A_216 = arith.select %gt3A_211, %broadcast_in_dim3A_214, %broadcast_in_dim3A_215 : vector<1024x128xi1>, vector<1024x128xf32>
    %add3A_217 = arith.addf %broadcast_in_dim3A_206, %select_n3A_216 : vector<1024x128xf32>
    %mul3A_218 = arith.constant -1.8262521 : f32
    %mul3A_219 = vector.broadcast %mul3A_218 : f32 to vector<1024x1xf32>
    %mul3A_220 = arith.mulf %mul3A_219, %select_n3A_204 : vector<1024x1xf32>
    %gt3A_221 = vector.broadcast %mul3A_220 : vector<1024x1xf32> to vector<1024x128xf32>
    %gt3A_222 = arith.cmpf ogt, %dot_general3A_5, %gt3A_221 : vector<1024x128xf32>
    %jit3A_223 = arith.constant 0.45133996 : f32
    %jit3A_224 = arith.constant 0.000000e+00 : f32
    %broadcast_in_dim3A_225 = vector.broadcast %jit3A_223 : f32 to vector<1024x128xf32>
    %broadcast_in_dim3A_226 = vector.broadcast %jit3A_224 : f32 to vector<1024x128xf32>
    %select_n3A_227 = arith.select %gt3A_222, %broadcast_in_dim3A_225, %broadcast_in_dim3A_226 : vector<1024x128xi1>, vector<1024x128xf32>
    %add3A_228 = arith.addf %add3A_217, %select_n3A_227 : vector<1024x128xf32>
    %mul3A_229 = arith.constant -1.42015529 : f32
    %mul3A_230 = vector.broadcast %mul3A_229 : f32 to vector<1024x1xf32>
    %mul3A_231 = arith.mulf %mul3A_230, %select_n3A_204 : vector<1024x1xf32>
    %gt3A_232 = vector.broadcast %mul3A_231 : vector<1024x1xf32> to vector<1024x128xf32>
    %gt3A_233 = arith.cmpf ogt, %dot_general3A_5, %gt3A_232 : vector<1024x128xf32>
    %jit3A_234 = arith.constant 0.360853791 : f32
    %jit3A_235 = arith.constant 0.000000e+00 : f32
    %broadcast_in_dim3A_236 = vector.broadcast %jit3A_234 : f32 to vector<1024x128xf32>
    %broadcast_in_dim3A_237 = vector.broadcast %jit3A_235 : f32 to vector<1024x128xf32>
    %select_n3A_238 = arith.select %gt3A_233, %broadcast_in_dim3A_236, %broadcast_in_dim3A_237 : vector<1024x128xi1>, vector<1024x128xf32>
    %add3A_239 = arith.addf %add3A_228, %select_n3A_238 : vector<1024x128xf32>
    %mul3A_240 = arith.constant -1.08388531 : f32
    %mul3A_241 = vector.broadcast %mul3A_240 : f32 to vector<1024x1xf32>
    %mul3A_242 = arith.mulf %mul3A_241, %select_n3A_204 : vector<1024x1xf32>
    %gt3A_243 = vector.broadcast %mul3A_242 : vector<1024x1xf32> to vector<1024x128xf32>
    %gt3A_244 = arith.cmpf ogt, %dot_general3A_5, %gt3A_243 : vector<1024x128xf32>
    %jit3A_245 = arith.constant 0.311685979 : f32
    %jit3A_246 = arith.constant 0.000000e+00 : f32
    %broadcast_in_dim3A_247 = vector.broadcast %jit3A_245 : f32 to vector<1024x128xf32>
    %broadcast_in_dim3A_248 = vector.broadcast %jit3A_246 : f32 to vector<1024x128xf32>
    %select_n3A_249 = arith.select %gt3A_244, %broadcast_in_dim3A_247, %broadcast_in_dim3A_248 : vector<1024x128xi1>, vector<1024x128xf32>
    %add3A_250 = arith.addf %add3A_239, %select_n3A_249 : vector<1024x128xf32>
    %mul3A_251 = arith.constant -0.786863148 : f32
    %mul3A_252 = vector.broadcast %mul3A_251 : f32 to vector<1024x1xf32>
    %mul3A_253 = arith.mulf %mul3A_252, %select_n3A_204 : vector<1024x1xf32>
    %gt3A_254 = vector.broadcast %mul3A_253 : vector<1024x1xf32> to vector<1024x128xf32>
    %gt3A_255 = arith.cmpf ogt, %dot_general3A_5, %gt3A_254 : vector<1024x128xf32>
    %jit3A_256 = arith.constant 0.282358408 : f32
    %jit3A_257 = arith.constant 0.000000e+00 : f32
    %broadcast_in_dim3A_258 = vector.broadcast %jit3A_256 : f32 to vector<1024x128xf32>
    %broadcast_in_dim3A_259 = vector.broadcast %jit3A_257 : f32 to vector<1024x128xf32>
    %select_n3A_260 = arith.select %gt3A_255, %broadcast_in_dim3A_258, %broadcast_in_dim3A_259 : vector<1024x128xi1>, vector<1024x128xf32>
    %add3A_261 = arith.addf %add3A_250, %select_n3A_260 : vector<1024x128xf32>
    %mul3A_262 = arith.constant -5.133480e-01 : f32
    %mul3A_263 = vector.broadcast %mul3A_262 : f32 to vector<1024x1xf32>
    %mul3A_264 = arith.mulf %mul3A_263, %select_n3A_204 : vector<1024x1xf32>
    %gt3A_265 = vector.broadcast %mul3A_264 : vector<1024x1xf32> to vector<1024x128xf32>
    %gt3A_266 = arith.cmpf ogt, %dot_general3A_5, %gt3A_265 : vector<1024x128xf32>
    %jit3A_267 = arith.constant 0.264671922 : f32
    %jit3A_268 = arith.constant 0.000000e+00 : f32
    %broadcast_in_dim3A_269 = vector.broadcast %jit3A_267 : f32 to vector<1024x128xf32>
    %broadcast_in_dim3A_270 = vector.broadcast %jit3A_268 : f32 to vector<1024x128xf32>
    %select_n3A_271 = arith.select %gt3A_266, %broadcast_in_dim3A_269, %broadcast_in_dim3A_270 : vector<1024x128xi1>, vector<1024x128xf32>
    %add3A_272 = arith.addf %add3A_261, %select_n3A_271 : vector<1024x128xf32>
    %mul3A_273 = arith.constant -0.253508121 : f32
    %mul3A_274 = vector.broadcast %mul3A_273 : f32 to vector<1024x1xf32>
    %mul3A_275 = arith.mulf %mul3A_274, %select_n3A_204 : vector<1024x1xf32>
    %gt3A_276 = vector.broadcast %mul3A_275 : vector<1024x1xf32> to vector<1024x128xf32>
    %gt3A_277 = arith.cmpf ogt, %dot_general3A_5, %gt3A_276 : vector<1024x128xf32>
    %jit3A_278 = arith.constant 0.255007803 : f32
    %jit3A_279 = arith.constant 0.000000e+00 : f32
    %broadcast_in_dim3A_280 = vector.broadcast %jit3A_278 : f32 to vector<1024x128xf32>
    %broadcast_in_dim3A_281 = vector.broadcast %jit3A_279 : f32 to vector<1024x128xf32>
    %select_n3A_282 = arith.select %gt3A_277, %broadcast_in_dim3A_280, %broadcast_in_dim3A_281 : vector<1024x128xi1>, vector<1024x128xf32>
    %add3A_283 = arith.addf %add3A_272, %select_n3A_282 : vector<1024x128xf32>
    %mul3A_284 = arith.constant -3.978610e-05 : f32
    %mul3A_285 = vector.broadcast %mul3A_284 : f32 to vector<1024x1xf32>
    %mul3A_286 = arith.mulf %mul3A_285, %select_n3A_204 : vector<1024x1xf32>
    %gt3A_287 = vector.broadcast %mul3A_286 : vector<1024x1xf32> to vector<1024x128xf32>
    %gt3A_288 = arith.cmpf ogt, %dot_general3A_5, %gt3A_287 : vector<1024x128xf32>
    %jit3A_289 = arith.constant 0.251928896 : f32
    %jit3A_290 = arith.constant 0.000000e+00 : f32
    %broadcast_in_dim3A_291 = vector.broadcast %jit3A_289 : f32 to vector<1024x128xf32>
    %broadcast_in_dim3A_292 = vector.broadcast %jit3A_290 : f32 to vector<1024x128xf32>
    %select_n3A_293 = arith.select %gt3A_288, %broadcast_in_dim3A_291, %broadcast_in_dim3A_292 : vector<1024x128xi1>, vector<1024x128xf32>
    %add3A_294 = arith.addf %add3A_283, %select_n3A_293 : vector<1024x128xf32>
    %mul3A_295 = arith.constant 0.253428578 : f32
    %mul3A_296 = vector.broadcast %mul3A_295 : f32 to vector<1024x1xf32>
    %mul3A_297 = arith.mulf %mul3A_296, %select_n3A_204 : vector<1024x1xf32>
    %gt3A_298 = vector.broadcast %mul3A_297 : vector<1024x1xf32> to vector<1024x128xf32>
    %gt3A_299 = arith.cmpf ogt, %dot_general3A_5, %gt3A_298 : vector<1024x128xf32>
    %jit3A_300 = arith.constant 0.255007803 : f32
    %jit3A_301 = arith.constant 0.000000e+00 : f32
    %broadcast_in_dim3A_302 = vector.broadcast %jit3A_300 : f32 to vector<1024x128xf32>
    %broadcast_in_dim3A_303 = vector.broadcast %jit3A_301 : f32 to vector<1024x128xf32>
    %select_n3A_304 = arith.select %gt3A_299, %broadcast_in_dim3A_302, %broadcast_in_dim3A_303 : vector<1024x128xi1>, vector<1024x128xf32>
    %add3A_305 = arith.addf %add3A_294, %select_n3A_304 : vector<1024x128xf32>
    %mul3A_306 = arith.constant 0.513268471 : f32
    %mul3A_307 = vector.broadcast %mul3A_306 : f32 to vector<1024x1xf32>
    %mul3A_308 = arith.mulf %mul3A_307, %select_n3A_204 : vector<1024x1xf32>
    %gt3A_309 = vector.broadcast %mul3A_308 : vector<1024x1xf32> to vector<1024x128xf32>
    %gt3A_310 = arith.cmpf ogt, %dot_general3A_5, %gt3A_309 : vector<1024x128xf32>
    %jit3A_311 = arith.constant 0.264671952 : f32
    %jit3A_312 = arith.constant 0.000000e+00 : f32
    %broadcast_in_dim3A_313 = vector.broadcast %jit3A_311 : f32 to vector<1024x128xf32>
    %broadcast_in_dim3A_314 = vector.broadcast %jit3A_312 : f32 to vector<1024x128xf32>
    %select_n3A_315 = arith.select %gt3A_310, %broadcast_in_dim3A_313, %broadcast_in_dim3A_314 : vector<1024x128xi1>, vector<1024x128xf32>
    %add3A_316 = arith.addf %add3A_305, %select_n3A_315 : vector<1024x128xf32>
    %mul3A_317 = arith.constant 0.786783695 : f32
    %mul3A_318 = vector.broadcast %mul3A_317 : f32 to vector<1024x1xf32>
    %mul3A_319 = arith.mulf %mul3A_318, %select_n3A_204 : vector<1024x1xf32>
    %gt3A_320 = vector.broadcast %mul3A_319 : vector<1024x1xf32> to vector<1024x128xf32>
    %gt3A_321 = arith.cmpf ogt, %dot_general3A_5, %gt3A_320 : vector<1024x128xf32>
    %jit3A_322 = arith.constant 0.282358527 : f32
    %jit3A_323 = arith.constant 0.000000e+00 : f32
    %broadcast_in_dim3A_324 = vector.broadcast %jit3A_322 : f32 to vector<1024x128xf32>
    %broadcast_in_dim3A_325 = vector.broadcast %jit3A_323 : f32 to vector<1024x128xf32>
    %select_n3A_326 = arith.select %gt3A_321, %broadcast_in_dim3A_324, %broadcast_in_dim3A_325 : vector<1024x128xi1>, vector<1024x128xf32>
    %add3A_327 = arith.addf %add3A_316, %select_n3A_326 : vector<1024x128xf32>
    %mul3A_328 = arith.constant 1.08380604 : f32
    %mul3A_329 = vector.broadcast %mul3A_328 : f32 to vector<1024x1xf32>
    %mul3A_330 = arith.mulf %mul3A_329, %select_n3A_204 : vector<1024x1xf32>
    %gt3A_331 = vector.broadcast %mul3A_330 : vector<1024x1xf32> to vector<1024x128xf32>
    %gt3A_332 = arith.cmpf ogt, %dot_general3A_5, %gt3A_331 : vector<1024x128xf32>
    %jit3A_333 = arith.constant 0.311686099 : f32
    %jit3A_334 = arith.constant 0.000000e+00 : f32
    %broadcast_in_dim3A_335 = vector.broadcast %jit3A_333 : f32 to vector<1024x128xf32>
    %broadcast_in_dim3A_336 = vector.broadcast %jit3A_334 : f32 to vector<1024x128xf32>
    %select_n3A_337 = arith.select %gt3A_332, %broadcast_in_dim3A_335, %broadcast_in_dim3A_336 : vector<1024x128xi1>, vector<1024x128xf32>
    %add3A_338 = arith.addf %add3A_327, %select_n3A_337 : vector<1024x128xf32>
    %mul3A_339 = arith.constant 1.42007613 : f32
    %mul3A_340 = vector.broadcast %mul3A_339 : f32 to vector<1024x1xf32>
    %mul3A_341 = arith.mulf %mul3A_340, %select_n3A_204 : vector<1024x1xf32>
    %gt3A_342 = vector.broadcast %mul3A_341 : vector<1024x1xf32> to vector<1024x128xf32>
    %gt3A_343 = arith.cmpf ogt, %dot_general3A_5, %gt3A_342 : vector<1024x128xf32>
    %jit3A_344 = arith.constant 0.360854149 : f32
    %jit3A_345 = arith.constant 0.000000e+00 : f32
    %broadcast_in_dim3A_346 = vector.broadcast %jit3A_344 : f32 to vector<1024x128xf32>
    %broadcast_in_dim3A_347 = vector.broadcast %jit3A_345 : f32 to vector<1024x128xf32>
    %select_n3A_348 = arith.select %gt3A_343, %broadcast_in_dim3A_346, %broadcast_in_dim3A_347 : vector<1024x128xi1>, vector<1024x128xf32>
    %add3A_349 = arith.addf %add3A_338, %select_n3A_348 : vector<1024x128xf32>
    %mul3A_350 = arith.constant 1.82617366 : f32
    %mul3A_351 = vector.broadcast %mul3A_350 : f32 to vector<1024x1xf32>
    %mul3A_352 = arith.mulf %mul3A_351, %select_n3A_204 : vector<1024x1xf32>
    %gt3A_353 = vector.broadcast %mul3A_352 : vector<1024x1xf32> to vector<1024x128xf32>
    %gt3A_354 = arith.cmpf ogt, %dot_general3A_5, %gt3A_353 : vector<1024x128xf32>
    %jit3A_355 = arith.constant 0.451340914 : f32
    %jit3A_356 = arith.constant 0.000000e+00 : f32
    %broadcast_in_dim3A_357 = vector.broadcast %jit3A_355 : f32 to vector<1024x128xf32>
    %broadcast_in_dim3A_358 = vector.broadcast %jit3A_356 : f32 to vector<1024x128xf32>
    %select_n3A_359 = arith.select %gt3A_354, %broadcast_in_dim3A_357, %broadcast_in_dim3A_358 : vector<1024x128xi1>, vector<1024x128xf32>
    %add3A_360 = arith.addf %add3A_349, %select_n3A_359 : vector<1024x128xf32>
    %mul3A_361 = arith.constant 2.3846209 : f32
    %mul3A_362 = vector.broadcast %mul3A_361 : f32 to vector<1024x1xf32>
    %mul3A_363 = arith.mulf %mul3A_362, %select_n3A_204 : vector<1024x1xf32>
    %gt3A_364 = vector.broadcast %mul3A_363 : vector<1024x1xf32> to vector<1024x128xf32>
    %gt3A_365 = arith.cmpf ogt, %dot_general3A_5, %gt3A_364 : vector<1024x128xf32>
    %jit3A_366 = arith.constant 0.665553569 : f32
    %jit3A_367 = arith.constant 0.000000e+00 : f32
    %broadcast_in_dim3A_368 = vector.broadcast %jit3A_366 : f32 to vector<1024x128xf32>
    %broadcast_in_dim3A_369 = vector.broadcast %jit3A_367 : f32 to vector<1024x128xf32>
    %select_n3A_370 = arith.select %gt3A_365, %broadcast_in_dim3A_368, %broadcast_in_dim3A_369 : vector<1024x128xi1>, vector<1024x128xf32>
    %add3A_371 = arith.addf %add3A_360, %select_n3A_370 : vector<1024x128xf32>
    %mul3A_372 = arith.mulf %dot_general3A_5, %add3A_371 : vector<1024x128xf32>
    %reduce_sum3A_373 = arith.constant dense<0.000000e+00> : vector<1024xf32>
    %reduce_sum3A_374 = vector.multi_reduction <add>, %mul3A_372, %reduce_sum3A_373 [1] : vector<1024x128xf32> to vector<1024xf32>
    %broadcast_in_dim3A_375 = vector.shape_cast %reduce_sum3A_374 : vector<1024xf32> to vector<1024x1xf32>
    %mul3A_376 = arith.mulf %add3A_371, %add3A_371 : vector<1024x128xf32>
    %reduce_sum3A_377 = arith.constant dense<0.000000e+00> : vector<1024xf32>
    %reduce_sum3A_378 = vector.multi_reduction <add>, %mul3A_376, %reduce_sum3A_377 [1] : vector<1024x128xf32> to vector<1024xf32>
    %broadcast_in_dim3A_379 = vector.shape_cast %reduce_sum3A_378 : vector<1024xf32> to vector<1024x1xf32>
    %add3A_380 = arith.constant 9.99999993E-9 : f32
    %add3A_381 = vector.broadcast %add3A_380 : f32 to vector<1024x1xf32>
    %add3A_382 = arith.addf %broadcast_in_dim3A_379, %add3A_381 : vector<1024x1xf32>
    %div3A_383 = arith.divf %broadcast_in_dim3A_375, %add3A_382 : vector<1024x1xf32>
    %select_n3A_384 = arith.select %gt3A_203, %mul3A_18, %div3A_383 : vector<1024x1xi1>, vector<1024x1xf32>
    %transpose3A = tpu.transpose %get3A_4, [1, 0] : vector<128x128xf32> -> vector<128x128xf32>
    %dot_general3A_385 = arith.constant dense<0.000000e+00> : vector<1024x128xf32>
    %dot_general3A_386 = tpu.matmul %add3A_371, %transpose3A, %dot_general3A_385 {dimension_numbers = #tpu.dot_dimension_numbers<[1], [0], [0], [1], [0, 0, 1, 1], [], []>, precision = #tpu.contract_precision<fp32>, transpose_lhs_hint = false} : vector<1024x128xf32>, vector<128x128xf32>, vector<1024x128xf32> -> vector<1024x128xf32>
    %mul3A_387 = vector.broadcast %select_n3A_384 : vector<1024x1xf32> to vector<1024x128xf32>
    %mul3A_388 = arith.mulf %dot_general3A_386, %mul3A_387 : vector<1024x128xf32>
    %swap3A = arith.constant 0 : index
    %swap3A_389 = arith.constant 0 : index
    %swap3A_390 = vector.load %arg3[%swap3A, %swap3A_389] : memref<1024x128xf32, #tpu.memory_space<vmem>>, vector<1024x128xf32>
    tpu.vector_store %arg3[%swap3A, %swap3A_389], %mul3A_388 {strides = array<i32>} : memref<1024x128xf32, #tpu.memory_space<vmem>>, vector<1024x128xf32>,
    return
  }
  func.func @transform_0(%arg0: i32) -> (i32, i32) {
    %c0_i32 = arith.constant 0 : i32
    %c0_i32_0 = arith.constant 0 : i32
    return %arg0, %c0_i32 : i32, i32
  }
  func.func @transform_1(%arg0: i32) -> (i32, i32) {
    %c0_i32 = arith.constant 0 : i32
    %c0_i32_0 = arith.constant 0 : i32
    %c0_i32_1 = arith.constant 0 : i32
    return %c0_i32, %c0_i32_0 : i32, i32
  }
  func.func @transform_2(%arg0: i32) -> (i32, i32) {
    %c0_i32 = arith.constant 0 : i32
    %c0_i32_0 = arith.constant 0 : i32
    return %arg0, %c0_i32 : i32, i32
  }
}

</mosaic_0001>

<sc_bundles>
// kernel: kernel.4.cloned.1.call-start
scs
__scs_entry_jumppad:
0x0: {  	(pc) =	sbr.rel $0x88, $3  }
0x1: {  	(tag) =	ssettag $0x0;
	lr =	simm.s32 $0x1  }
0x2: {  	[smem:$0x3FA0] =	sst lr;
	_ =	strace $0xD0000000  }
0x3: {  	_ = 	snop  }
0x4: {  	_ = 	snop  }
0x5: {  	_ = 	snop  }
0x6: {  	_ = 	snop  }
0x7: {  	_ = 	snop  }
__scs_overlays_trampoline_lowered:
0x8: {  	[smem:$0x3FAF] =	sst s0  }
0x9: {  	[smem:$0x3FB0] =	sst s1  }
0xa: {  	[smem:$0x3FB1] =	sst s2  }
0xb: {  	[smem:$0x3FB2] =	sst s3  }
0xc: {  	[smem:$0x3FB3] =	sst s4  }
0xd: {  	[smem:$0x3FB4] =	sst s5  }
0xe: {  	[smem:$0x3FB5] =	sst s6  }
0xf: {  	[smem:$0x3FB6] =	sst s7  }
0x10: {  	[smem:$0x3FB7] =	sst s8  }
0x11: {  	[smem:$0x3FB8] =	sst s9;
	s0 =	simm.s32 @!p0 $0x0  }
0x12: {  	s1 =	sld [smem:$0x3F9E];
	s0 =	simm.s32 @p0 $0x1  }
0x13: {  	[smem:$0x3FB9] =	sst s0;
	s0 =	simm.s32 @!p1 $0x0  }
0x14: {  	s2 =	sld [smem:$0x3F9D];
	s0 =	simm.s32 @p1 $0x1  }
0x15: {  	[smem:$0x3FBA] =	sst s0;
	s0 =	simm.s32 @!p2 $0x0  }
0x16: {  	s3 =	sld [smem:$0x3FDB];
	s0 =	simm.s32 @p2 $0x1  }
0x17: {  	s4 =	simm.s32 $0x1BF5;
	[smem:$0x3FBC] =	sst s0  }
0x18: {  	s0 =	sld [smem:$0x3F9F];
	_ =	swait.ge [sflag:s4], $0x0  }
0x19: {  	s7 =	sld [smem:$0x3FA0]  }
0x1a: {  	s8 =	sadd.s32 $0xFFFFE003, lr  }
0x1b: {  	s9 =	sadd.s32 $0xFFFFFEF7, lr;
	s5 =	simm.s32 $0xFFFFFFFF;
	p2 =	slt.u32 s8, $0xFFFFF086  }
0x1c: {  	p1 =	slt.u32 s9, $0xF7A;
	s5 =	simm.s32 @!p2 $0x0  }
0x1d: {  	s5 =	simm.s32 @p1 $0x1;
	p0 =	seq.s32 s7, s2  }
0x1e: {  	s7 =	smul.u32 @!p0 $0xF7A, s2;
	p2 =	seq.s32 @!p0 s5, $0x0  }
0x1f: {  	s9 =	smul.u32 $0xF7A, s1;
	s8 =	simm.s32 @!p0 $0x1BF5;
	p2 =	por !p2, p0  }
0x20: {  	[sflag:s8] =	ssyncset.s32 @!p0 $0xFFFFF086;
	s6 =	sadd.s32 @!p0 s3, s7;
	s7 =	simm.s32 @!p0 $0x108  }
0x21: {  	s3 =	sadd.s32 s3, s9;
	s6 =	sadd.s32 @!p0 $0x88, s6;
	s7 =	simm.s32 @p2 $0x1082  }
0x22: {  	[simem:s7], [sflag:s8] =	dma.local @!p0 [hbm:s6], $0xF7A  }
0x23: {  	s9 =	sor.u32 $0xD0000000, s2;
	s6 =	simm.s32 $0x108;
	_ =	swait.ge @!p0 [sflag:s8], $0x0  }
0x24: {  	s3 =	sadd.s32 $0x88, s3;
	s6 =	simm.s32 @!p1 $0x1082;
	[sflag:s4] =	ssyncset.s32 $0xFFFFF086  }
0x25: {  	[simem:s6], [sflag:s4] =	dma.local [hbm:s3], $0xF7A  }
0x26: {  	[smem:$0x3FA0] =	sst s1;
	(tag) =	ssettag s2;
	_ =	strace s9  }
0x27: {  	s1 =	sld [smem:$0x3FB0]  }
0x28: {  	s2 =	sld [smem:$0x3FB1]  }
0x29: {  	s4 =	sld [smem:$0x3FB3]  }
0x2a: {  	p0 =	seq.s32 s5, $0x0;
	s5 =	sld [smem:$0x3FB4]  }
0x2b: {  	s6 =	sld [smem:$0x3FB5]  }
0x2c: {  	s7 =	sld [smem:$0x3FB6]  }
0x2d: {  	s3 =	simm.s32 $0x108;
	s8 =	sld [smem:$0x3FB7]  }
0x2e: {  	s3 =	simm.s32 @!p0 $0x1082;
	s9 =	sld [smem:$0x3FB8]  }
0x2f: {  	lr =	sadd.s32 s0, s3;
	s0 =	sld [smem:$0x3FAF]  }
0x30: {  	s3 =	sld [smem:$0x3FB2]  }
0x31: {  	[smem:$0x3FBB] =	sst s10  }
0x32: {  	s10 =	sld [smem:$0x3FB9];
	_ =	sdelay $0x3  }
0x33: {  	p0 =	seq.s32 s10, $0x1;
	s10 =	sld [smem:$0x3FBB];
	_ =	sdelay $0x3  }
0x34: {  	[smem:$0x3FBB] =	sst s10  }
0x35: {  	s10 =	sld [smem:$0x3FBA];
	_ =	sdelay $0x3  }
0x36: {  	p1 =	seq.s32 s10, $0x1;
	s10 =	sld [smem:$0x3FBB];
	_ =	sdelay $0x3  }
0x37: {  	[smem:$0x3FBB] =	sst s10  }
0x38: {  	s10 =	sld [smem:$0x3FBC]  }
0x39: {  	_ = 	snop;
	(pc) =	sbr.ind lr, $3  }
0x3a: {  	_ = 	snop  }
0x3b: {  	_ = 	snop  }
0x3c: {  	p2 =	seq.s32 s10, $0x1;
	s10 =	sld [smem:$0x3FBB]  }
0x3d: {  	_ =	shalt  }
0x3e: {  	_ =	shalt  }
0x3f: {  	_ =	shalt  }
0x40: {  	_ =	shalt  }
0x41: {  	_ =	shalt  }
0x42: {  	_ =	shalt  }
0x43: {  	_ =	shalt  }
0x44: {  	_ =	shalt  }
0x45: {  	_ =	shalt  }
0x46: {  	_ =	shalt  }
0x47: {  	_ =	shalt  }
0x48: {  	_ =	shalt  }
0x49: {  	_ =	shalt  }
0x4a: {  	_ =	shalt  }
0x4b: {  	_ =	shalt  }
0x4c: {  	_ =	shalt  }
0x4d: {  	_ =	shalt  }
0x4e: {  	_ =	shalt  }
0x4f: {  	_ =	shalt  }
0x50: {  	_ =	shalt  }
0x51: {  	_ =	shalt  }
0x52: {  	_ =	shalt  }
0x53: {  	_ =	shalt  }
0x54: {  	_ =	shalt  }
0x55: {  	_ =	shalt  }
0x56: {  	_ =	shalt  }
0x57: {  	_ =	shalt  }
0x58: {  	_ =	shalt  }
0x59: {  	_ =	shalt  }
0x5a: {  	_ =	shalt  }
0x5b: {  	_ =	shalt  }
0x5c: {  	_ =	shalt  }
0x5d: {  	_ =	shalt  }
0x5e: {  	_ =	shalt  }
0x5f: {  	_ =	shalt  }
0x60: {  	_ =	shalt  }
0x61: {  	_ =	shalt  }
0x62: {  	_ =	shalt  }
0x63: {  	_ =	shalt  }
0x64: {  	_ =	shalt  }
0x65: {  	_ =	shalt  }
0x66: {  	_ =	shalt  }
0x67: {  	_ =	shalt  }
0x68: {  	_ =	shalt  }
0x69: {  	_ =	shalt  }
0x6a: {  	_ =	shalt  }
0x6b: {  	_ =	shalt  }
0x6c: {  	_ =	shalt  }
0x6d: {  	_ =	shalt  }
0x6e: {  	_ =	shalt  }
0x6f: {  	_ =	shalt  }
0x70: {  	_ =	shalt  }
0x71: {  	_ =	shalt  }
0x72: {  	_ =	shalt  }
0x73: {  	_ =	shalt  }
0x74: {  	_ =	shalt  }
0x75: {  	_ =	shalt  }
0x76: {  	_ =	shalt  }
0x77: {  	_ =	shalt  }
0x78: {  	_ =	shalt  }
0x79: {  	_ =	shalt  }
0x7a: {  	_ =	shalt  }
0x7b: {  	_ =	shalt  }
0x7c: {  	_ =	shalt  }
0x7d: {  	_ =	shalt  }
0x7e: {  	_ =	shalt  }
0x7f: {  	_ =	shalt  }
0x80: {  	_ =	shalt  }
0x81: {  	_ =	shalt  }
0x82: {  	_ =	shalt  }
0x83: {  	_ =	shalt  }
0x84: {  	_ =	shalt  }
0x85: {  	_ =	shalt  }
0x86: {  	_ =	shalt  }
0x87: {  	_ =	shalt  }
.Lfunc_end0:
.L_simem_size_0:
called_computation_lowered:
.L_overlay_start_0:
0x88: {  	s2 =	sld [smem:$0x3FD9]  }
0x89: {  	s3 =	sld [smem:$0x3FFE];
	_ =	sdelay $0x1  }
0x8a: {  	s1 =	srdreg.scid  }
0x8b: {  	s0 =	sand.u32 $0x1, s1  }
0x8c: {  	s16 =	sshll.u32 s0, $0xA;
	s2 =	sadd.s32 s3, s2  }
0x8d: {  	s2 =	sadd.s32 s2, s16  }
0x8e: {  	[smem:$0x3FC7] =	sst s2  }
0x8f: {  	_ = 	snop  }
0x90: {  	(tm) =	ssettm $0x1  }
0x91: {  	s17 =	sld [smem:$0x3FFB];
	_ =	sdelay $0x3  }
0x92: {  	_ =	strace s17  }
0x93: {  	s2 =	sld [smem:$0x3FFC];
	_ =	sdelay $0x3  }
0x94: {  	_ =	strace s2  }
0x95: {  	s2 =	sld [smem:$0x3FFD];
	_ =	sdelay $0x3  }
0x96: {  	_ =	strace s2  }
0x97: {  	_ =	strace $0x8FFFFFFF  }
0x98: {  	s18 =	sld [smem:$0x3FDB];
	_ =	sdelay $0x1  }
0x99: {  	s19 =	simm.s32 $_scs_section_size  }
0x9a: {  	s4 =	simm.s32 $_size__tile_overlayer_lowered;
	s5 =	simm.s32 $_tile_overlayer_lowered  }
0x9b: {  	s22 =	simm.s32 $0x1BFF;
	s21 =	sshll.u32 s5, $0x1;
	s2 =	sadd.s32 s19, s18  }
0x9c: {  	s6 =	simm.s32 $0x0;
	s20 =	sshll.u32 s4, $0x1;
	s4 =	sadd.s32 s21, s2  }
0x9d: {  	[timem:s6], [sflag:s22] =	dma.local [hbm:s4], s20  }
0x9e: {  	_ =	swait.ge [sflag:s22], s20  }
0x9f: {  	s3 =	ssub.s32 $0x0, s20;
	[sflag:s22] =	ssyncset.done $0x0  }
0xa0: {  	[sflag:s22] =	ssyncadd.s32 s3;
	_ =	sdelay $0x1  }
0xa1: {  	s23 =	simm.s32 $0x1B8B  }
0xa2: {  	_ =	swait.ge [sflag:s23], $0x1  }
0xa3: {  	[sflag:s23] =	ssyncset.done $0x0  }
0xa4: {  	s25 =	simm.s32 $0x1B8E;
	s24 =	sld [smem:$0x3FFE];
	[sflag:s23] =	ssyncadd.s32 $0xFFFFFFFF  }
0xa5: {  	s26 =	simm.s32 $execute0_lowered;
	[smem:$0x3FD2] =	sst s25  }
0xa6: {  	s4 =	sshll.u32 s26, $0x1;
	_ =	strace $0x80000046;
	[dreg:$0x1] =	wrdreg $0xFFFFFFFF  }
0xa7: {  	s28 =	simm.s32 $_size_execute0_lowered;
	s2 =	sadd.s32 s2, s4;
	[dreg:$0x0] =	wrdreg $0x0  }
0xa8: {  	s4 =	sshll.u32 s28, $0x1;
	[dreg:$0x2] =	wrdreg s2  }
0xa9: {  	[dreg:$0x3] =	wrdreg s4  }
0xaa: {  	[dreg:$0x4] =	wrdreg $0xC0  }
0xab: {  	_ =	task [dreg:s6], $0x5FFFF  }
0xac: {  	[dreg:$0x1] =	wrdreg $0xFFFFFFFF  }
0xad: {  	[dreg:$0x0] =	wrdreg $0x60  }
0xae: {  	[dreg:$0x2] =	wrdreg s24  }
0xaf: {  	[dreg:$0x3] =	wrdreg $0x9  }
0xb0: {  	_ =	task.clear_ibuf [dreg:s6], $0x4FFFF;
	_ =	strace $0x90000046  }
0xb1: {  	s29 =	simm.s32 $0x9;
	_ =	strace $0x80000048  }
0xb2: {  	_ =	swait.ge [sflag:s29], $0x1  }
0xb3: {  	[sflag:s29] =	ssyncadd.s32 $0xFFFFFFFF  }
0xb4: {  	_ =	strace $0x90000048  }
0xb5: {  	_ =	sfence  }
0xb6: {  	s30 =	sld [smem:$0x0];
	_ =	sdelay $0x2  }
0xb7: {  	s31 =	sshll.u32 s1, $0xD;
	s1 =	sshrl.u32 s1, $0x2  }
0xb8: {  	s3 =	sand.u32 $0x4000, s31;
	s1 =	sadd.s32 s1, s30  }
0xb9: {  	s0 =	sor.u32 s3, s0;
	s1 =	sshll.u32 s1, $0x11  }
0xba: {  	s0 =	sor.u32 s1, s0  }
0xbb: {  	s0 =	sadd.s32 $0x8F2B, s0  }
0xbc: {  	[sflag:s0] =	ssyncadd.remote.s32 $0x1  }
0xbd: {  	_ =	sfence.sel $0xFFFF  }
0xbe: {  	[dreg:$0x0] =	wrdreg $0xFFFFFFFF;
	(pc) =	sbr.abs _section_cstart, $3  }
0xbf: {  	[dreg:$0x1] =	wrdreg $0xFFFFFFFF  }
0xc0: {  	_ =	task.clear_ibuf [dreg:s6], $0x2FFFF;
	_ =	strace $0x9FFFFFFF  }
0xc1: {  	(tm) =	ssettm $0x7FFFFFFF  }
tec
execute0_lowered:
.L_overlay_start_1:
0x0: {  	(tag) =	ssettag $0x1  }
0x1: {  	v0 =	vimm.s32 $0xEFCDAB89;
	vm0 =	vcmask $0x300  }
0x2: {  	v7 =	vimm.f32 $-1.000000000e+00;
	v1 =	vimm.s32 $0x67452301;
	vm14 =	vcmask $0xB08  }
0x3: {  	vm15 =	vcmask $0x1310;
	vm4 =	vcmask $0x1B18;
	vm5 =	vcmask $0x2320  }
0x4: {  	vm6 =	vcmask $0x2B28;
	vm7 =	vcmask $0x3330;
	v3 =	vimm.s32 $0x54761032  }
0x5: {  	vm8 =	vcmask $0x3B38;
	vm9 =	vcmask $0x700;
	v2 =	vsel vm0, $0x3F800000, v7  }
0x6: {  	v0 =	vunpack.c.l.s4.s8 v0;
	v1 =	vunpack.c.l.s4.s8 v1;
	v2 =	vsel vm14, $0x3F800000, v2  }
0x7: {  	v5 =	vimm.s32 $0xBA98FEDC;
	v6 =	vimm.s32 $0x32107654;
	v2 =	vsel vm15, $0x3F800000, v2  }
0x8: {  	v0 =	vunpack.c.0.s8.s32 v0;
	v1 =	vunpack.c.0.s8.s32 v1;
	v2 =	vsel vm4, $0x3F800000, v2  }
0x9: {  	vm10 =	vcmask $0x1710;
	vm11 =	vcmask $0x2720;
	v2 =	vsel vm5, $0x3F800000, v2  }
0xa: {  	v0 =	vcombine.low v1, v0;
	v1 =	vsel vm6, $0x3F800000, v2;
	v2 =	vimm.s32 $0xDCFE98BA  }
0xb: {  	v8 =	vimm.s32 $0x76543210;
	v3 =	vunpack.c.l.s4.s8 v3;
	v2 =	vunpack.c.l.s4.s8 v2  }
0xc: {  	vm12 =	vcmask $0x3730;
	vm13 =	vcmask $0xF00;
	v58 =	vimm.s32 $0x7  }
0xd: {  	v9 =	vimm.s32 $0x0;
	v3 =	vunpack.c.0.s8.s32 v3;
	v2 =	vunpack.c.0.s8.s32 v2  }
0xe: {  	v4 =	vsel vm9, $0x3F800000, v7;
	v5 =	vunpack.c.l.s4.s8 v5;
	v6 =	vunpack.c.l.s4.s8 v6  }
0xf: {  	s5 =	rddreg [dreg:$0x0];
	vm14 =	vcmask $0x2F20;
	v2 =	vcombine.low v3, v2;
	v3 =	vsel vm10, $0x3F800000, v4  }
0x10: {  	s0 =	rddreg [dreg:$0x1];
	s1 =	simm.s32 $0x0;
	s2 =	srdreg.scid;
	v4 =	vunpack.c.0.s8.s32 v5;
	v5 =	vunpack.c.0.s8.s32 v6;
	v6 =	vimm.s32 $0xFEDCBA98  }
0x11: {  	s10 =	simm.s32 $0x2100;
	s11 =	simm.s32 $0x0;
	[smem:$0x7FF] =	sst s1;
	vm15 =	vcmask $0x1F00;
	v1 =	vsel vm7, $0x3F800000, v1;
	v6 =	vunpack.c.l.s4.s8 v6  }
0x12: {  	s6 =	sand.u32 $0x1, s2;
	s3 =	sadd.s32 $0x800, s5;
	s2 =	stileid.u32;
	v0 =	vand.u32 $0xF, v0;
	v4 =	vcombine.low v5, v4;
	v5 =	vunpack.c.l.s4.s8 v8  }
0x13: {  	s4 =	sadd.s32 $0x78800, s5;
	s5 =	sadd.s32 $0x78A00, s5;
	s7 =	ssub.s32 $0x2, s6;
	v1 =	vsel vm8, $0x3F800000, v1;
	v3 =	vsel vm11, $0x3F800000, v3;
	v6 =	vunpack.c.0.s8.s32 v6  }
0x14: {  	_ =	strace $0x80000047;
	s9 =	sshll.u32 s2, $0x1;
	s8 =	sshrl.u32 s7, $0x1;
	v2 =	vand.u32 $0xF, v2;
	v3 =	vsel vm12, $0x3F800000, v3;
	v8 =	vunpack.c.0.s8.s32 v5  }
0x15: {  	s6 =	sor.u32 s6, s9;
	s9 =	simm.s32 $0x100;
	s7 =	ssub.s32 s7, s8;
	v4 =	vand.u32 $0xF, v4;
	v5 =	vsel vm13, $0x3F800000, v7;
	v6 =	vand.u32 $0xF, v6  }
0x16: {  	s6 =	smul.u32 $0x1E000, s6;
	s8 =	simm.s32 $0x1;
	s7 =	smax.u32 s7, $0x1;
	v7 =	vsel vm15, $0x3F800000, v7;
	v5 =	vsel vm14, $0x3F800000, v5;
	v6 =	vcombine.low v6, v8  }
.LBB2_1:
0x17: {  	[tilespmem:s1], [sflag:$0x1] =	stream.linear.gather [hbm4b:s4+s1], $0x100, $0x38;
	[tilespmem:$0x4100] =	vst v63  }
0x18: {  	_ =	swait.ge [sflag:s8], $0x100  }
0x19: {  	[sflag:s8] =	ssyncset.done $0x0  }
0x1a: {  	[sflag:s8] =	ssyncadd.s32 $0xFFFFFF00  }
0x1b: {  	v8 =	vld [tilespmem:$0x10];
	_ =	sdelay $0x4  }
0x1c: {  	[tilespmem:$0x1FF70] =	vst v8;
	v8 =	vld [tilespmem:$0x20];
	_ =	sdelay $0x4  }
0x1d: {  	[tilespmem:$0x1FF80] =	vst v8;
	v8 =	vld [tilespmem:$0x30];
	_ =	sdelay $0x4  }
0x1e: {  	[tilespmem:$0x1FF90] =	vst v8;
	v8 =	vld [tilespmem:$0x40];
	_ =	sdelay $0x4  }
0x1f: {  	[tilespmem:$0x1FFA0] =	vst v8;
	v8 =	vld [tilespmem:$0x50];
	_ =	sdelay $0x4  }
0x20: {  	[tilespmem:$0x1FFB0] =	vst v8;
	v8 =	vld [tilespmem:$0x60];
	_ =	sdelay $0x4  }
0x21: {  	[tilespmem:$0x1FFC0] =	vst v8;
	v8 =	vld [tilespmem:$0x70];
	_ =	sdelay $0x4  }
0x22: {  	[tilespmem:$0x1FFD0] =	vst v8;
	v8 =	vld [tilespmem:$0x80];
	_ =	sdelay $0x4  }
0x23: {  	[tilespmem:$0x1FFE0] =	vst v8;
	v8 =	vld [tilespmem:$0x90];
	_ =	sdelay $0x4  }
0x24: {  	s12 =	simm.s32 $0x0;
	v10 =	vld [tilespmem:$0x0];
	[tilespmem:$0x1FFF0] =	vst v8  }
.LBB2_2:
0x25: {  	s13 =	sshll.u32 s12, $0xD  }
0x26: {  	s13 =	sadd.s32 s6, s13  }
0x27: {  	s13 =	sshrl.u32 s13, $0x3  }
0x28: {  	s15 =	simm.s32 $0x0;
	s14 =	sadd.s32 s3, s13  }
0x29: {  	[tilespmem:s9], [sflag:$0x1] =	stream.linear.gather [hbm4b:s14+s15], $0x2000, $0x38;
	[tilespmem:$0x4100] =	vst v63  }
0x2a: {  	_ =	swait.ge [sflag:s8], $0x2000  }
0x2b: {  	[sflag:s8] =	ssyncset.done $0x0  }
0x2c: {  	s14 =	simm.s32 $0x0;
	v8 =	vld [tilespmem:$0x1FF80];
	[sflag:s8] =	ssyncadd.s32 $0xFFFFE000  }
0x2d: {  	v20 =	vld [tilespmem:s14+$0x100];
	_ =	sdelay $0x3  }
0x2e: {  	v21 =	vld [tilespmem:s14+$0x110]  }
0x2f: {  	v20 =	vmul.f32 v20, v8;
	v8 =	vld [tilespmem:$0x1FF90];
	_ =	sdelay $0x3  }
0x30: {  	v22 =	vld [tilespmem:s14+$0x120]  }
0x31: {  	v21 =	vmul.f32 v21, v8;
	v8 =	vld [tilespmem:$0x1FFA0];
	_ =	sdelay $0x3  }
0x32: {  	v23 =	vld [tilespmem:s14+$0x130]  }
0x33: {  	v22 =	vmul.f32 v22, v8;
	v8 =	vld [tilespmem:$0x1FFB0];
	_ =	sdelay $0x3  }
0x34: {  	v24 =	vld [tilespmem:s14+$0x140];
	v28 =	vperm.xlane v20, v0;
	v20 =	vmul.f32 v1, v20  }
0x35: {  	v23 =	vmul.f32 v23, v8;
	v8 =	vld [tilespmem:$0x1FFC0]  }
0x36: {  	v20 =	vadd.f32 v28, v20;
	v29 =	vperm.xlane v21, v0;
	v21 =	vmul.f32 v1, v21;
	_ =	sdelay $0x1  }
0x37: {  	v21 =	vadd.f32 v29, v21;
	v29 =	vperm.xlane v20, v2;
	v20 =	vmul.f32 v3, v20  }
0x38: {  	v25 =	vld [tilespmem:s14+$0x150];
	v30 =	vperm.xlane v22, v0;
	v22 =	vmul.f32 v1, v22  }
0x39: {  	v20 =	vadd.f32 v29, v20;
	v24 =	vmul.f32 v24, v8;
	v8 =	vld [tilespmem:$0x1FFD0]  }
0x3a: {  	v22 =	vadd.f32 v30, v22;
	v30 =	vperm.xlane v21, v2;
	v21 =	vmul.f32 v3, v21  }
0x3b: {  	v31 =	vperm.xlane v23, v0;
	v23 =	vmul.f32 v1, v23  }
0x3c: {  	v21 =	vadd.f32 v30, v21;
	v30 =	vperm.xlane v20, v4  }
0x3d: {  	v26 =	vld [tilespmem:s14+$0x160];
	v20 =	vmul.f32 v5, v20;
	v23 =	vadd.f32 v31, v23;
	v31 =	vperm.xlane v22, v2  }
0x3e: {  	v22 =	vmul.f32 v3, v22;
	v25 =	vmul.f32 v25, v8;
	v8 =	vld [tilespmem:$0x1FFE0]  }
0x3f: {  	v55 =	vperm.xlane v23, v2;
	v23 =	vmul.f32 v3, v23  }
0x40: {  	v22 =	vadd.f32 v31, v22;
	v31 =	vperm.xlane v21, v4;
	v21 =	vmul.f32 v5, v21  }
0x41: {  	v20 =	vadd.f32 v30, v20;
	v32 =	vperm.xlane v24, v0;
	v24 =	vmul.f32 v1, v24  }
0x42: {  	v27 =	vld [tilespmem:s14+$0x170];
	v23 =	vadd.f32 v55, v23;
	v57 =	vperm.xlane v22, v4;
	v22 =	vmul.f32 v5, v22  }
0x43: {  	v21 =	vadd.f32 v31, v21;
	v31 =	vperm.xlane v20, v6;
	v26 =	vmul.f32 v26, v8;
	v8 =	vld [tilespmem:$0x1FFF0]  }
0x44: {  	v20 =	vmul.f32 v7, v20;
	v24 =	vadd.f32 v32, v24;
	v59 =	vperm.xlane v23, v4  }
0x45: {  	v23 =	vmul.f32 v5, v23;
	v61 =	vperm.xlane v21, v6  }
0x46: {  	v22 =	vadd.f32 v57, v22;
	v21 =	vmul.f32 v7, v21;
	v56 =	vperm.xlane v24, v2  }
0x47: {  	v20 =	vadd.f32 v31, v20;
	v24 =	vmul.f32 v3, v24;
	v33 =	vperm.xlane v25, v0  }
0x48: {  	v25 =	vmul.f32 v1, v25;
	v23 =	vadd.f32 v59, v23;
	v27 =	vmul.f32 v27, v8  }
0x49: {  	v21 =	vadd.f32 v61, v21;
	v34 =	vperm.xlane v26, v0;
	v26 =	vmul.f32 v1, v26  }
0x4a: {  	v25 =	vadd.f32 v33, v25;
	v28 =	vperm.xlane v27, v0;
	v27 =	vmul.f32 v1, v27  }
0x4b: {  	v33 =	vperm.xlane v23, v6;
	v23 =	vmul.f32 v7, v23;
	v26 =	vadd.f32 v34, v26  }
0x4c: {  	v27 =	vadd.f32 v28, v27;
	v28 =	vperm.xlane v25, v2;
	v25 =	vmul.f32 v3, v25  }
0x4d: {  	v24 =	vadd.f32 v56, v24;
	v34 =	vperm.xlane v26, v2;
	v26 =	vmul.f32 v3, v26  }
0x4e: {  	v29 =	vperm.xlane v27, v2;
	v27 =	vmul.f32 v3, v27;
	v25 =	vadd.f32 v28, v25  }
0x4f: {  	v26 =	vadd.f32 v34, v26;
	v28 =	vperm.xlane v24, v4;
	v24 =	vmul.f32 v5, v24  }
0x50: {  	v23 =	vadd.f32 v33, v23;
	v60 =	vperm.xlane v25, v4;
	v25 =	vmul.f32 v5, v25  }
0x51: {  	v27 =	vadd.f32 v29, v27;
	v29 =	vperm.xlane v26, v4;
	v26 =	vmul.f32 v5, v26  }
0x52: {  	v24 =	vadd.f32 v28, v24;
	v28 =	vperm.xlane v22, v6;
	v22 =	vmul.f32 v7, v22  }
0x53: {  	v30 =	vperm.xlane v27, v4;
	v27 =	vmul.f32 v5, v27;
	v25 =	vadd.f32 v60, v25  }
0x54: {  	v26 =	vadd.f32 v29, v26;
	v29 =	vperm.xlane v24, v6;
	v22 =	vadd.f32 v28, v22  }
0x55: {  	v24 =	vmul.f32 v7, v24;
	v28 =	vadd.f32 v21, v20;
	v20 =	vsub.f32 v20, v21  }
0x56: {  	v27 =	vadd.f32 v30, v27;
	v30 =	vperm.xlane v25, v6;
	v25 =	vmul.f32 v7, v25  }
0x57: {  	v62 =	vperm.xlane v26, v6;
	v26 =	vmul.f32 v7, v26;
	v24 =	vadd.f32 v29, v24  }
0x58: {  	v21 =	vadd.f32 v23, v22;
	v31 =	vperm.xlane v27, v6;
	v27 =	vmul.f32 v7, v27  }
0x59: {  	v22 =	vsub.f32 v22, v23;
	v25 =	vadd.f32 v30, v25  }
0x5a: {  	v26 =	vadd.f32 v62, v26;
	v27 =	vadd.f32 v31, v27  }
0x5b: {  	v30 =	vsub.f32 v20, v22;
	v20 =	vadd.f32 v22, v20  }
0x5c: {  	v23 =	vsub.f32 v24, v25;
	v29 =	vsub.f32 v26, v27  }
0x5d: {  	v24 =	vadd.f32 v25, v24;
	v25 =	vadd.f32 v27, v26  }
0x5e: {  	v26 =	vadd.f32 v21, v28;
	v31 =	vsub.f32 v23, v29  }
0x5f: {  	v27 =	vadd.f32 v25, v24;
	v29 =	vadd.f32 v29, v23  }
0x60: {  	v28 =	vsub.f32 v28, v21;
	v63 =	vsub.f32 v24, v25  }
0x61: {  	v22 =	vadd.f32 v27, v26;
	v21 =	vadd.f32 v29, v20  }
0x62: {  	v23 =	vadd.f32 v63, v28  }
0x63: {  	v24 =	vadd.f32 v31, v30;
	v38 =	vand.u32 $0x7FFFFFFF, v22;
	v39 =	vand.u32 $0x7FFFFFFF, v21  }
0x64: {  	v25 =	vsub.f32 v26, v27;
	v37 =	vand.u32 $0x7FFFFFFF, v23;
	v27 =	vmax.f32 v38, v39  }
0x65: {  	v26 =	vsub.f32 v20, v29;
	v36 =	vand.u32 $0x7FFFFFFF, v24;
	v20 =	vmax.f32 v27, v37  }
0x66: {  	v35 =	vand.u32 $0x7FFFFFFF, v25;
	v27 =	vsub.f32 v28, v63;
	v20 =	vmax.f32 v20, v36  }
0x67: {  	v34 =	vand.u32 $0x7FFFFFFF, v26;
	v28 =	vsub.f32 v30, v31;
	v20 =	vmax.f32 v20, v35  }
0x68: {  	v33 =	vand.u32 $0x7FFFFFFF, v27;
	v20 =	vmax.f32 v20, v34  }
0x69: {  	v32 =	vand.u32 $0x7FFFFFFF, v28;
	v20 =	vmax.f32 v20, v33  }
0x6a: {  	v20 =	vmax.f32 v20, v32  }
0x6b: {  	v29 =	vperm.xlane v20, v0;
	_ =	sdelay $0x1  }
0x6c: {  	v20 =	vmax.f32 v20, v29  }
0x6d: {  	v29 =	vperm.xlane v20, v2;
	_ =	sdelay $0x1  }
0x6e: {  	v20 =	vmax.f32 v20, v29  }
0x6f: {  	v29 =	vperm.xlane v20, v4;
	_ =	sdelay $0x1  }
0x70: {  	v20 =	vmax.f32 v20, v29  }
0x71: {  	v29 =	vperm.xlane v20, v6;
	_ =	sdelay $0x1  }
0x72: {  	v29 =	vmax.f32 v20, v29  }
0x73: {  	v20 =	vmul.f32 $1.131370830e+01, v29;
	_ =	sdelay $0x1  }
0x74: {  	v20 =	vadd.f32 $9.999999930e-09, v20  }
0x75: {  	v8 =	vld [tilespmem:$0x1FF70]  }
0x76: {  	v18 =	vmul.f32 $3.679991360e-01, v29;
	v31 =	vmul.f32 $9.999999930e-09, v20;
	_ =	sdelay $0x1  }
0x77: {  	v30 =	vadd.f32 v31, v18;
	_ =	sdelay $0x1  }
0x78: {  	s15 =	simm.s32 $0x200;
	v40 =	vmul.f32 v30, v8  }
.LBB2_3:
0x79: {  	_ = 	snop  }
0x7a: {  	v41 =	vperm.xlane v40, v58;
	_ =	sdelay $0x1  }
0x7b: {  	vm0 =	vlt.f32 v41, v28  }
0x7c: {  	vm1 =	vlt.f32 v41, v25;
	vm2 =	vlt.f32 v41, v26;
	vm3 =	vlt.f32 v41, v27  }
0x7d: {  	vm4 =	vlt.f32 v41, v22;
	vm5 =	vlt.f32 v41, v23;
	vm6 =	vlt.f32 v41, v24  }
0x7e: {  	vm7 =	vlt.f32 v41, v21;
	v61 =	vsel vm3, $0x8, v9;
	v42 =	vsel vm0, $0x8, v9  }
0x7f: {  	v43 =	vsel vm6, $0x8, v9;
	v44 =	vsel vm1, $0x8, v9;
	v45 =	vsel vm2, $0x8, v9  }
0x80: {  	v46 =	vsel vm4, $0x8, v9;
	v47 =	vsel vm7, $0x8, v9;
	v48 =	vsel vm5, $0x8, v9  }
0x81: {  	v49 =	vor.u32 $0x3, v45;
	v50 =	vor.u32 $0x3, v61;
	v51 =	vor.u32 $0x3, v42  }
0x82: {  	v52 =	vor.u32 $0x3, v43;
	v53 =	vor.u32 $0x3, v44;
	v51 =	vperm.xlane v40, v51  }
0x83: {  	v54 =	vor.u32 $0x3, v48;
	v49 =	vperm.xlane v40, v49;
	v50 =	vperm.xlane v40, v50  }
0x84: {  	v55 =	vor.u32 $0x3, v46;
	v52 =	vperm.xlane v40, v52;
	v53 =	vperm.xlane v40, v53  }
0x85: {  	v56 =	vor.u32 $0x3, v47;
	v55 =	vperm.xlane v40, v55;
	v54 =	vperm.xlane v40, v54  }
0x86: {  	v56 =	vperm.xlane v40, v56;
	vm0 =	vlt.f32 v50, v27;
	vm9 =	vlt.f32 v51, v28  }
0x87: {  	vm10 =	vlt.f32 v52, v24;
	vm11 =	vlt.f32 v53, v25;
	vm12 =	vlt.f32 v49, v26  }
0x88: {  	vm13 =	vlt.f32 v55, v22;
	vm14 =	vlt.f32 v56, v21;
	vm15 =	vlt.f32 v54, v23  }
0x89: {  	v49 =	vsel vm12, $0x4, v9;
	v50 =	vsel vm0, $0x4, v9;
	v51 =	vsel vm9, $0x4, v9  }
0x8a: {  	v62 =	vsel vm15, $0x4, v9;
	v63 =	vsel vm10, $0x4, v9;
	v12 =	vsel vm11, $0x4, v9  }
0x8b: {  	v55 =	vsel vm13, $0x4, v9;
	v56 =	vsel vm14, $0x4, v9;
	v42 =	vor.u32 v42, v51  }
0x8c: {  	v44 =	vor.u32 v44, v12;
	v45 =	vor.u32 v45, v49;
	v41 =	vor.u32 v61, v50  }
0x8d: {  	v46 =	vor.u32 v46, v55;
	v48 =	vor.u32 v48, v62;
	v43 =	vor.u32 v43, v63  }
0x8e: {  	v47 =	vor.u32 v47, v56;
	v13 =	vor.u32 $0x1, v41;
	v14 =	vor.u32 $0x1, v42  }
0x8f: {  	v15 =	vor.u32 $0x1, v43;
	v57 =	vor.u32 $0x1, v44;
	v59 =	vor.u32 $0x1, v45  }
0x90: {  	v60 =	vor.u32 $0x1, v48;
	v49 =	vperm.xlane v40, v13;
	v50 =	vperm.xlane v40, v14  }
0x91: {  	v55 =	vor.u32 $0x1, v46;
	v52 =	vperm.xlane v40, v57;
	v53 =	vperm.xlane v40, v59  }
0x92: {  	v56 =	vor.u32 $0x1, v47;
	v54 =	vperm.xlane v40, v60;
	v51 =	vperm.xlane v40, v15  }
0x93: {  	v55 =	vperm.xlane v40, v55;
	v56 =	vperm.xlane v40, v56;
	vm0 =	vlt.f32 v50, v28  }
0x94: {  	vm9 =	vlt.f32 v52, v25;
	vm10 =	vlt.f32 v53, v26;
	vm11 =	vlt.f32 v49, v27  }
0x95: {  	vm12 =	vlt.f32 v55, v22;
	vm13 =	vlt.f32 v54, v23;
	vm14 =	vlt.f32 v51, v24  }
0x96: {  	vm15 =	vlt.f32 v56, v21;
	v49 =	vsel vm11, $0x2, v9;
	v50 =	vsel vm0, $0x2, v9  }
0x97: {  	v51 =	vsel vm14, $0x2, v9;
	v52 =	vsel vm9, $0x2, v9;
	v61 =	vsel vm12, $0x2, v9  }
0x98: {  	v53 =	vsel vm10, $0x2, v9;
	v62 =	vsel vm15, $0x2, v9;
	v46 =	vor.u32 v61, v46  }
0x99: {  	v63 =	vsel vm13, $0x2, v9;
	v45 =	vor.u32 v53, v45;
	v12 =	vperm.xlane v40, v46  }
0x9a: {  	s16 =	sshra.s32 s15, $0x2;
	v8 =	vld [tilespmem:$0x1FF80];
	v41 =	vor.u32 v49, v41;
	v42 =	vor.u32 v50, v42;
	v47 =	vor.u32 v62, v47  }
0x9b: {  	v44 =	vor.u32 v52, v44;
	v13 =	vperm.xlane v40, v47;
	vm4 =	vlt.f32 v12, v22;
	v12 =	vld [tilespmem:s16+$0x100]  }
0x9c: {  	v48 =	vor.u32 v63, v48;
	v43 =	vor.u32 v51, v43;
	v49 =	vperm.xlane v40, v42  }
0x9d: {  	v50 =	vperm.xlane v40, v45;
	v14 =	vperm.xlane v40, v48;
	vm5 =	vlt.f32 v13, v21  }
0x9e: {  	v52 =	vperm.xlane v40, v41;
	v15 =	vperm.xlane v40, v44;
	v54 =	vsel vm5, $0x1, v9  }
0x9f: {  	v57 =	vperm.xlane v40, v43;
	vm6 =	vlt.f32 v14, v23;
	v47 =	vor.u32 v54, v47;
	v54 =	vld [tilespmem:s16+$0x110]  }
0xa0: {  	vm9 =	vlt.f32 v50, v26;
	v53 =	vsel vm4, $0x1, v9;
	v50 =	vmul.f32 v12, v8;
	v8 =	vld [tilespmem:$0x1FF90]  }
0xa1: {  	vm7 =	vlt.f32 v57, v24;
	v59 =	vsel vm6, $0x1, v9;
	v46 =	vor.u32 v53, v46  }
0xa2: {  	v48 =	vor.u32 v59, v48;
	v46 =	vperm.xlane v10, v46;
	v47 =	vperm.xlane v10, v47  }
0xa3: {  	vm8 =	vlt.f32 v15, v25;
	v62 =	vsel vm7, $0x1, v9;
	v48 =	vperm.xlane v10, v48  }
0xa4: {  	v15 =	vld [tilespmem:s16+$0x120];
	v63 =	vsel vm8, $0x1, v9;
	v60 =	vmul.f32 v46, v46;
	v61 =	vmul.f32 v47, v47  }
0xa5: {  	v14 =	vsel vm9, $0x1, v9;
	v43 =	vor.u32 v62, v43;
	v54 =	vmul.f32 v54, v8;
	v8 =	vld [tilespmem:$0x1FFA0]  }
0xa6: {  	v43 =	vperm.xlane v10, v43;
	v13 =	vmul.f32 v48, v48;
	v40 =	vadd.f32 v61, v60  }
0xa7: {  	vm10 =	vlt.f32 v52, v27;
	v44 =	vor.u32 v63, v44;
	v45 =	vor.u32 v14, v45  }
0xa8: {  	v19 =	vld [tilespmem:$0x1FFC0];
	v44 =	vperm.xlane v10, v44;
	v57 =	vmul.f32 v43, v43;
	v40 =	vadd.f32 v13, v40  }
0xa9: {  	vm11 =	vlt.f32 v49, v28;
	v59 =	vsel vm10, $0x1, v9;
	v45 =	vperm.xlane v10, v45;
	v60 =	vld [tilespmem:s16+$0x130]  }
0xaa: {  	v61 =	vmul.f32 v44, v44;
	v40 =	vadd.f32 v57, v40;
	v52 =	vmul.f32 v15, v8;
	v8 =	vld [tilespmem:$0x1FFB0]  }
0xab: {  	v20 =	vld [tilespmem:$0x1FFF0];
	v63 =	vsel vm11, $0x1, v9;
	v41 =	vor.u32 v59, v41  }
0xac: {  	v62 =	vld [tilespmem:s16+$0x140];
	v41 =	vperm.xlane v10, v41;
	v13 =	vmul.f32 v45, v45;
	v40 =	vadd.f32 v61, v40  }
0xad: {  	v14 =	vld [tilespmem:s16+$0x170];
	v42 =	vor.u32 v63, v42  }
0xae: {  	v42 =	vperm.xlane v10, v42;
	v12 =	vld [tilespmem:s16+$0x150];
	v40 =	vadd.f32 v13, v40;
	v15 =	vmul.f32 v41, v41  }
0xaf: {  	v38 =	vadd.f32 v39, v38;
	v59 =	vmul.f32 v46, v22;
	v49 =	vmul.f32 v60, v8;
	v8 =	vld [tilespmem:$0x1FFD0]  }
0xb0: {  	v61 =	vmul.f32 v42, v42;
	v40 =	vadd.f32 v15, v40;
	v60 =	vmul.f32 v47, v21  }
0xb1: {  	[tilespmem:$0x1FF60] =	vst v18;
	v18 =	vld [tilespmem:$0x1FFE0];
	v37 =	vadd.f32 v38, v37;
	v63 =	vmul.f32 v48, v23;
	v51 =	vmul.f32 v62, v19  }
0xb2: {  	v48 =	vmul.f32 v1, v50;
	v57 =	vld [tilespmem:s16+$0x160];
	v40 =	vadd.f32 v61, v40;
	v62 =	vadd.f32 v60, v59  }
0xb3: {  	v36 =	vadd.f32 v37, v36;
	v13 =	vmul.f32 v43, v24;
	v47 =	vmul.f32 v14, v20  }
0xb4: {  	v14 =	vperm.xlane v40, v0;
	v55 =	vmul.f32 v12, v8;
	v12 =	vadd.f32 v63, v62  }
0xb5: {  	v35 =	vadd.f32 v36, v35;
	v44 =	vmul.f32 v44, v25;
	v39 =	vperm.xlane v54, v0  }
0xb6: {  	v43 =	vperm.xlane v50, v0;
	v50 =	vadd.f32 v14, v40;
	v15 =	vadd.f32 v13, v12  }
0xb7: {  	v34 =	vadd.f32 v35, v34;
	v46 =	vmul.f32 v57, v18;
	v40 =	vmul.f32 v1, v54  }
0xb8: {  	v54 =	vmul.f32 v45, v26;
	v56 =	vperm.xlane v50, v2;
	v53 =	vadd.f32 v44, v15  }
0xb9: {  	v33 =	vadd.f32 v34, v33;
	v59 =	vmul.f32 v41, v27;
	v37 =	vperm.xlane v49, v0  }
0xba: {  	v38 =	vmul.f32 v1, v49;
	v60 =	vadd.f32 v56, v50;
	v57 =	vadd.f32 v54, v53  }
0xbb: {  	v32 =	vadd.f32 v33, v32;
	v41 =	vperm.xlane v51, v0;
	v49 =	vmul.f32 v1, v51  }
0xbc: {  	v62 =	vmul.f32 v42, v28;
	v63 =	vperm.xlane v60, v4;
	v61 =	vadd.f32 v59, v57  }
0xbd: {  	v41 =	vadd.f32 v41, v49;
	v12 =	vperm.xlane v32, v0  }
0xbe: {  	v13 =	vadd.f32 v63, v60;
	v33 =	vadd.f32 v62, v61  }
0xbf: {  	v45 =	vmul.f32 v1, v52;
	v49 =	vmul.f32 v3, v41;
	v32 =	vadd.f32 v32, v12  }
0xc0: {  	v15 =	vperm.xlane v13, v6;
	v14 =	vperm.xlane v33, v0  }
0xc1: {  	v37 =	vadd.f32 v37, v38;
	v35 =	vperm.xlane v55, v0;
	v57 =	vperm.xlane v32, v2  }
0xc2: {  	v36 =	vmul.f32 v1, v55;
	v34 =	vadd.f32 v15, v13;
	v33 =	vadd.f32 v33, v14  }
0xc3: {  	v56 =	vperm.xlane v46, v0;
	v46 =	vmul.f32 v1, v46;
	v32 =	vadd.f32 v32, v57  }
0xc4: {  	v55 =	vperm.xlane v37, v2;
	v34 =	vadd.f32 $9.999999930e-09, v34;
	v60 =	vperm.xlane v33, v2  }
0xc5: {  	v43 =	vadd.f32 v43, v48;
	v37 =	vmul.f32 v3, v37;
	v62 =	vperm.xlane v32, v4  }
0xc6: {  	v44 =	vperm.xlane v52, v0;
	(erf) = vrcp.f32 v34;
	v33 =	vadd.f32 v33, v60  }
0xc7: {  	v12 =	vmul.f32 v3, v43;
	v56 =	vadd.f32 v56, v46;
	v32 =	vadd.f32 v32, v62  }
0xc8: {  	v63 =	vperm.xlane v43, v2;
	v14 =	vperm.xlane v33, v4  }
0xc9: {  	v39 =	vadd.f32 v39, v40;
	v42 =	vmul.f32 v3, v56;
	v54 =	vperm.xlane v32, v6  }
0xca: {  	v59 =	vperm.xlane v47, v0;
	v47 =	vmul.f32 v1, v47;
	v33 =	vadd.f32 v33, v14  }
0xcb: {  	v61 =	vadd.f32 v44, v45;
	v13 =	vperm.xlane v39, v2;
	v32 =	vadd.f32 v32, v54  }
0xcc: {  	v35 =	vadd.f32 v35, v36;
	v15 =	vmul.f32 v3, v39;
	v43 =	vperm.xlane v33, v6  }
0xcd: {  	v48 =	vadd.f32 v55, v37;
	v57 =	vperm.xlane v41, v2;
	v32 =	vmul.f32 $7.812500000e-03, v32  }
0xce: {  	v47 =	vadd.f32 v59, v47;
	v59 =	vperm.xlane v35, v2;
	v33 =	vadd.f32 v33, v43  }
0xcf: {  	v45 =	vperm.xlane v61, v2;
	v40 =	vmul.f32 v3, v61;
	v32 =	vadd.f32 v31, v32;
	v61 =	vpop (erf)  }
0xd0: {  	v17 =	vld [tilespmem:$0x1FF70];
	v41 =	vperm.xlane v56, v2;
	v36 =	vadd.f32 v13, v15;
	v33 =	vmul.f32 v61, v33  }
0xd1: {  	v44 =	vmul.f32 v3, v47;
	v34 =	vadd.f32 v63, v12;
	v32 =	vmul.f32 $5.000000000e+00, v32  }
0xd2: {  	v40 =	vadd.f32 v45, v40;
	v38 =	vperm.xlane v36, v4;
	v31 =	vadd.f32 v33, v31  }
0xd3: {  	v39 =	vmul.f32 v5, v36;
	v37 =	vmul.f32 v5, v34;
	vm0 =	vgt.f32 v29, v32  }
0xd4: {  	v36 =	vperm.xlane v40, v4;
	v40 =	vmul.f32 v5, v40;
	v29 =	vsel vm0, v30, v31  }
0xd5: {  	v60 =	vmul.f32 v3, v35;
	v45 =	vmul.f32 v29, v17  }
0xd6: {  	v35 =	vperm.xlane v34, v4;
	v43 =	vperm.xlane v47, v2;
	v29 =	vadd.f32 v57, v49  }
0xd7: {  	v33 =	vmul.f32 v5, v48;
	v30 =	vadd.f32 v59, v60;
	v62 =	vperm.xlane v45, v58  }
0xd8: {  	v31 =	vperm.xlane v48, v4;
	v32 =	vperm.xlane v29, v4  }
0xd9: {  	v34 =	vmul.f32 v5, v29;
	v29 =	vperm.xlane v30, v4;
	vm1 =	vlt.f32 v62, v28  }
0xda: {  	vm2 =	vlt.f32 v62, v25;
	vm3 =	vlt.f32 v62, v26;
	vm12 =	vlt.f32 v62, v27  }
0xdb: {  	vm13 =	vlt.f32 v62, v22;
	vm14 =	vlt.f32 v62, v23;
	vm15 =	vlt.f32 v62, v24  }
0xdc: {  	vm8 =	vlt.f32 v62, v21;
	v46 =	vsel vm12, $0x8, v9;
	v47 =	vsel vm1, $0x8, v9  }
0xdd: {  	v48 =	vsel vm15, $0x8, v9;
	v49 =	vsel vm2, $0x8, v9;
	v50 =	vsel vm3, $0x8, v9  }
0xde: {  	v51 =	vsel vm13, $0x8, v9;
	v52 =	vsel vm8, $0x8, v9;
	v53 =	vsel vm14, $0x8, v9  }
0xdf: {  	v63 =	vor.u32 $0x3, v50;
	v13 =	vor.u32 $0x3, v46;
	v14 =	vor.u32 $0x3, v47  }
0xe0: {  	v15 =	vor.u32 $0x3, v48;
	v12 =	vor.u32 $0x3, v49;
	v56 =	vperm.xlane v45, v14  }
0xe1: {  	v59 =	vor.u32 $0x3, v53;
	v54 =	vperm.xlane v45, v63;
	v55 =	vperm.xlane v45, v13  }
0xe2: {  	v60 =	vor.u32 $0x3, v51;
	v57 =	vperm.xlane v45, v15;
	v58 =	vperm.xlane v45, v12  }
0xe3: {  	v61 =	vor.u32 $0x3, v52;
	v60 =	vperm.xlane v45, v60;
	v59 =	vperm.xlane v45, v59  }
0xe4: {  	v61 =	vperm.xlane v45, v61;
	vm1 =	vlt.f32 v55, v27;
	vm2 =	vlt.f32 v56, v28  }
0xe5: {  	vm3 =	vlt.f32 v57, v24;
	vm4 =	vlt.f32 v58, v25;
	vm12 =	vlt.f32 v54, v26  }
0xe6: {  	vm13 =	vlt.f32 v60, v22;
	vm14 =	vlt.f32 v61, v21;
	vm15 =	vlt.f32 v59, v23  }
0xe7: {  	v54 =	vsel vm12, $0x4, v9;
	v55 =	vsel vm1, $0x4, v9;
	v56 =	vsel vm2, $0x4, v9  }
0xe8: {  	v13 =	vsel vm15, $0x4, v9;
	v14 =	vsel vm3, $0x4, v9;
	v15 =	vsel vm4, $0x4, v9  }
0xe9: {  	v60 =	vsel vm13, $0x4, v9;
	v61 =	vsel vm14, $0x4, v9;
	v47 =	vor.u32 v47, v56  }
0xea: {  	v49 =	vor.u32 v49, v15;
	v50 =	vor.u32 v50, v54;
	v46 =	vor.u32 v46, v55  }
0xeb: {  	v51 =	vor.u32 v51, v60;
	v53 =	vor.u32 v53, v13;
	v48 =	vor.u32 v48, v14  }
0xec: {  	v52 =	vor.u32 v52, v61;
	v62 =	vor.u32 $0x1, v46;
	v63 =	vor.u32 $0x1, v47  }
0xed: {  	v12 =	vor.u32 $0x1, v48;
	v13 =	vor.u32 $0x1, v49;
	v14 =	vor.u32 $0x1, v50  }
0xee: {  	v15 =	vor.u32 $0x1, v53;
	v54 =	vperm.xlane v45, v62;
	v55 =	vperm.xlane v45, v63  }
0xef: {  	v60 =	vor.u32 $0x1, v51;
	v57 =	vperm.xlane v45, v13;
	v58 =	vperm.xlane v45, v14  }
0xf0: {  	v61 =	vor.u32 $0x1, v52;
	v59 =	vperm.xlane v45, v15;
	v56 =	vperm.xlane v45, v12  }
0xf1: {  	v60 =	vperm.xlane v45, v60;
	v61 =	vperm.xlane v45, v61  }
0xf2: {  	vm1 =	vlt.f32 v58, v26;
	vm2 =	vlt.f32 v54, v27;
	vm3 =	vlt.f32 v55, v28  }
0xf3: {  	vm4 =	vlt.f32 v59, v23;
	vm12 =	vlt.f32 v56, v24;
	vm13 =	vlt.f32 v57, v25  }
0xf4: {  	vm14 =	vlt.f32 v60, v22;
	vm15 =	vlt.f32 v61, v21;
	v54 =	vsel vm3, $0x2, v9  }
0xf5: {  	v55 =	vsel vm13, $0x2, v9;
	v12 =	vsel vm1, $0x2, v9;
	v13 =	vsel vm2, $0x2, v9  }
0xf6: {  	v14 =	vsel vm14, $0x2, v9;
	v59 =	vsel vm4, $0x2, v9;
	v15 =	vsel vm12, $0x2, v9  }
0xf7: {  	v61 =	vsel vm15, $0x2, v9;
	v46 =	vor.u32 v13, v46;
	v47 =	vor.u32 v54, v47  }
0xf8: {  	v48 =	vor.u32 v15, v48;
	v49 =	vor.u32 v55, v49;
	v50 =	vor.u32 v12, v50  }
0xf9: {  	v53 =	vor.u32 v59, v53;
	v54 =	vperm.xlane v45, v46;
	v55 =	vperm.xlane v45, v47  }
0xfa: {  	v51 =	vor.u32 v14, v51;
	v56 =	vperm.xlane v45, v49;
	v12 =	vperm.xlane v45, v50  }
0xfb: {  	v52 =	vor.u32 v61, v52;
	v13 =	vperm.xlane v45, v53;
	v14 =	vperm.xlane v45, v48  }
0xfc: {  	v15 =	vperm.xlane v45, v51;
	v45 =	vperm.xlane v45, v52;
	vm1 =	vlt.f32 v55, v28  }
0xfd: {  	vm2 =	vlt.f32 v56, v25;
	vm3 =	vlt.f32 v12, v26;
	vm4 =	vlt.f32 v54, v27  }
0xfe: {  	vm12 =	vlt.f32 v15, v22;
	vm13 =	vlt.f32 v13, v23;
	vm14 =	vlt.f32 v14, v24  }
0xff: {  	vm15 =	vlt.f32 v45, v21;
	v45 =	vsel vm4, $0x1, v9;
	v54 =	vsel vm1, $0x1, v9  }
0x100: {  	v12 =	vsel vm14, $0x1, v9;
	v56 =	vsel vm2, $0x1, v9;
	v57 =	vsel vm3, $0x1, v9  }
0x101: {  	v13 =	vsel vm12, $0x1, v9;
	v14 =	vsel vm15, $0x1, v9;
	v15 =	vsel vm13, $0x1, v9  }
0x102: {  	v50 =	vor.u32 v57, v50;
	v45 =	vor.u32 v45, v46;
	v54 =	vor.u32 v54, v47  }
0x103: {  	v55 =	vor.u32 v12, v48;
	v56 =	vor.u32 v56, v49;
	v46 =	vperm.xlane v10, v54  }
0x104: {  	v57 =	vor.u32 v15, v53;
	v50 =	vperm.xlane v10, v50;
	v45 =	vperm.xlane v10, v45  }
0x105: {  	v51 =	vor.u32 v13, v51;
	v47 =	vperm.xlane v10, v55;
	v48 =	vperm.xlane v10, v56  }
0x106: {  	v52 =	vor.u32 v14, v52;
	v51 =	vperm.xlane v10, v51;
	v49 =	vperm.xlane v10, v57  }
0x107: {  	v52 =	vperm.xlane v10, v52;
	v28 =	vmul.f32 v46, v28  }
0x108: {  	v53 =	vperm.xlane v51, v0;
	v54 =	vmul.f32 v1, v51  }
0x109: {  	v55 =	vperm.xlane v52, v0;
	v56 =	vmul.f32 v1, v52  }
0x10a: {  	v57 =	vperm.xlane v49, v0;
	v58 =	vmul.f32 v1, v49  }
0x10b: {  	v59 =	vperm.xlane v47, v0;
	v60 =	vmul.f32 v1, v47  }
0x10c: {  	v61 =	vperm.xlane v48, v0;
	v62 =	vmul.f32 v1, v48  }
0x10d: {  	v63 =	vperm.xlane v50, v0;
	v8 =	vmul.f32 v1, v50  }
0x10e: {  	v11 =	vperm.xlane v45, v0;
	v12 =	vmul.f32 v1, v45  }
0x10f: {  	v13 =	vperm.xlane v46, v0;
	v14 =	vmul.f32 v1, v46  }
0x110: {  	v26 =	vmul.f32 v50, v26;
	v27 =	vmul.f32 v45, v27  }
0x111: {  	v24 =	vmul.f32 v47, v24;
	v25 =	vmul.f32 v48, v25  }
0x112: {  	v31 =	vadd.f32 v31, v33;
	v15 =	vmul.f32 v51, v22;
	v23 =	vmul.f32 v49, v23  }
0x113: {  	v32 =	vadd.f32 v32, v34;
	v16 =	vmul.f32 v52, v21;
	v46 =	vmul.f32 v46, v46  }
0x114: {  	v22 =	vadd.f32 v41, v42;
	v41 =	vmul.f32 v50, v50;
	v42 =	vmul.f32 v45, v45  }
0x115: {  	v21 =	vadd.f32 v43, v44;
	v43 =	vmul.f32 v51, v51;
	v44 =	vmul.f32 v48, v48  }
0x116: {  	v45 =	vmul.f32 v52, v52;
	v48 =	vadd.f32 v53, v54;
	v50 =	vadd.f32 v55, v56  }
0x117: {  	v47 =	vmul.f32 v47, v47;
	v51 =	vadd.f32 v57, v58;
	v59 =	vadd.f32 v59, v60  }
0x118: {  	v43 =	vadd.f32 v45, v43;
	v60 =	vmul.f32 v49, v49;
	v61 =	vadd.f32 v61, v62  }
0x119: {  	v11 =	vadd.f32 v11, v12;
	v12 =	vperm.xlane v48, v2;
	v45 =	vmul.f32 v3, v48  }
0x11a: {  	v8 =	vadd.f32 v63, v8;
	v48 =	vperm.xlane v50, v2;
	v62 =	vmul.f32 v3, v50  }
0x11b: {  	v13 =	vadd.f32 v13, v14;
	v63 =	vperm.xlane v51, v2;
	v56 =	vmul.f32 v3, v51  }
0x11c: {  	v15 =	vadd.f32 v16, v15;
	v57 =	vperm.xlane v59, v2;
	v16 =	vmul.f32 v3, v59  }
0x11d: {  	v43 =	vadd.f32 v60, v43;
	v59 =	vperm.xlane v61, v2;
	v60 =	vmul.f32 v3, v61  }
0x11e: {  	v61 =	vperm.xlane v8, v2;
	v15 =	vadd.f32 v23, v15;
	v8 =	vmul.f32 v3, v8  }
0x11f: {  	v23 =	vperm.xlane v11, v2;
	v43 =	vadd.f32 v47, v43;
	v12 =	vadd.f32 v12, v45  }
0x120: {  	v11 =	vmul.f32 v3, v11;
	v14 =	vadd.f32 v48, v62;
	v62 =	vadd.f32 v63, v56  }
0x121: {  	v63 =	vperm.xlane v13, v2;
	v16 =	vadd.f32 v57, v16;
	v53 =	vadd.f32 v59, v60  }
0x122: {  	v13 =	vmul.f32 v3, v13;
	v8 =	vadd.f32 v61, v8;
	v43 =	vadd.f32 v44, v43  }
0x123: {  	v11 =	vadd.f32 v23, v11;
	v54 =	vperm.xlane v12, v4;
	v12 =	vmul.f32 v5, v12  }
0x124: {  	v55 =	vperm.xlane v14, v4;
	v14 =	vmul.f32 v5, v14;
	v41 =	vadd.f32 v41, v43  }
0x125: {  	v15 =	vadd.f32 v24, v15;
	v47 =	vperm.xlane v62, v4;
	v23 =	vperm.xlane v16, v4  }
0x126: {  	v16 =	vmul.f32 v5, v16;
	v24 =	vperm.xlane v53, v4;
	v41 =	vadd.f32 v42, v41  }
0x127: {  	v57 =	vperm.xlane v8, v4;
	v13 =	vadd.f32 v63, v13;
	v8 =	vmul.f32 v5, v8  }
0x128: {  	v59 =	vperm.xlane v11, v4;
	v15 =	vadd.f32 v25, v15;
	v41 =	vadd.f32 v46, v41  }
0x129: {  	v11 =	vmul.f32 v5, v11;
	v43 =	vmul.f32 v5, v62;
	v12 =	vadd.f32 v54, v12  }
0x12a: {  	v14 =	vadd.f32 v55, v14;
	v15 =	vadd.f32 v26, v15;
	v56 =	vperm.xlane v41, v0  }
0x12b: {  	v60 =	vperm.xlane v13, v4;
	v16 =	vadd.f32 v23, v16;
	v8 =	vadd.f32 v57, v8  }
0x12c: {  	v13 =	vmul.f32 v5, v13;
	v11 =	vadd.f32 v59, v11;
	v41 =	vadd.f32 v56, v41  }
0x12d: {  	v42 =	vmul.f32 v5, v53;
	v26 =	vadd.f32 v47, v43;
	v61 =	vperm.xlane v12, v6  }
0x12e: {  	v12 =	vmul.f32 v7, v12;
	v15 =	vadd.f32 v27, v15;
	v25 =	vperm.xlane v41, v2  }
0x12f: {  	v62 =	vperm.xlane v14, v6;
	v14 =	vmul.f32 v7, v14;
	v13 =	vadd.f32 v60, v13  }
0x130: {  	v50 =	vperm.xlane v11, v6;
	v11 =	vmul.f32 v7, v11;
	v25 =	vadd.f32 v25, v41  }
0x131: {  	v23 =	vperm.xlane v26, v6;
	v15 =	vadd.f32 v28, v15;
	v26 =	vmul.f32 v7, v26  }
0x132: {  	v24 =	vadd.f32 v24, v42;
	v12 =	vadd.f32 v61, v12;
	v27 =	vperm.xlane v25, v4  }
0x133: {  	v52 =	vperm.xlane v13, v6;
	v13 =	vmul.f32 v7, v13;
	v42 =	vadd.f32 v50, v11  }
0x134: {  	v11 =	vperm.xlane v22, v4;
	v22 =	vmul.f32 v5, v22;
	v25 =	vadd.f32 v27, v25  }
0x135: {  	v14 =	vadd.f32 v62, v14;
	v28 =	vperm.xlane v15, v0;
	v49 =	vperm.xlane v24, v6  }
0x136: {  	v26 =	vadd.f32 v23, v26;
	v13 =	vadd.f32 v52, v13;
	v63 =	vperm.xlane v25, v6  }
0x137: {  	v24 =	vmul.f32 v7, v24;
	v43 =	vsub.f32 v12, v14;
	v15 =	vadd.f32 v15, v28  }
0x138: {  	v28 =	vperm.xlane v8, v6;
	v8 =	vmul.f32 v7, v8;
	v25 =	vadd.f32 v63, v25  }
0x139: {  	v11 =	vadd.f32 v11, v22;
	v27 =	vperm.xlane v16, v6;
	v16 =	vmul.f32 v7, v16  }
0x13a: {  	v53 =	vadd.f32 v49, v24;
	v51 =	vperm.xlane v15, v2;
	v25 =	vadd.f32 $9.999999930e-09, v25  }
0x13b: {  	v30 =	vmul.f32 v5, v30;
	v8 =	vadd.f32 v28, v8;
	v16 =	vadd.f32 v27, v16  }
0x13c: {  	v56 =	vsub.f32 v42, v13;
	v15 =	vadd.f32 v15, v51;
	(erf) = vrcp.f32 v25  }
0x13d: {  	v22 =	vperm.xlane v32, v6;
	v55 =	vsub.f32 v53, v8;
	v54 =	vsub.f32 v26, v16  }
0x13e: {  	v24 =	vadd.f32 v35, v37;
	v49 =	vadd.f32 v29, v30;
	v23 =	vperm.xlane v15, v4  }
0x13f: {  	v29 =	vmul.f32 v7, v31;
	v59 =	vsub.f32 v55, v56;
	v57 =	vsub.f32 v43, v54  }
0x140: {  	v28 =	vadd.f32 v36, v40;
	v35 =	vperm.xlane v24, v6;
	v15 =	vadd.f32 v15, v23  }
0x141: {  	v24 =	vmul.f32 v7, v24;
	v40 =	vperm.xlane v31, v6;
	v60 =	vsub.f32 v57, v59  }
0x142: {  	v12 =	vadd.f32 v14, v12;
	v23 =	vperm.xlane v21, v4;
	v27 =	vperm.xlane v15, v6  }
0x143: {  	v21 =	vmul.f32 v5, v21;
	v25 =	vadd.f32 v38, v39;
	v63 =	vmul.f32 v60, v20;
	v20 =	vld [tilespmem:$0x1FF60]  }
0x144: {  	v31 =	vmul.f32 v7, v32;
	v62 =	vperm.xlane v28, v6;
	v15 =	vadd.f32 v15, v27  }
0x145: {  	v21 =	vadd.f32 v23, v21;
	v27 =	vperm.xlane v25, v6;
	v25 =	vmul.f32 v7, v25;
	v61 =	vpop (erf)  }
0x146: {  	v28 =	vmul.f32 v7, v28;
	v50 =	vadd.f32 v35, v24;
	v15 =	vmul.f32 v61, v15  }
0x147: {  	v24 =	vadd.f32 v27, v25;
	v25 =	vperm.xlane v21, v6;
	v21 =	vmul.f32 v7, v21  }
0x148: {  	v27 =	vadd.f32 v62, v28;
	v28 =	vadd.f32 v40, v29;
	v20 =	vsel vm0, v20, v15  }
0x149: {  	v23 =	vperm.xlane v49, v6;
	v21 =	vadd.f32 v25, v21;
	v30 =	vmul.f32 v63, v20  }
0x14a: {  	v14 =	vsub.f32 v50, v24;
	v25 =	vsub.f32 v27, v28;
	v15 =	vmul.f32 v7, v49  }
0x14b: {  	v22 =	vadd.f32 v22, v31;
	[tilespmem:s14+$0x2170] =	vst v30;
	v30 =	vperm.xlane v11, v6;
	v11 =	vmul.f32 v7, v11  }
0x14c: {  	v29 =	vsub.f32 v14, v25;
	v14 =	vadd.f32 v25, v14  }
0x14d: {  	v15 =	vadd.f32 v23, v15;
	v11 =	vadd.f32 v30, v11  }
0x14e: {  	v23 =	vadd.f32 v24, v50;
	v24 =	vadd.f32 v28, v27  }
0x14f: {  	v27 =	vsub.f32 v22, v15;
	v28 =	vsub.f32 v11, v21  }
0x150: {  	v15 =	vadd.f32 v15, v22;
	v11 =	vadd.f32 v21, v11  }
0x151: {  	v31 =	vadd.f32 v24, v23;
	v30 =	vsub.f32 v27, v28  }
0x152: {  	v25 =	vadd.f32 v11, v15;
	v27 =	vadd.f32 v28, v27  }
0x153: {  	v28 =	vsub.f32 v23, v24;
	v11 =	vsub.f32 v15, v11  }
0x154: {  	v22 =	vadd.f32 v25, v31;
	v21 =	vadd.f32 v27, v14  }
0x155: {  	v51 =	vadd.f32 v16, v26;
	v23 =	vadd.f32 v11, v28  }
0x156: {  	v24 =	vadd.f32 v30, v29;
	v38 =	vand.u32 $0x7FFFFFFF, v22;
	v39 =	vand.u32 $0x7FFFFFFF, v21  }
0x157: {  	v25 =	vsub.f32 v31, v25;
	v37 =	vand.u32 $0x7FFFFFFF, v23;
	v16 =	vmax.f32 v38, v39  }
0x158: {  	v26 =	vsub.f32 v14, v27;
	v36 =	vand.u32 $0x7FFFFFFF, v24;
	v52 =	vmax.f32 v16, v37  }
0x159: {  	v27 =	vsub.f32 v28, v11;
	v35 =	vand.u32 $0x7FFFFFFF, v25;
	v11 =	vmax.f32 v52, v36  }
0x15a: {  	v28 =	vsub.f32 v29, v30;
	v34 =	vand.u32 $0x7FFFFFFF, v26;
	v11 =	vmax.f32 v11, v35  }
0x15b: {  	v33 =	vand.u32 $0x7FFFFFFF, v27;
	v11 =	vmax.f32 v11, v34  }
0x15c: {  	v32 =	vand.u32 $0x7FFFFFFF, v28;
	v11 =	vmax.f32 v11, v33  }
0x15d: {  	v30 =	vadd.f32 v56, v55;
	v16 =	vadd.f32 v54, v43;
	v11 =	vmax.f32 v11, v32  }
0x15e: {  	v13 =	vadd.f32 v13, v42;
	v29 =	vperm.xlane v11, v0  }
0x15f: {  	v8 =	vadd.f32 v8, v53;
	v56 =	vadd.f32 v30, v16  }
0x160: {  	v11 =	vmax.f32 v11, v29;
	v29 =	vadd.f32 v59, v57;
	v59 =	vsub.f32 v16, v30;
	v16 =	vld [tilespmem:$0x1FF80]  }
0x161: {  	v53 =	vadd.f32 v51, v12;
	v54 =	vadd.f32 v13, v8  }
0x162: {  	v31 =	vperm.xlane v11, v2  }
0x163: {  	v55 =	vadd.f32 v54, v53  }
0x164: {  	v11 =	vmax.f32 v11, v31  }
0x165: {  	v8 =	vsub.f32 v8, v13;
	v13 =	vmul.f32 v55, v16;
	v16 =	vperm.xlane v11, v4;
	_ =	sdelay $0x1  }
0x166: {  	v11 =	vmax.f32 v11, v16;
	v16 =	vld [tilespmem:$0x1FFD0]  }
0x167: {  	v60 =	vld [tilespmem:$0x1FF90]  }
0x168: {  	v14 =	vsub.f32 v53, v54;
	v31 =	vld [tilespmem:$0x1FFB0];
	_ =	sdelay $0x1  }
0x169: {  	v12 =	vsub.f32 v12, v51;
	v14 =	vmul.f32 v14, v19;
	v30 =	vld [tilespmem:$0x1FFA0]  }
0x16a: {  	v15 =	vmul.f32 v59, v16;
	v16 =	vperm.xlane v11, v6  }
0x16b: {  	v61 =	vmul.f32 v14, v20;
	v57 =	vadd.f32 v8, v12;
	v8 =	vsub.f32 v12, v8  }
0x16c: {  	v12 =	vmul.f32 v56, v60;
	v31 =	vmul.f32 v29, v31;
	v29 =	vmax.f32 v11, v16  }
0x16d: {  	v8 =	vmul.f32 v8, v18;
	v62 =	vmul.f32 $1.131370830e+01, v29  }
0x16e: {  	v12 =	vmul.f32 v12, v20;
	v30 =	vmul.f32 v57, v30  }
0x16f: {  	[tilespmem:s14+$0x2140] =	vst v61;
	v8 =	vmul.f32 v8, v20;
	v13 =	vmul.f32 v13, v20;
	v14 =	vadd.f32 $9.999999930e-09, v62  }
0x170: {  	p0 =	sne.s32 s15, $0x7E00;
	[tilespmem:s14+$0x2110] =	vst v12;
	v30 =	vmul.f32 v30, v20;
	v11 =	vmul.f32 v31, v20  }
.Ltmp0:
0x171: {  	[tilespmem:s14+$0x2160] =	vst v8;
	v18 =	vmul.f32 $3.679991360e-01, v29;
	v31 =	vmul.f32 $9.999999930e-09, v14;
	(pc) =	sbr.rel @p0 .LBB2_3-.Ltmp0, $4  }
0x172: {  	[tilespmem:s14+$0x2100] =	vst v13  }
0x173: {  	[tilespmem:s14+$0x2120] =	vst v30;
	v63 =	vmul.f32 v15, v20;
	v30 =	vadd.f32 v31, v18  }
0x174: {  	[tilespmem:s14+$0x2130] =	vst v11  }
0x175: {  	s15 =	sadd.s32 $0x200, s15;
	v58 =	vimm.s32 $0x7;
	[tilespmem:s14+$0x2150] =	vst v63;
	s14 =	smov.u32 s16;
	v40 =	vmul.f32 v30, v17  }
0x176: {  	_ = 	snop  }
0x177: {  	v8 =	vperm.xlane v40, v58;
	_ =	sdelay $0x1  }
0x178: {  	vm0 =	vlt.f32 v8, v28  }
0x179: {  	vm1 =	vlt.f32 v8, v25;
	vm2 =	vlt.f32 v8, v26;
	vm3 =	vlt.f32 v8, v27  }
0x17a: {  	vm4 =	vlt.f32 v8, v22;
	vm5 =	vlt.f32 v8, v23;
	vm6 =	vlt.f32 v8, v24  }
0x17b: {  	vm7 =	vlt.f32 v8, v21;
	v8 =	vsel vm3, $0x8, v9;
	v11 =	vsel vm0, $0x8, v9  }
0x17c: {  	v12 =	vsel vm6, $0x8, v9;
	v13 =	vsel vm1, $0x8, v9;
	v14 =	vsel vm2, $0x8, v9  }
0x17d: {  	v15 =	vsel vm4, $0x8, v9;
	v16 =	vsel vm7, $0x8, v9;
	v41 =	vsel vm5, $0x8, v9  }
0x17e: {  	v42 =	vor.u32 $0x3, v14;
	v43 =	vor.u32 $0x3, v8;
	v44 =	vor.u32 $0x3, v11  }
0x17f: {  	v45 =	vor.u32 $0x3, v12;
	v46 =	vor.u32 $0x3, v13;
	v44 =	vperm.xlane v40, v44  }
0x180: {  	v47 =	vor.u32 $0x3, v41;
	v42 =	vperm.xlane v40, v42;
	v43 =	vperm.xlane v40, v43  }
0x181: {  	v48 =	vor.u32 $0x3, v15;
	v45 =	vperm.xlane v40, v45;
	v46 =	vperm.xlane v40, v46  }
0x182: {  	v49 =	vor.u32 $0x3, v16;
	v48 =	vperm.xlane v40, v48;
	v47 =	vperm.xlane v40, v47  }
0x183: {  	v49 =	vperm.xlane v40, v49;
	vm0 =	vlt.f32 v43, v27;
	vm9 =	vlt.f32 v44, v28  }
0x184: {  	vm10 =	vlt.f32 v45, v24;
	vm11 =	vlt.f32 v46, v25;
	vm12 =	vlt.f32 v42, v26  }
0x185: {  	vm13 =	vlt.f32 v48, v22;
	vm14 =	vlt.f32 v49, v21;
	vm15 =	vlt.f32 v47, v23  }
0x186: {  	v42 =	vsel vm12, $0x4, v9;
	v43 =	vsel vm0, $0x4, v9;
	v44 =	vsel vm9, $0x4, v9  }
0x187: {  	v59 =	vsel vm15, $0x4, v9;
	v60 =	vsel vm10, $0x4, v9;
	v61 =	vsel vm11, $0x4, v9  }
0x188: {  	v48 =	vsel vm13, $0x4, v9;
	v49 =	vsel vm14, $0x4, v9;
	v11 =	vor.u32 v11, v44  }
0x189: {  	v13 =	vor.u32 v13, v61;
	v14 =	vor.u32 v14, v42;
	v8 =	vor.u32 v8, v43  }
0x18a: {  	v15 =	vor.u32 v15, v48;
	v41 =	vor.u32 v41, v59;
	v12 =	vor.u32 v12, v60  }
0x18b: {  	v16 =	vor.u32 v16, v49;
	v62 =	vor.u32 $0x1, v8;
	v63 =	vor.u32 $0x1, v11  }
0x18c: {  	v17 =	vor.u32 $0x1, v12;
	v19 =	vor.u32 $0x1, v13;
	v20 =	vor.u32 $0x1, v14  }
0x18d: {  	v52 =	vor.u32 $0x1, v41;
	v42 =	vperm.xlane v40, v62;
	v43 =	vperm.xlane v40, v63  }
0x18e: {  	v48 =	vor.u32 $0x1, v15;
	v45 =	vperm.xlane v40, v19;
	v46 =	vperm.xlane v40, v20  }
0x18f: {  	v49 =	vor.u32 $0x1, v16;
	v47 =	vperm.xlane v40, v52;
	v44 =	vperm.xlane v40, v17  }
0x190: {  	v48 =	vperm.xlane v40, v48;
	v49 =	vperm.xlane v40, v49;
	vm0 =	vlt.f32 v43, v28  }
0x191: {  	vm9 =	vlt.f32 v45, v25;
	vm10 =	vlt.f32 v46, v26;
	vm11 =	vlt.f32 v42, v27  }
0x192: {  	vm12 =	vlt.f32 v48, v22;
	vm13 =	vlt.f32 v47, v23;
	vm14 =	vlt.f32 v44, v24  }
0x193: {  	vm15 =	vlt.f32 v49, v21;
	v42 =	vsel vm11, $0x2, v9;
	v43 =	vsel vm0, $0x2, v9  }
0x194: {  	v44 =	vsel vm14, $0x2, v9;
	v45 =	vsel vm9, $0x2, v9;
	v46 =	vsel vm10, $0x2, v9  }
0x195: {  	v53 =	vsel vm12, $0x2, v9;
	v54 =	vsel vm15, $0x2, v9;
	v55 =	vsel vm13, $0x2, v9  }
0x196: {  	v14 =	vor.u32 v46, v14;
	v8 =	vor.u32 v42, v8;
	v11 =	vor.u32 v43, v11  }
0x197: {  	v15 =	vor.u32 v53, v15;
	v13 =	vor.u32 v45, v13;
	v42 =	vperm.xlane v40, v11  }
0x198: {  	v16 =	vor.u32 v54, v16;
	v56 =	vperm.xlane v40, v14;
	v57 =	vperm.xlane v40, v8  }
0x199: {  	v41 =	vor.u32 v55, v41;
	v59 =	vperm.xlane v40, v15;
	v60 =	vperm.xlane v40, v16  }
0x19a: {  	v12 =	vor.u32 v44, v12;
	v61 =	vperm.xlane v40, v41;
	v62 =	vperm.xlane v40, v13  }
0x19b: {  	v63 =	vperm.xlane v40, v12;
	vm4 =	vlt.f32 v59, v22;
	vm5 =	vlt.f32 v60, v21  }
0x19c: {  	vm6 =	vlt.f32 v61, v23;
	v46 =	vsel vm4, $0x1, v9;
	v47 =	vsel vm5, $0x1, v9  }
0x19d: {  	v20 =	vsel vm6, $0x1, v9;
	v15 =	vor.u32 v46, v15;
	v16 =	vor.u32 v47, v16  }
0x19e: {  	v41 =	vor.u32 v20, v41;
	v15 =	vperm.xlane v10, v15;
	v16 =	vperm.xlane v10, v16  }
0x19f: {  	vm7 =	vlt.f32 v63, v24;
	vm8 =	vlt.f32 v62, v25;
	v41 =	vperm.xlane v10, v41  }
0x1a0: {  	v50 =	vsel vm7, $0x1, v9;
	v48 =	vmul.f32 v15, v15;
	v49 =	vmul.f32 v16, v16  }
0x1a1: {  	vm9 =	vlt.f32 v56, v26;
	v51 =	vsel vm8, $0x1, v9;
	v12 =	vor.u32 v50, v12  }
0x1a2: {  	v12 =	vperm.xlane v10, v12;
	v52 =	vmul.f32 v41, v41;
	v40 =	vadd.f32 v49, v48  }
0x1a3: {  	vm10 =	vlt.f32 v57, v27;
	v53 =	vsel vm9, $0x1, v9;
	v13 =	vor.u32 v51, v13  }
0x1a4: {  	v13 =	vperm.xlane v10, v13;
	v54 =	vmul.f32 v12, v12;
	v40 =	vadd.f32 v52, v40  }
0x1a5: {  	vm11 =	vlt.f32 v42, v28;
	v55 =	vsel vm10, $0x1, v9;
	v14 =	vor.u32 v53, v14  }
0x1a6: {  	v14 =	vperm.xlane v10, v14;
	v56 =	vmul.f32 v13, v13;
	v40 =	vadd.f32 v54, v40  }
0x1a7: {  	v57 =	vsel vm11, $0x1, v9;
	v8 =	vor.u32 v55, v8  }
0x1a8: {  	v8 =	vperm.xlane v10, v8;
	v59 =	vmul.f32 v14, v14;
	v40 =	vadd.f32 v56, v40  }
0x1a9: {  	v38 =	vadd.f32 v39, v38;
	v11 =	vor.u32 v57, v11  }
0x1aa: {  	v11 =	vperm.xlane v10, v11;
	v60 =	vmul.f32 v8, v8;
	v40 =	vadd.f32 v59, v40  }
0x1ab: {  	v37 =	vadd.f32 v38, v37;
	v15 =	vmul.f32 v15, v22  }
0x1ac: {  	v16 =	vmul.f32 v16, v21;
	v62 =	vmul.f32 v11, v11;
	v61 =	vadd.f32 v60, v40  }
0x1ad: {  	v36 =	vadd.f32 v37, v36  }
0x1ae: {  	v63 =	vmul.f32 v41, v23;
	v15 =	vadd.f32 v16, v15;
	v20 =	vadd.f32 v62, v61  }
0x1af: {  	v35 =	vadd.f32 v36, v35  }
0x1b0: {  	v12 =	vmul.f32 v12, v24;
	v15 =	vadd.f32 v63, v15;
	v39 =	vperm.xlane v20, v0  }
0x1b1: {  	v41 =	vadd.f32 v35, v34  }
0x1b2: {  	v13 =	vmul.f32 v13, v25;
	v12 =	vadd.f32 v12, v15;
	v40 =	vadd.f32 v39, v20  }
0x1b3: {  	v16 =	vadd.f32 v41, v33  }
0x1b4: {  	v42 =	vmul.f32 v14, v26;
	v12 =	vadd.f32 v13, v12;
	v43 =	vperm.xlane v40, v2  }
0x1b5: {  	v45 =	vadd.f32 v16, v32  }
0x1b6: {  	v8 =	vmul.f32 v8, v27;
	v12 =	vadd.f32 v42, v12;
	v44 =	vadd.f32 v43, v40  }
0x1b7: {  	v47 =	vperm.xlane v45, v0  }
0x1b8: {  	v11 =	vmul.f32 v11, v28;
	v8 =	vadd.f32 v8, v12;
	v46 =	vperm.xlane v44, v4  }
0x1b9: {  	v48 =	vadd.f32 v45, v47  }
0x1ba: {  	v8 =	vadd.f32 v11, v8;
	v11 =	vadd.f32 v46, v44;
	_ =	sdelay $0x1  }
0x1bb: {  	v15 =	vperm.xlane v48, v2;
	v50 =	vperm.xlane v11, v6;
	_ =	sdelay $0x1  }
0x1bc: {  	v12 =	vadd.f32 v48, v15;
	v49 =	vperm.xlane v8, v0;
	v11 =	vadd.f32 v50, v11;
	_ =	sdelay $0x1  }
0x1bd: {  	v51 =	vperm.xlane v12, v4;
	v8 =	vadd.f32 v8, v49;
	v11 =	vadd.f32 $9.999999930e-09, v11;
	_ =	sdelay $0x1  }
0x1be: {  	v13 =	vperm.xlane v8, v2;
	(erf) = vrcp.f32 v11;
	v11 =	vadd.f32 v12, v51;
	_ =	sdelay $0x1  }
0x1bf: {  	v8 =	vadd.f32 v8, v13;
	v53 =	vperm.xlane v11, v6;
	_ =	sdelay $0x1  }
0x1c0: {  	v52 =	vperm.xlane v8, v4;
	v11 =	vadd.f32 v11, v53;
	_ =	sdelay $0x1  }
0x1c1: {  	v8 =	vadd.f32 v8, v52;
	v11 =	vmul.f32 $7.812500000e-03, v11;
	_ =	sdelay $0x1  }
0x1c2: {  	v12 =	vperm.xlane v8, v6;
	v11 =	vadd.f32 v31, v11;
	_ =	sdelay $0x1  }
0x1c3: {  	v8 =	vadd.f32 v8, v12;
	v11 =	vmul.f32 $5.000000000e+00, v11  }
0x1c4: {  	v54 =	vpop (erf)  }
0x1c5: {  	v8 =	vmul.f32 v54, v8;
	vm0 =	vgt.f32 v29, v11;
	v11 =	vld [tilespmem:$0x1FF70];
	_ =	sdelay $0x1  }
0x1c6: {  	v8 =	vadd.f32 v8, v31;
	_ =	sdelay $0x1  }
0x1c7: {  	v8 =	vsel vm0, v30, v8  }
0x1c8: {  	v8 =	vmul.f32 v8, v11;
	_ =	sdelay $0x1  }
0x1c9: {  	v11 =	vperm.xlane v8, v58;
	_ =	sdelay $0x1  }
0x1ca: {  	vm1 =	vlt.f32 v11, v28  }
0x1cb: {  	vm2 =	vlt.f32 v11, v25;
	vm3 =	vlt.f32 v11, v26;
	vm12 =	vlt.f32 v11, v27  }
0x1cc: {  	vm13 =	vlt.f32 v11, v22;
	vm14 =	vlt.f32 v11, v23;
	vm15 =	vlt.f32 v11, v24  }
0x1cd: {  	vm8 =	vlt.f32 v11, v21;
	v11 =	vsel vm12, $0x8, v9;
	v55 =	vsel vm1, $0x8, v9  }
0x1ce: {  	v56 =	vsel vm15, $0x8, v9;
	v57 =	vsel vm2, $0x8, v9;
	v59 =	vsel vm3, $0x8, v9  }
0x1cf: {  	v60 =	vsel vm13, $0x8, v9;
	v61 =	vsel vm8, $0x8, v9;
	v62 =	vsel vm14, $0x8, v9  }
0x1d0: {  	v63 =	vor.u32 $0x3, v59;
	v17 =	vor.u32 $0x3, v11;
	v19 =	vor.u32 $0x3, v55  }
0x1d1: {  	v20 =	vor.u32 $0x3, v56;
	v40 =	vor.u32 $0x3, v57;
	v33 =	vperm.xlane v8, v19  }
0x1d2: {  	v41 =	vor.u32 $0x3, v62;
	v31 =	vperm.xlane v8, v63;
	v32 =	vperm.xlane v8, v17  }
0x1d3: {  	v42 =	vor.u32 $0x3, v60;
	v34 =	vperm.xlane v8, v20;
	v35 =	vperm.xlane v8, v40  }
0x1d4: {  	v43 =	vor.u32 $0x3, v61;
	v37 =	vperm.xlane v8, v42;
	v36 =	vperm.xlane v8, v41  }
0x1d5: {  	v38 =	vperm.xlane v8, v43;
	vm1 =	vlt.f32 v32, v27;
	vm2 =	vlt.f32 v33, v28  }
0x1d6: {  	vm3 =	vlt.f32 v34, v24;
	vm4 =	vlt.f32 v35, v25;
	vm12 =	vlt.f32 v31, v26  }
0x1d7: {  	vm13 =	vlt.f32 v37, v22;
	vm14 =	vlt.f32 v38, v21;
	vm15 =	vlt.f32 v36, v23  }
0x1d8: {  	v31 =	vsel vm12, $0x4, v9;
	v32 =	vsel vm1, $0x4, v9;
	v33 =	vsel vm2, $0x4, v9  }
0x1d9: {  	v44 =	vsel vm15, $0x4, v9;
	v45 =	vsel vm3, $0x4, v9;
	v46 =	vsel vm4, $0x4, v9  }
0x1da: {  	v37 =	vsel vm13, $0x4, v9;
	v38 =	vsel vm14, $0x4, v9;
	v12 =	vor.u32 v55, v33  }
0x1db: {  	v14 =	vor.u32 v57, v46;
	v15 =	vor.u32 v59, v31;
	v11 =	vor.u32 v11, v32  }
0x1dc: {  	v16 =	vor.u32 v60, v37;
	v30 =	vor.u32 v62, v44;
	v13 =	vor.u32 v56, v45  }
0x1dd: {  	v29 =	vor.u32 v61, v38;
	v47 =	vor.u32 $0x1, v11;
	v48 =	vor.u32 $0x1, v12  }
0x1de: {  	v49 =	vor.u32 $0x1, v13;
	v50 =	vor.u32 $0x1, v14;
	v51 =	vor.u32 $0x1, v15  }
0x1df: {  	v52 =	vor.u32 $0x1, v30;
	v31 =	vperm.xlane v8, v47;
	v32 =	vperm.xlane v8, v48  }
0x1e0: {  	v37 =	vor.u32 $0x1, v16;
	v34 =	vperm.xlane v8, v50;
	v35 =	vperm.xlane v8, v51  }
0x1e1: {  	v38 =	vor.u32 $0x1, v29;
	v36 =	vperm.xlane v8, v52;
	v33 =	vperm.xlane v8, v49  }
0x1e2: {  	v37 =	vperm.xlane v8, v37;
	v38 =	vperm.xlane v8, v38  }
0x1e3: {  	vm1 =	vlt.f32 v35, v26;
	vm2 =	vlt.f32 v31, v27;
	vm3 =	vlt.f32 v32, v28  }
0x1e4: {  	vm4 =	vlt.f32 v36, v23;
	vm12 =	vlt.f32 v33, v24;
	vm13 =	vlt.f32 v34, v25  }
0x1e5: {  	vm14 =	vlt.f32 v37, v22;
	vm15 =	vlt.f32 v38, v21;
	v53 =	vsel vm3, $0x2, v9  }
0x1e6: {  	v54 =	vsel vm13, $0x2, v9;
	v55 =	vsel vm1, $0x2, v9;
	v56 =	vsel vm2, $0x2, v9  }
0x1e7: {  	v57 =	vsel vm14, $0x2, v9;
	v36 =	vsel vm4, $0x2, v9;
	v59 =	vsel vm12, $0x2, v9  }
0x1e8: {  	v38 =	vsel vm15, $0x2, v9;
	v11 =	vor.u32 v56, v11;
	v12 =	vor.u32 v53, v12  }
0x1e9: {  	v13 =	vor.u32 v59, v13;
	v14 =	vor.u32 v54, v14;
	v15 =	vor.u32 v55, v15  }
0x1ea: {  	v30 =	vor.u32 v36, v30;
	v60 =	vperm.xlane v8, v11;
	v61 =	vperm.xlane v8, v12  }
0x1eb: {  	v16 =	vor.u32 v57, v16;
	v62 =	vperm.xlane v8, v14;
	v63 =	vperm.xlane v8, v15  }
0x1ec: {  	v29 =	vor.u32 v38, v29;
	v17 =	vperm.xlane v8, v30;
	v19 =	vperm.xlane v8, v13  }
0x1ed: {  	v20 =	vperm.xlane v8, v16;
	v8 =	vperm.xlane v8, v29  }
0x1ee: {  	vm1 =	vlt.f32 v61, v28;
	vm2 =	vlt.f32 v62, v25;
	vm3 =	vlt.f32 v63, v26  }
0x1ef: {  	vm4 =	vlt.f32 v60, v27;
	vm12 =	vlt.f32 v20, v22;
	vm13 =	vlt.f32 v17, v23  }
0x1f0: {  	vm14 =	vlt.f32 v19, v24;
	vm15 =	vlt.f32 v8, v21;
	v8 =	vsel vm4, $0x1, v9  }
0x1f1: {  	v40 =	vsel vm1, $0x1, v9;
	v41 =	vsel vm14, $0x1, v9;
	v33 =	vsel vm2, $0x1, v9  }
0x1f2: {  	v34 =	vsel vm3, $0x1, v9;
	v42 =	vsel vm12, $0x1, v9;
	v43 =	vsel vm15, $0x1, v9  }
0x1f3: {  	v44 =	vsel vm13, $0x1, v9;
	v15 =	vor.u32 v34, v15;
	v8 =	vor.u32 v8, v11  }
0x1f4: {  	v11 =	vor.u32 v40, v12;
	v45 =	vor.u32 v41, v13;
	v46 =	vor.u32 v33, v14  }
0x1f5: {  	v47 =	vor.u32 v44, v30;
	v11 =	vperm.xlane v10, v11;
	v15 =	vperm.xlane v10, v15  }
0x1f6: {  	v16 =	vor.u32 v42, v16;
	v8 =	vperm.xlane v10, v8;
	v12 =	vperm.xlane v10, v45  }
0x1f7: {  	v29 =	vor.u32 v43, v29;
	v13 =	vperm.xlane v10, v46;
	v16 =	vperm.xlane v10, v16  }
0x1f8: {  	v14 =	vperm.xlane v10, v47;
	v29 =	vperm.xlane v10, v29  }
0x1f9: {  	v28 =	vmul.f32 v11, v28;
	v30 =	vperm.xlane v16, v0  }
0x1fa: {  	v31 =	vmul.f32 v1, v16;
	v48 =	vperm.xlane v29, v0  }
0x1fb: {  	v49 =	vmul.f32 v1, v29;
	v50 =	vperm.xlane v14, v0  }
0x1fc: {  	v51 =	vmul.f32 v1, v14;
	v52 =	vperm.xlane v12, v0  }
0x1fd: {  	v53 =	vmul.f32 v1, v12;
	v54 =	vperm.xlane v13, v0  }
0x1fe: {  	v55 =	vmul.f32 v1, v13;
	v56 =	vperm.xlane v15, v0  }
0x1ff: {  	v57 =	vmul.f32 v1, v15;
	v59 =	vperm.xlane v8, v0  }
0x200: {  	v60 =	vmul.f32 v1, v8;
	v61 =	vperm.xlane v11, v0  }
0x201: {  	v62 =	vmul.f32 v1, v11;
	v26 =	vmul.f32 v15, v26  }
0x202: {  	v27 =	vmul.f32 v8, v27;
	v24 =	vmul.f32 v12, v24  }
0x203: {  	v25 =	vmul.f32 v13, v25;
	v63 =	vmul.f32 v16, v22  }
0x204: {  	v23 =	vmul.f32 v14, v23;
	v46 =	vmul.f32 v29, v21  }
0x205: {  	v11 =	vmul.f32 v11, v11;
	v15 =	vmul.f32 v15, v15  }
0x206: {  	v8 =	vmul.f32 v8, v8;
	v16 =	vmul.f32 v16, v16  }
0x207: {  	v13 =	vmul.f32 v13, v13;
	v29 =	vmul.f32 v29, v29;
	v30 =	vadd.f32 v30, v31  }
0x208: {  	v12 =	vmul.f32 v12, v12;
	v47 =	vadd.f32 v48, v49;
	v48 =	vadd.f32 v50, v51  }
0x209: {  	v14 =	vmul.f32 v14, v14;
	v49 =	vadd.f32 v52, v53;
	v16 =	vadd.f32 v29, v16  }
0x20a: {  	v50 =	vadd.f32 v54, v55;
	v51 =	vadd.f32 v56, v57;
	v53 =	vperm.xlane v30, v2  }
0x20b: {  	v52 =	vadd.f32 v59, v60;
	v54 =	vmul.f32 v3, v30;
	v55 =	vperm.xlane v47, v2  }
0x20c: {  	v56 =	vadd.f32 v61, v62;
	v31 =	vmul.f32 v3, v47;
	v57 =	vperm.xlane v48, v2  }
0x20d: {  	v21 =	vadd.f32 v46, v63;
	v59 =	vmul.f32 v3, v48;
	v60 =	vperm.xlane v49, v2  }
0x20e: {  	v14 =	vadd.f32 v14, v16;
	v61 =	vmul.f32 v3, v49;
	v39 =	vperm.xlane v51, v2  }
0x20f: {  	v21 =	vadd.f32 v23, v21;
	v40 =	vmul.f32 v3, v51;
	v41 =	vperm.xlane v52, v2  }
0x210: {  	v43 =	vmul.f32 v3, v52;
	v12 =	vadd.f32 v12, v14;
	v42 =	vadd.f32 v53, v54  }
0x211: {  	v44 =	vperm.xlane v56, v2;
	v30 =	vadd.f32 v55, v31;
	v14 =	vadd.f32 v57, v59  }
0x212: {  	v46 =	vmul.f32 v3, v56;
	v45 =	vadd.f32 v60, v61;
	v23 =	vadd.f32 v39, v40  }
0x213: {  	v62 =	vperm.xlane v50, v2;
	v16 =	vadd.f32 v41, v43;
	v12 =	vadd.f32 v13, v12  }
0x214: {  	v63 =	vmul.f32 v3, v50;
	v21 =	vadd.f32 v24, v21;
	v22 =	vadd.f32 v44, v46  }
0x215: {  	v47 =	vperm.xlane v42, v4;
	v48 =	vperm.xlane v14, v4;
	v12 =	vadd.f32 v15, v12  }
0x216: {  	v13 =	vadd.f32 v62, v63;
	v14 =	vmul.f32 v5, v14;
	v50 =	vperm.xlane v45, v4  }
0x217: {  	v52 =	vperm.xlane v23, v4;
	v23 =	vmul.f32 v5, v23;
	v8 =	vadd.f32 v8, v12  }
0x218: {  	v21 =	vadd.f32 v25, v21;
	v53 =	vperm.xlane v16, v4;
	v16 =	vmul.f32 v5, v16  }
0x219: {  	v55 =	vperm.xlane v22, v4;
	v22 =	vmul.f32 v5, v22;
	v8 =	vadd.f32 v11, v8  }
0x21a: {  	v15 =	vmul.f32 v5, v42;
	v51 =	vperm.xlane v13, v4  }
0x21b: {  	v21 =	vadd.f32 v26, v21;
	v14 =	vadd.f32 v48, v14;
	v49 =	vperm.xlane v8, v0  }
0x21c: {  	v13 =	vmul.f32 v5, v13;
	v23 =	vadd.f32 v52, v23;
	v16 =	vadd.f32 v53, v16  }
0x21d: {  	v12 =	vmul.f32 v5, v45;
	v60 =	vperm.xlane v14, v6;
	v8 =	vadd.f32 v49, v8  }
0x21e: {  	v22 =	vadd.f32 v55, v22;
	v14 =	vmul.f32 v7, v14;
	v35 =	vperm.xlane v23, v6  }
0x21f: {  	v15 =	vadd.f32 v47, v15;
	v23 =	vmul.f32 v7, v23;
	v54 =	vperm.xlane v8, v2  }
0x220: {  	v21 =	vadd.f32 v27, v21;
	v37 =	vperm.xlane v16, v6;
	v16 =	vmul.f32 v7, v16  }
0x221: {  	v11 =	vperm.xlane v30, v4;
	v30 =	vmul.f32 v5, v30;
	v8 =	vadd.f32 v54, v8  }
0x222: {  	v13 =	vadd.f32 v51, v13;
	v56 =	vperm.xlane v15, v6;
	v15 =	vmul.f32 v7, v15  }
0x223: {  	v12 =	vadd.f32 v50, v12;
	v21 =	vadd.f32 v28, v21;
	v57 =	vperm.xlane v8, v4  }
0x224: {  	v34 =	vperm.xlane v13, v6;
	v13 =	vmul.f32 v7, v13;
	v14 =	vadd.f32 v60, v14  }
0x225: {  	v23 =	vadd.f32 v35, v23;
	v62 =	vperm.xlane v21, v0;
	v8 =	vadd.f32 v57, v8  }
0x226: {  	v16 =	vadd.f32 v37, v16;
	v11 =	vadd.f32 v11, v30;
	v61 =	vperm.xlane v12, v6  }
0x227: {  	v12 =	vmul.f32 v7, v12;
	v21 =	vadd.f32 v21, v62;
	v63 =	vperm.xlane v8, v6  }
0x228: {  	v15 =	vadd.f32 v56, v15;
	v13 =	vadd.f32 v34, v13;
	v59 =	vperm.xlane v11, v6  }
0x229: {  	v12 =	vadd.f32 v61, v12;
	v36 =	vperm.xlane v21, v2;
	v8 =	vadd.f32 v63, v8  }
0x22a: {  	v11 =	vmul.f32 v7, v11;
	v25 =	vsub.f32 v13, v23;
	v13 =	vadd.f32 v23, v13  }
0x22b: {  	v38 =	vperm.xlane v22, v6;
	v21 =	vadd.f32 v21, v36;
	v8 =	vadd.f32 $9.999999930e-09, v8  }
0x22c: {  	v22 =	vmul.f32 v7, v22;
	v11 =	vadd.f32 v59, v11;
	v41 =	vsub.f32 v14, v12  }
0x22d: {  	v12 =	vadd.f32 v12, v14;
	v39 =	vperm.xlane v21, v4;
	(erf) = vrcp.f32 v8  }
0x22e: {  	v40 =	vsub.f32 v15, v11;
	v11 =	vadd.f32 v11, v15  }
0x22f: {  	v21 =	vadd.f32 v21, v39;
	v8 =	vadd.f32 v38, v22  }
0x230: {  	v43 =	vsub.f32 v40, v41;
	v15 =	vadd.f32 v12, v11  }
0x231: {  	v46 =	vadd.f32 v41, v40;
	v42 =	vperm.xlane v21, v6;
	v26 =	vsub.f32 v16, v8  }
0x232: {  	v11 =	vsub.f32 v11, v12;
	v8 =	vadd.f32 v8, v16  }
0x233: {  	v17 =	vld [tilespmem:$0x1FFF0];
	v21 =	vadd.f32 v21, v42;
	v44 =	vsub.f32 v25, v26  }
0x234: {  	v53 =	vld [tilespmem:$0x1FF80];
	v47 =	vadd.f32 v8, v13;
	v8 =	vsub.f32 v13, v8  }
0x235: {  	v55 =	vld [tilespmem:$0x1FF90];
	v49 =	vadd.f32 v26, v25;
	v45 =	vsub.f32 v43, v44  }
0x236: {  	v52 =	vadd.f32 v8, v11;
	v8 =	vsub.f32 v11, v8;
	v11 =	vld [tilespmem:$0x1FFC0];
	v48 =	vpop (erf)  }
0x237: {  	v61 =	vld [tilespmem:$0x1FFD0];
	v50 =	vadd.f32 v47, v15;
	v21 =	vmul.f32 v48, v21  }
0x238: {  	v63 =	vld [tilespmem:$0x1FFE0];
	v51 =	vadd.f32 v49, v46;
	v14 =	vmul.f32 v45, v17  }
0x239: {  	v56 =	vld [tilespmem:$0x1FFA0];
	v15 =	vsub.f32 v15, v47;
	v13 =	vmul.f32 v50, v53;
	v20 =	vsel vm0, v18, v21  }
0x23a: {  	v57 =	vld [tilespmem:$0x1FFB0];
	v12 =	vsub.f32 v46, v49;
	v23 =	vmul.f32 v51, v55;
	v14 =	vmul.f32 v14, v20  }
0x23b: {  	v11 =	vmul.f32 v15, v11;
	v13 =	vmul.f32 v13, v20  }
0x23c: {  	v12 =	vmul.f32 v12, v61;
	v59 =	vmul.f32 v23, v20;
	[tilespmem:s14+$0x2170] =	vst v14  }
0x23d: {  	v54 =	vadd.f32 v44, v43;
	v8 =	vmul.f32 v8, v63;
	v11 =	vmul.f32 v11, v20;
	[tilespmem:s14+$0x2100] =	vst v13  }
0x23e: {  	v21 =	vmul.f32 v52, v56;
	v12 =	vmul.f32 v12, v20;
	[tilespmem:s14+$0x2110] =	vst v59  }
0x23f: {  	v8 =	vmul.f32 v8, v20;
	v14 =	vmul.f32 v54, v57;
	[tilespmem:s14+$0x2140] =	vst v11  }
0x240: {  	v60 =	vmul.f32 v21, v20;
	[tilespmem:s14+$0x2150] =	vst v12  }
0x241: {  	s12 =	sadd.s32 $0x1, s12;
	[tilespmem:s14+$0x2160] =	vst v8;
	v62 =	vmul.f32 v14, v20  }
0x242: {  	p0 =	sne.s32 s12, $0xF;
	[tilespmem:s14+$0x2120] =	vst v60  }
.Ltmp1:
0x243: {  	s13 =	sadd.s32 s5, s13;
	[tilespmem:s14+$0x2130] =	vst v62;
	(pc) =	sbr.rel @p0 .LBB2_2-.Ltmp1, $4  }
0x244: {  	[hbm4b:s13+s1] =	stream.linear.scatter [tilespmem:s10], [sflag:$0x1], $0x2000, $0x38;
	[tilespmem:$0x4100] =	vst v63  }
0x245: {  	_ =	swait.ge [sflag:s8], $0x2000  }
0x246: {  	[sflag:s8] =	ssyncset.done $0x0  }
0x247: {  	[sflag:s8] =	ssyncadd.s32 $0xFFFFE000  }
0x248: {  	s11 =	sadd.s32 $0x1, s11  }
0x249: {  	p0 =	sne.s32 s11, s7  }
.Ltmp2:
0x24a: {  	_ = 	snop;
	(pc) =	sbr.rel @p0 .LBB2_1-.Ltmp2, $1  }
0x24b: {  	_ =	sdelay $0x3  }
0x24c: {  	_ =	sfence.sel $0x180000  }
0x24d: {  	[bflag:$0x0] =	sbarrier.arrive $0xFFFF  }
0x24e: {  	p0 =	sne.s32 s2, $0x0;
	_ =	strace $0x90000047  }
0x24f: {  	s0 =	sadd.s32 @!p0 $0x100000, s0;
	[bflag:$0x2] =	sbarrier.arrive $0xFFFF  }
0x250: {  	[sflag:s0] =	ssyncadd.tile.s32 @!p0 $0x1;
	_ =	shalt  }
.Lfunc_end2:
_tile_overlayer_lowered:
.L_overlay_start_2:
0x251: {  	(tag) =	ssettag $0x2  }
0x252: {  	s0 =	rddreg [dreg:$0x0];
	s2 =	stileid.u32  }
0x253: {  	s1 =	rddreg [dreg:$0x1];
	p0 =	sne.s32 s2, $0x0  }
0x254: {  	s3 =	rddreg [dreg:$0x2];
	[bflag:$0x3] =	sbarrier.arrive $0xFFFF;
	s2 =	simm.s32 @!p0 $0x1C01  }
0x255: {  	[timem:s3], [sflag:s2] =	dma.local @!p0 [hbm:s0], s1  }
0x256: {  	s0 =	simm.s32 @!p0 $0x1  }
0x257: {  	_ =	swait.ge @!p0 [sflag:s0], s1  }
0x258: {  	s1 =	ssub.s32 @!p0 $0x0, s1;
	[sflag:s0] =	ssyncset.done @!p0 $0x0  }
0x259: {  	[sflag:s0] =	ssyncadd.s32 @!p0 s1  }
0x25a: {  	[bflag:$0x3] =	sbarrier.arrive $0xFFFF  }
0x25b: {  	_ =	shalt  }

</sc_bundles>
